<compile_context>
chip_gen: v7x
topology: tpu7x:2x2x1
jax: 0.10.2.dev20260603
libtpu: 0.0.44.dev20260713+nightly
codegen_flags: <defaults>
</compile_context>

<pallas_src>
import functools

import jax
import jax.numpy as jnp
from jax import lax
from jax.experimental import pallas as pl
from jax.experimental.pallas import tpu as pltpu
from jax.experimental.pallas import tpu_sc as plsc

NC = 2
NS = 16
L = 16
NW = NC * NS
NBUF = 4
CH = 5


def _project(emb_table, fc_w, scale):
    V, E = emb_table.shape
    O = fc_w.shape[0]
    emb_t = jnp.transpose(emb_table)
    BLKC = 4096

    PK = 128 // O

    def body(w_ref, emb_ref, out_ref):
        SUB = BLKC // PK
        pieces = []
        for j in range(PK):
            pieces.append(lax.dot_general(
                emb_ref[:, j * SUB:(j + 1) * SUB], w_ref[...],
                (((0,), (1,)), ((), ())),
                preferred_element_type=jnp.float32,
            ) * scale)
        out_ref[...] = jnp.concatenate(pieces, axis=1)

    NBLK = pl.cdiv(V, BLKC)
    p_pk = pl.pallas_call(
        body,
        grid=(NBLK,),
        in_specs=[
            pl.BlockSpec((O, E), lambda i: (0, 0)),
            pl.BlockSpec((E, BLKC), lambda i: (0, i)),
        ],
        out_specs=pl.BlockSpec((BLKC // PK, PK * O), lambda i: (i, 0)),
        out_shape=jax.ShapeDtypeStruct((NBLK * BLKC // PK, PK * O), jnp.float32),
    )(fc_w, emb_t)
    return p_pk.reshape(NBLK * BLKC, O)


def _make_sc_pool(S, B, D):
    BW = B // NW
    assert B % NW == 0 and BW % L == 0 and D == L

    mesh = plsc.VectorSubcoreMesh(core_axis_name="c", subcore_axis_name="s")

    @functools.partial(
        pl.kernel,
        out_type=jax.ShapeDtypeStruct((B, D), jnp.float32),
        mesh=mesh,
        compiler_params=pltpu.CompilerParams(use_tc_tiling_on_sc=False),
        scratch_types=[
            pltpu.VMEM((S // CH, CH * BW), jnp.int32),
            pltpu.VMEM((2 * NBUF, CH * BW, D), jnp.float32),
            pltpu.VMEM((BW, D), jnp.float32),
            pltpu.VMEM((CH * BW,), jnp.int32),
            pltpu.VMEM((L,), jnp.float32),
            pltpu.VMEM_SHARED((CH * NS * BW, D), jnp.float32),
            pltpu.SemaphoreType.DMA((2 * NBUF,)),
            pltpu.SemaphoreType.DMA((2 * NBUF,)),
            pltpu.SemaphoreType.DMA,
        ],
    )
    def sc_pool(text_hbm, p_hbm, b_hbm, out_hbm,
                idx_v, rows_v, stage_v, scat_v, bias_v, acc_sh, gsems, ssems,
                stage_sem):
        cid = lax.axis_index("c")
        sid = lax.axis_index("s")
        wid = sid * NC + cid
        base = wid * BW
        sbase = sid * BW
        NSTEP = S // CH
        NSLOT = 2 * NBUF
        ROUNDS = NSTEP // NSLOT
        assert S % CH == 0 and NSTEP % NSLOT == 0

        def stage_row(r, _):
            s = r // CH
            c = r % CH
            pltpu.async_copy(text_hbm.at[pl.ds(r * B + base, BW)],
                             idx_v.at[s, pl.ds(c * BW, BW)], stage_sem)
            return 0
        lax.fori_loop(0, S, stage_row, 0)
        pltpu.sync_copy(b_hbm, bias_v)
        bias = bias_v[...]

        def stage_drain(r, _):
            pltpu.make_async_copy(
                text_hbm.at[pl.ds(r * B + base, BW)],
                idx_v.at[r // CH, pl.ds((r % CH) * BW, BW)], stage_sem).wait()
            return 0
        lax.fori_loop(0, S, stage_drain, 0)

        def init_row(j, _):
            stage_v[j] = bias
            return 0
        lax.fori_loop(0, BW, init_row, 0)
        pltpu.sync_copy(stage_v, acc_sh.at[pl.ds(sbase, BW)])

        def zero_row(j, _):
            stage_v[j] = jnp.zeros((L,), jnp.float32)
            return 0
        lax.fori_loop(0, BW, zero_row, 0)
        for c in range(1, CH):
            pltpu.sync_copy(stage_v, acc_sh.at[pl.ds(c * NS * BW + sbase, BW)])

        PERB = BW // L
        def init_scat(i, _):
            c = i // PERB
            scat_v[pl.ds(i * L, L)] = (
                lax.iota(jnp.int32, L)
                + (c * (NS * BW) + sbase + (i % PERB) * L))
            return 0
        lax.fori_loop(0, CH * BW // L, init_scat, 0)

        def gather_start(s, slot):
            pltpu.async_copy(p_hbm.at[idx_v.at[s]], rows_v.at[slot],
                             gsems.at[slot])

        def gather_wait(s, slot):
            pltpu.make_async_copy(
                p_hbm.at[idx_v.at[s]], rows_v.at[slot], gsems.at[slot]).wait()

        def scat_start(slot):
            pltpu.async_copy(rows_v.at[slot], acc_sh.at[scat_v],
                             ssems.at[slot], add=True)

        def scat_wait(slot):
            pltpu.make_async_copy(rows_v.at[slot], acc_sh.at[scat_v],
                                  ssems.at[slot]).wait()

        for b in range(NBUF):
            gather_start(b, b)

        for b in range(NSLOT):
            gather_wait(b, b)
            scat_start(b)
            if b + NBUF < NSLOT:
                gather_start(b + NBUF, (b + NBUF) % NSLOT)
            else:
                scat_wait((b + NBUF) % NSLOT)
                gather_start(b + NBUF, (b + NBUF) % NSLOT)

        def steady(k, _):
            s0 = k * NSLOT
            for b in range(NSLOT):
                s = s0 + b
                gather_wait(s, b)
                scat_start(b)
                slot2 = (b + NBUF) % NSLOT
                scat_wait(slot2)
                gather_start(s + NBUF, slot2)
            return 0
        lax.fori_loop(1, ROUNDS - 1, steady, 0)

        s0 = NSTEP - NSLOT
        for b in range(NSLOT):
            s = s0 + b
            gather_wait(s, b)
            scat_start(b)
            if s + NBUF < NSTEP:
                slot2 = (b + NBUF) % NSLOT
                scat_wait(slot2)
                gather_start(s + NBUF, slot2)

        for b in range(NSLOT):
            scat_wait(b)

        for c in range(CH):
            pltpu.sync_copy(acc_sh.at[pl.ds(c * NS * BW + sbase, BW)],
                            rows_v.at[0, pl.ds(c * BW, BW)])

        def sum_banks(j, _):
            acc = rows_v[0, j]
            for c in range(1, CH):
                acc = acc + rows_v[0, c * BW + j]
            stage_v[j] = acc
            return 0
        lax.fori_loop(0, BW, sum_banks, 0)
        pltpu.sync_copy(stage_v, out_hbm.at[pl.ds(base, BW)])

    return sc_pool


def kernel(text, emb_table, fc_w, fc_b):
    S, B = text.shape
    V = emb_table.shape[0]
    D = fc_w.shape[0]
    BLKC, PK = 4096, 128 // D
    SUB = BLKC // PK
    g = jnp.minimum(text.reshape(S * B), jnp.int32(V - 1))
    gidx = ((g // BLKC) * SUB + (g % SUB)) * PK + (g % BLKC) // SUB
    p = _project(emb_table, fc_w, 1.0 / S)
    return _make_sc_pool(S, B, D)(gidx, p, fc_b)

# --- scband reference (transcript-rebuilt; emitter-appended) ---
"""Pipeline reference for scband-fast-text-7799660610274 (READ-ONLY COPY).

The authoritative reference and input builder live on the scoring server;
editing this copy changes nothing except your own understanding.
"""

import jax, jax.numpy as jnp
import numpy as np

VOCAB = 100000
EMBED_DIM = 64
OUTPUT_DIM = 16
PAD_IDX = 0
SEQ_LEN = 200
BATCH = 4096


def setup_inputs(seed: int = 0) -> dict:
    key = jax.random.key(seed)
    k1, k2, k3, k4 = jax.random.split(key, 4)
    text = jax.random.randint(k1, (SEQ_LEN, BATCH), 0, VOCAB, dtype=jnp.int64 if jax.config.jax_enable_x64 else jnp.int32).astype(jnp.int32)
    emb_table = jax.random.normal(k2, (VOCAB, EMBED_DIM), dtype=jnp.float32)
    # nn.Embedding(padding_idx=pad_idx) initializes the padding row to zeros
    emb_table = emb_table.at[PAD_IDX].set(0.0)
    # nn.Linear init: U(-1/sqrt(fan_in), 1/sqrt(fan_in))
    bound = 1.0 / np.sqrt(EMBED_DIM)
    fc_w = jax.random.uniform(k3, (OUTPUT_DIM, EMBED_DIM), minval=-bound, maxval=bound, dtype=jnp.float32)
    fc_b = jax.random.uniform(k4, (OUTPUT_DIM,), minval=-bound, maxval=bound, dtype=jnp.float32)
    return {"text": text, "emb_table": emb_table, "fc_w": fc_w, "fc_b": fc_b}


def reference(text, emb_table, fc_w, fc_b):
    # embedded = self.embedding(batch.text) -> [S, B, D]
    embedded = jnp.take(emb_table, text, axis=0)
    # permute(1, 0, 2) -> [B, S, D]
    embedded = jnp.transpose(embedded, (1, 0, 2))
    # avg_pool2d over (S, 1) then squeeze -> mean over sequence dim -> [B, D]
    pooled = jnp.mean(embedded, axis=1)
    # fc -> [B, OUTPUT_DIM]
    return pooled @ fc_w.T + fc_b

if __name__ == "__main__":
    import jax
    _d = setup_inputs()
    print(jax.jit(kernel)(*tuple(_d.values())))

</pallas_src>

<mosaic_0001>
#map = affine_map<(d0, d1) -> (0)>
#map1 = affine_map<(d0, d1) -> (0, 0)>
module attributes {stable_mosaic.version = 14 : i64} {
  func.func @sc_pool(%arg0: i32, %arg1: i32, %arg2: memref<819200xi32, #tpu.memory_space<hbm>>, %arg3: memref<102400x16xf32, #tpu.memory_space<hbm>>, %arg4: memref<16xf32, #tpu.memory_space<hbm>>, %arg5: memref<4096x16xf32, #tpu.memory_space<hbm>>, %arg6: memref<40x640xi32, #tpu.memory_space<vmem>>, %arg7: memref<8x640x16xf32, #tpu.memory_space<vmem>>, %arg8: memref<128x16xf32, #tpu.memory_space<vmem>>, %arg9: memref<640xi32, #tpu.memory_space<vmem>>, %arg10: memref<16xf32, #tpu.memory_space<vmem>>, %arg11: memref<10240x16xf32, #tpu.memory_space<vmem_shared>>, %arg12: memref<8x!tpu.dma_semaphore, #tpu.memory_space<semaphore_mem>>, %arg13: memref<8x!tpu.dma_semaphore, #tpu.memory_space<semaphore_mem>>, %arg14: memref<!tpu.dma_semaphore, #tpu.memory_space<semaphore_mem>>) attributes {dimension_semantics = [#tpu.dimension_semantics<core_parallel>, #tpu.dimension_semantics<subcore_parallel>], iteration_bounds = array<i64: 2, 16>, scalar_prefetch = 0 : i64, scratch_operands = 9 : i64, tpu.core_type = #tpu.core_type<sc_vector_subcore>, window_params = [{transform_indices = #map}, {transform_indices = #map1}, {transform_indices = #map}, {transform_indices = #map1}]} {
    %mul3A = arith.constant 2 : i32
    %mul3A_0 = arith.muli %arg1, %mul3A : i32
    %add3A = arith.addi %mul3A_0, %arg0 : i32
    %mul3A_1 = arith.constant 128 : i32
    %mul3A_2 = arith.muli %add3A, %mul3A_1 : i32
    %mul3A_3 = arith.constant 128 : i32
    %mul3A_4 = arith.muli %arg1, %mul3A_3 : i32
    %scan3A = arith.constant 0 : i32
    %scan3A_5 = arith.constant 0 : i32
    %scan3A_6 = arith.constant 200 : i32
    %scan3A_7 = arith.addi %scan3A_5, %scan3A_6 : i32
    %scan3A_8 = arith.constant 1 : i32
    %scan3A_9 = scf.for %scan3A_907 = %scan3A_5 to %scan3A_7 step %scan3A_8 iter_args(%scan3A_908 = %scan3A) -> (i32)  : i32 {
      %jit3A = arith.constant 5 : i32
      %div3A = arith.divsi %scan3A_907, %jit3A : i32
      %sign3A = arith.constant 0 : i32
      %sign3A_909 = arith.cmpi sgt, %scan3A_907, %sign3A : i32
      %sign3A_910 = arith.extui %sign3A_909 : i1 to i32
      %sign3A_911 = arith.constant 0 : i32
      %sign3A_912 = arith.cmpi slt, %scan3A_907, %sign3A_911 : i32
      %sign3A_913 = arith.extui %sign3A_912 : i1 to i32
      %sign3A_914 = arith.subi %sign3A_910, %sign3A_913 : i32
      %sign3A_915 = arith.constant 0 : i32
      %sign3A_916 = arith.cmpi sgt, %jit3A, %sign3A_915 : i32
      %sign3A_917 = arith.extui %sign3A_916 : i1 to i32
      %sign3A_918 = arith.constant 0 : i32
      %sign3A_919 = arith.cmpi slt, %jit3A, %sign3A_918 : i32
      %sign3A_920 = arith.extui %sign3A_919 : i1 to i32
      %sign3A_921 = arith.subi %sign3A_917, %sign3A_920 : i32
      %ne3A = arith.cmpi ne, %sign3A_914, %sign3A_921 : i32
      %rem3A = arith.remsi %scan3A_907, %jit3A : i32
      %ne3A_922 = arith.constant 0 : i32
      %ne3A_923 = arith.cmpi ne, %rem3A, %ne3A_922 : i32
      %and3A = arith.andi %ne3A, %ne3A_923 : i1
      %sub3A = arith.constant 1 : i32
      %sub3A_924 = arith.subi %div3A, %sub3A : i32
      %select_n3A = arith.select %and3A, %sub3A_924, %div3A : i32
      %jit3A_925 = arith.constant 5 : i32
      %eq3A = arith.constant 0 : i32
      %eq3A_926 = arith.cmpi eq, %jit3A_925, %eq3A : i32
      %jit3A_927 = arith.constant 1 : i32
      %select_n3A_928 = arith.select %eq3A_926, %jit3A_927, %jit3A_925 : i32
      %rem3A_929 = arith.remsi %scan3A_907, %select_n3A_928 : i32
      %ne3A_930 = arith.constant 0 : i32
      %ne3A_931 = arith.cmpi ne, %rem3A_929, %ne3A_930 : i32
      %lt3A = arith.constant 0 : i32
      %lt3A_932 = arith.cmpi slt, %rem3A_929, %lt3A : i32
      %lt3A_933 = arith.constant 0 : i32
      %lt3A_934 = arith.cmpi slt, %select_n3A_928, %lt3A_933 : i32
      %ne3A_935 = arith.xori %lt3A_932, %lt3A_934 : i1
      %and3A_936 = arith.andi %ne3A_935, %ne3A_931 : i1
      %add3A_937 = arith.addi %rem3A_929, %select_n3A_928 : i32
      %select_n3A_938 = arith.select %and3A_936, %add3A_937, %rem3A_929 : i32
      %mul3A_939 = arith.constant 4096 : i32
      %mul3A_940 = arith.muli %scan3A_907, %mul3A_939 : i32
      %add3A_941 = arith.addi %mul3A_940, %mul3A_2 : i32
      %mul3A_942 = arith.constant 128 : i32
      %mul3A_943 = arith.muli %select_n3A_938, %mul3A_942 : i32
      %dma_start3A_944 = tpu.memref_slice %arg6[%select_n3A, %mul3A_943] : memref<40x640xi32, #tpu.memory_space<vmem>> -> memref<1x128xi32, #tpu.memory_space<vmem>>
      %dma_start3A_945 = tpu.memref_squeeze %dma_start3A_944 : memref<1x128xi32, #tpu.memory_space<vmem>> -> memref<128xi32, #tpu.memory_space<vmem>>
      %dma_start3A_946 = tpu.memref_slice %arg2[%add3A_941] : memref<819200xi32, #tpu.memory_space<hbm>> -> memref<128xi32, #tpu.memory_space<hbm>>
      %dma_start3A_947 = tpu.memref_slice %arg6[%select_n3A, %mul3A_943] : memref<40x640xi32, #tpu.memory_space<vmem>> -> memref<1x128xi32, #tpu.memory_space<vmem>>
      %dma_start3A_948 = tpu.memref_squeeze %dma_start3A_947 : memref<1x128xi32, #tpu.memory_space<vmem>> -> memref<128xi32, #tpu.memory_space<vmem>>
      %dma_start3A_949 = tpu.memref_slice %arg2[%add3A_941] : memref<819200xi32, #tpu.memory_space<hbm>> -> memref<128xi32, #tpu.memory_space<hbm>>
      tpu.enqueue_dma source(%dma_start3A_949 : memref<128xi32, #tpu.memory_space<hbm>>) target(%dma_start3A_948 : memref<128xi32, #tpu.memory_space<vmem>>) target_semaphore(%arg14 : memref<!tpu.dma_semaphore, #tpu.memory_space<semaphore_mem>>)
      %scan3A_950 = arith.constant 0 : i32
      scf.yield %scan3A_950 : i32
    }
    %scan3A_10 = arith.constant 200 : i32
    "tpu.region"() ({
      %run_scoped3A_907 = tpu.sem_alloc : memref<!tpu.dma_semaphore, #tpu.memory_space<semaphore_mem>>
      tpu.enqueue_dma source(%arg4 : memref<16xf32, #tpu.memory_space<hbm>>) target(%arg10 : memref<16xf32, #tpu.memory_space<vmem>>) target_semaphore(%run_scoped3A_907 : memref<!tpu.dma_semaphore, #tpu.memory_space<semaphore_mem>>)
      tpu.wait_dma2 semaphore(%run_scoped3A_907 : memref<!tpu.dma_semaphore, #tpu.memory_space<semaphore_mem>>) src(%arg4 : memref<16xf32, #tpu.memory_space<hbm>>) dst(%arg10 : memref<16xf32, #tpu.memory_space<vmem>>)
      tpu.yield
    }) : () -> ()
    %get3A = arith.constant 0 : index
    %get3A_11 = tpu.vector_load %arg10[%get3A] {strides = array<i32>} : memref<16xf32, #tpu.memory_space<vmem>>, vector<16xf32>,
    %get3A_12 = vector.shape_cast %get3A_11 : vector<16xf32> to vector<16xf32>
    %scan3A_13 = arith.constant 0 : i32
    %scan3A_14 = arith.constant 0 : i32
    %scan3A_15 = arith.constant 200 : i32
    %scan3A_16 = arith.addi %scan3A_14, %scan3A_15 : i32
    %scan3A_17 = arith.constant 1 : i32
    %scan3A_18 = scf.for %scan3A_907 = %scan3A_14 to %scan3A_16 step %scan3A_17 iter_args(%scan3A_908 = %scan3A_13) -> (i32)  : i32 {
      %mul3A_909 = arith.constant 4096 : i32
      %mul3A_910 = arith.muli %scan3A_907, %mul3A_909 : i32
      %add3A_911 = arith.addi %mul3A_910, %mul3A_2 : i32
      %jit3A = arith.constant 5 : i32
      %div3A = arith.divsi %scan3A_907, %jit3A : i32
      %sign3A = arith.constant 0 : i32
      %sign3A_912 = arith.cmpi sgt, %scan3A_907, %sign3A : i32
      %sign3A_913 = arith.extui %sign3A_912 : i1 to i32
      %sign3A_914 = arith.constant 0 : i32
      %sign3A_915 = arith.cmpi slt, %scan3A_907, %sign3A_914 : i32
      %sign3A_916 = arith.extui %sign3A_915 : i1 to i32
      %sign3A_917 = arith.subi %sign3A_913, %sign3A_916 : i32
      %sign3A_918 = arith.constant 0 : i32
      %sign3A_919 = arith.cmpi sgt, %jit3A, %sign3A_918 : i32
      %sign3A_920 = arith.extui %sign3A_919 : i1 to i32
      %sign3A_921 = arith.constant 0 : i32
      %sign3A_922 = arith.cmpi slt, %jit3A, %sign3A_921 : i32
      %sign3A_923 = arith.extui %sign3A_922 : i1 to i32
      %sign3A_924 = arith.subi %sign3A_920, %sign3A_923 : i32
      %ne3A = arith.cmpi ne, %sign3A_917, %sign3A_924 : i32
      %rem3A = arith.remsi %scan3A_907, %jit3A : i32
      %ne3A_925 = arith.constant 0 : i32
      %ne3A_926 = arith.cmpi ne, %rem3A, %ne3A_925 : i32
      %and3A = arith.andi %ne3A, %ne3A_926 : i1
      %sub3A = arith.constant 1 : i32
      %sub3A_927 = arith.subi %div3A, %sub3A : i32
      %select_n3A = arith.select %and3A, %sub3A_927, %div3A : i32
      %jit3A_928 = arith.constant 5 : i32
      %eq3A = arith.constant 0 : i32
      %eq3A_929 = arith.cmpi eq, %jit3A_928, %eq3A : i32
      %jit3A_930 = arith.constant 1 : i32
      %select_n3A_931 = arith.select %eq3A_929, %jit3A_930, %jit3A_928 : i32
      %rem3A_932 = arith.remsi %scan3A_907, %select_n3A_931 : i32
      %ne3A_933 = arith.constant 0 : i32
      %ne3A_934 = arith.cmpi ne, %rem3A_932, %ne3A_933 : i32
      %lt3A = arith.constant 0 : i32
      %lt3A_935 = arith.cmpi slt, %rem3A_932, %lt3A : i32
      %lt3A_936 = arith.constant 0 : i32
      %lt3A_937 = arith.cmpi slt, %select_n3A_931, %lt3A_936 : i32
      %ne3A_938 = arith.xori %lt3A_935, %lt3A_937 : i1
      %and3A_939 = arith.andi %ne3A_938, %ne3A_934 : i1
      %add3A_940 = arith.addi %rem3A_932, %select_n3A_931 : i32
      %select_n3A_941 = arith.select %and3A_939, %add3A_940, %rem3A_932 : i32
      %mul3A_942 = arith.constant 128 : i32
      %mul3A_943 = arith.muli %select_n3A_941, %mul3A_942 : i32
      %dma_wait3A_944 = tpu.memref_slice %arg6[%select_n3A, %mul3A_943] : memref<40x640xi32, #tpu.memory_space<vmem>> -> memref<1x128xi32, #tpu.memory_space<vmem>>
      %dma_wait3A_945 = tpu.memref_squeeze %dma_wait3A_944 : memref<1x128xi32, #tpu.memory_space<vmem>> -> memref<128xi32, #tpu.memory_space<vmem>>
      %dma_wait3A_946 = tpu.memref_slice %arg2[%add3A_911] : memref<819200xi32, #tpu.memory_space<hbm>> -> memref<128xi32, #tpu.memory_space<hbm>>
      %dma_wait3A_947 = tpu.memref_slice %arg6[%select_n3A, %mul3A_943] : memref<40x640xi32, #tpu.memory_space<vmem>> -> memref<1x128xi32, #tpu.memory_space<vmem>>
      %dma_wait3A_948 = tpu.memref_squeeze %dma_wait3A_947 : memref<1x128xi32, #tpu.memory_space<vmem>> -> memref<128xi32, #tpu.memory_space<vmem>>
      %dma_wait3A_949 = tpu.memref_slice %arg2[%add3A_911] : memref<819200xi32, #tpu.memory_space<hbm>> -> memref<128xi32, #tpu.memory_space<hbm>>
      tpu.wait_dma2 semaphore(%arg14 : memref<!tpu.dma_semaphore, #tpu.memory_space<semaphore_mem>>) src(%dma_wait3A_949 : memref<128xi32, #tpu.memory_space<hbm>>) dst(%dma_wait3A_948 : memref<128xi32, #tpu.memory_space<vmem>>)
      %scan3A_950 = arith.constant 0 : i32
      scf.yield %scan3A_950 : i32
    }
    %scan3A_19 = arith.constant 200 : i32
    %scan3A_20 = arith.constant 0 : i32
    %scan3A_21 = arith.constant 0 : i32
    %scan3A_22 = arith.constant 128 : i32
    %scan3A_23 = arith.addi %scan3A_21, %scan3A_22 : i32
    %scan3A_24 = arith.constant 1 : i32
    %scan3A_25 = scf.for %scan3A_907 = %scan3A_21 to %scan3A_23 step %scan3A_24 iter_args(%scan3A_908 = %scan3A_20) -> (i32)  : i32 {
      %swap3A = arith.index_cast %scan3A_907 : i32 to index
      %swap3A_909 = arith.constant 0 : index
      %swap3A_910 = tpu.vector_load %arg8[%swap3A, %swap3A_909] {strides = array<i32>} : memref<128x16xf32, #tpu.memory_space<vmem>>, vector<1x16xf32>,
      %swap3A_911 = vector.shape_cast %swap3A_910 : vector<1x16xf32> to vector<16xf32>
      %swap3A_912 = vector.shape_cast %get3A_12 : vector<16xf32> to vector<1x16xf32>
      tpu.vector_store %arg8[%swap3A, %swap3A_909], %swap3A_912 {strides = array<i32>} : memref<128x16xf32, #tpu.memory_space<vmem>>, vector<1x16xf32>,
      %scan3A_913 = arith.constant 0 : i32
      scf.yield %scan3A_913 : i32
    }
    %scan3A_26 = arith.constant 128 : i32
    "tpu.region"() ({
      %run_scoped3A_907 = tpu.sem_alloc : memref<!tpu.dma_semaphore, #tpu.memory_space<semaphore_mem>>
      %dma_start3A_908 = arith.constant 0 : i32
      %dma_start3A_909 = tpu.memref_slice %arg11[%mul3A_4, %dma_start3A_908] : memref<10240x16xf32, #tpu.memory_space<vmem_shared>> -> memref<128x16xf32, #tpu.memory_space<vmem_shared>>
      %dma_start3A_910 = arith.constant 0 : i32
      %dma_start3A_911 = tpu.memref_slice %arg11[%mul3A_4, %dma_start3A_910] : memref<10240x16xf32, #tpu.memory_space<vmem_shared>> -> memref<128x16xf32, #tpu.memory_space<vmem_shared>>
      tpu.enqueue_dma source(%arg8 : memref<128x16xf32, #tpu.memory_space<vmem>>) target(%dma_start3A_911 : memref<128x16xf32, #tpu.memory_space<vmem_shared>>) target_semaphore(%run_scoped3A_907 : memref<!tpu.dma_semaphore, #tpu.memory_space<semaphore_mem>>)
      %dma_wait3A_912 = arith.constant 0 : i32
      %dma_wait3A_913 = tpu.memref_slice %arg11[%mul3A_4, %dma_wait3A_912] : memref<10240x16xf32, #tpu.memory_space<vmem_shared>> -> memref<128x16xf32, #tpu.memory_space<vmem_shared>>
      %dma_wait3A_914 = arith.constant 0 : i32
      %dma_wait3A_915 = tpu.memref_slice %arg11[%mul3A_4, %dma_wait3A_914] : memref<10240x16xf32, #tpu.memory_space<vmem_shared>> -> memref<128x16xf32, #tpu.memory_space<vmem_shared>>
      tpu.wait_dma2 semaphore(%run_scoped3A_907 : memref<!tpu.dma_semaphore, #tpu.memory_space<semaphore_mem>>) src(%arg8 : memref<128x16xf32, #tpu.memory_space<vmem>>) dst(%dma_wait3A_915 : memref<128x16xf32, #tpu.memory_space<vmem_shared>>)
      tpu.yield
    }) : () -> ()
    %scan3A_27 = arith.constant 0 : i32
    %scan3A_28 = arith.constant 0 : i32
    %scan3A_29 = arith.constant 128 : i32
    %scan3A_30 = arith.addi %scan3A_28, %scan3A_29 : i32
    %scan3A_31 = arith.constant 1 : i32
    %scan3A_32 = scf.for %scan3A_907 = %scan3A_28 to %scan3A_30 step %scan3A_31 iter_args(%scan3A_908 = %scan3A_27) -> (i32)  : i32 {
      %broadcast_in_dim3A = arith.constant 0.000000e+00 : f32
      %broadcast_in_dim3A_909 = vector.broadcast %broadcast_in_dim3A : f32 to vector<16xf32>
      %swap3A = arith.index_cast %scan3A_907 : i32 to index
      %swap3A_910 = arith.constant 0 : index
      %swap3A_911 = tpu.vector_load %arg8[%swap3A, %swap3A_910] {strides = array<i32>} : memref<128x16xf32, #tpu.memory_space<vmem>>, vector<1x16xf32>,
      %swap3A_912 = vector.shape_cast %swap3A_911 : vector<1x16xf32> to vector<16xf32>
      %swap3A_913 = vector.shape_cast %broadcast_in_dim3A_909 : vector<16xf32> to vector<1x16xf32>
      tpu.vector_store %arg8[%swap3A, %swap3A_910], %swap3A_913 {strides = array<i32>} : memref<128x16xf32, #tpu.memory_space<vmem>>, vector<1x16xf32>,
      %scan3A_914 = arith.constant 0 : i32
      scf.yield %scan3A_914 : i32
    }
    %scan3A_33 = arith.constant 128 : i32
    %add3A_34 = arith.constant 2048 : i32
    %add3A_35 = arith.addi %add3A_34, %mul3A_4 : i32
    "tpu.region"() ({
      %run_scoped3A_907 = tpu.sem_alloc : memref<!tpu.dma_semaphore, #tpu.memory_space<semaphore_mem>>
      %dma_start3A_908 = arith.constant 0 : i32
      %dma_start3A_909 = tpu.memref_slice %arg11[%add3A_35, %dma_start3A_908] : memref<10240x16xf32, #tpu.memory_space<vmem_shared>> -> memref<128x16xf32, #tpu.memory_space<vmem_shared>>
      %dma_start3A_910 = arith.constant 0 : i32
      %dma_start3A_911 = tpu.memref_slice %arg11[%add3A_35, %dma_start3A_910] : memref<10240x16xf32, #tpu.memory_space<vmem_shared>> -> memref<128x16xf32, #tpu.memory_space<vmem_shared>>
      tpu.enqueue_dma source(%arg8 : memref<128x16xf32, #tpu.memory_space<vmem>>) target(%dma_start3A_911 : memref<128x16xf32, #tpu.memory_space<vmem_shared>>) target_semaphore(%run_scoped3A_907 : memref<!tpu.dma_semaphore, #tpu.memory_space<semaphore_mem>>)
      %dma_wait3A_912 = arith.constant 0 : i32
      %dma_wait3A_913 = tpu.memref_slice %arg11[%add3A_35, %dma_wait3A_912] : memref<10240x16xf32, #tpu.memory_space<vmem_shared>> -> memref<128x16xf32, #tpu.memory_space<vmem_shared>>
      %dma_wait3A_914 = arith.constant 0 : i32
      %dma_wait3A_915 = tpu.memref_slice %arg11[%add3A_35, %dma_wait3A_914] : memref<10240x16xf32, #tpu.memory_space<vmem_shared>> -> memref<128x16xf32, #tpu.memory_space<vmem_shared>>
      tpu.wait_dma2 semaphore(%run_scoped3A_907 : memref<!tpu.dma_semaphore, #tpu.memory_space<semaphore_mem>>) src(%arg8 : memref<128x16xf32, #tpu.memory_space<vmem>>) dst(%dma_wait3A_915 : memref<128x16xf32, #tpu.memory_space<vmem_shared>>)
      tpu.yield
    }) : () -> ()
    %add3A_36 = arith.constant 4096 : i32
    %add3A_37 = arith.addi %add3A_36, %mul3A_4 : i32
    "tpu.region"() ({
      %run_scoped3A_907 = tpu.sem_alloc : memref<!tpu.dma_semaphore, #tpu.memory_space<semaphore_mem>>
      %dma_start3A_908 = arith.constant 0 : i32
      %dma_start3A_909 = tpu.memref_slice %arg11[%add3A_37, %dma_start3A_908] : memref<10240x16xf32, #tpu.memory_space<vmem_shared>> -> memref<128x16xf32, #tpu.memory_space<vmem_shared>>
      %dma_start3A_910 = arith.constant 0 : i32
      %dma_start3A_911 = tpu.memref_slice %arg11[%add3A_37, %dma_start3A_910] : memref<10240x16xf32, #tpu.memory_space<vmem_shared>> -> memref<128x16xf32, #tpu.memory_space<vmem_shared>>
      tpu.enqueue_dma source(%arg8 : memref<128x16xf32, #tpu.memory_space<vmem>>) target(%dma_start3A_911 : memref<128x16xf32, #tpu.memory_space<vmem_shared>>) target_semaphore(%run_scoped3A_907 : memref<!tpu.dma_semaphore, #tpu.memory_space<semaphore_mem>>)
      %dma_wait3A_912 = arith.constant 0 : i32
      %dma_wait3A_913 = tpu.memref_slice %arg11[%add3A_37, %dma_wait3A_912] : memref<10240x16xf32, #tpu.memory_space<vmem_shared>> -> memref<128x16xf32, #tpu.memory_space<vmem_shared>>
      %dma_wait3A_914 = arith.constant 0 : i32
      %dma_wait3A_915 = tpu.memref_slice %arg11[%add3A_37, %dma_wait3A_914] : memref<10240x16xf32, #tpu.memory_space<vmem_shared>> -> memref<128x16xf32, #tpu.memory_space<vmem_shared>>
      tpu.wait_dma2 semaphore(%run_scoped3A_907 : memref<!tpu.dma_semaphore, #tpu.memory_space<semaphore_mem>>) src(%arg8 : memref<128x16xf32, #tpu.memory_space<vmem>>) dst(%dma_wait3A_915 : memref<128x16xf32, #tpu.memory_space<vmem_shared>>)
      tpu.yield
    }) : () -> ()
    %add3A_38 = arith.constant 6144 : i32
    %add3A_39 = arith.addi %add3A_38, %mul3A_4 : i32
    "tpu.region"() ({
      %run_scoped3A_907 = tpu.sem_alloc : memref<!tpu.dma_semaphore, #tpu.memory_space<semaphore_mem>>
      %dma_start3A_908 = arith.constant 0 : i32
      %dma_start3A_909 = tpu.memref_slice %arg11[%add3A_39, %dma_start3A_908] : memref<10240x16xf32, #tpu.memory_space<vmem_shared>> -> memref<128x16xf32, #tpu.memory_space<vmem_shared>>
      %dma_start3A_910 = arith.constant 0 : i32
      %dma_start3A_911 = tpu.memref_slice %arg11[%add3A_39, %dma_start3A_910] : memref<10240x16xf32, #tpu.memory_space<vmem_shared>> -> memref<128x16xf32, #tpu.memory_space<vmem_shared>>
      tpu.enqueue_dma source(%arg8 : memref<128x16xf32, #tpu.memory_space<vmem>>) target(%dma_start3A_911 : memref<128x16xf32, #tpu.memory_space<vmem_shared>>) target_semaphore(%run_scoped3A_907 : memref<!tpu.dma_semaphore, #tpu.memory_space<semaphore_mem>>)
      %dma_wait3A_912 = arith.constant 0 : i32
      %dma_wait3A_913 = tpu.memref_slice %arg11[%add3A_39, %dma_wait3A_912] : memref<10240x16xf32, #tpu.memory_space<vmem_shared>> -> memref<128x16xf32, #tpu.memory_space<vmem_shared>>
      %dma_wait3A_914 = arith.constant 0 : i32
      %dma_wait3A_915 = tpu.memref_slice %arg11[%add3A_39, %dma_wait3A_914] : memref<10240x16xf32, #tpu.memory_space<vmem_shared>> -> memref<128x16xf32, #tpu.memory_space<vmem_shared>>
      tpu.wait_dma2 semaphore(%run_scoped3A_907 : memref<!tpu.dma_semaphore, #tpu.memory_space<semaphore_mem>>) src(%arg8 : memref<128x16xf32, #tpu.memory_space<vmem>>) dst(%dma_wait3A_915 : memref<128x16xf32, #tpu.memory_space<vmem_shared>>)
      tpu.yield
    }) : () -> ()
    %add3A_40 = arith.constant 8192 : i32
    %add3A_41 = arith.addi %add3A_40, %mul3A_4 : i32
    "tpu.region"() ({
      %run_scoped3A_907 = tpu.sem_alloc : memref<!tpu.dma_semaphore, #tpu.memory_space<semaphore_mem>>
      %dma_start3A_908 = arith.constant 0 : i32
      %dma_start3A_909 = tpu.memref_slice %arg11[%add3A_41, %dma_start3A_908] : memref<10240x16xf32, #tpu.memory_space<vmem_shared>> -> memref<128x16xf32, #tpu.memory_space<vmem_shared>>
      %dma_start3A_910 = arith.constant 0 : i32
      %dma_start3A_911 = tpu.memref_slice %arg11[%add3A_41, %dma_start3A_910] : memref<10240x16xf32, #tpu.memory_space<vmem_shared>> -> memref<128x16xf32, #tpu.memory_space<vmem_shared>>
      tpu.enqueue_dma source(%arg8 : memref<128x16xf32, #tpu.memory_space<vmem>>) target(%dma_start3A_911 : memref<128x16xf32, #tpu.memory_space<vmem_shared>>) target_semaphore(%run_scoped3A_907 : memref<!tpu.dma_semaphore, #tpu.memory_space<semaphore_mem>>)
      %dma_wait3A_912 = arith.constant 0 : i32
      %dma_wait3A_913 = tpu.memref_slice %arg11[%add3A_41, %dma_wait3A_912] : memref<10240x16xf32, #tpu.memory_space<vmem_shared>> -> memref<128x16xf32, #tpu.memory_space<vmem_shared>>
      %dma_wait3A_914 = arith.constant 0 : i32
      %dma_wait3A_915 = tpu.memref_slice %arg11[%add3A_41, %dma_wait3A_914] : memref<10240x16xf32, #tpu.memory_space<vmem_shared>> -> memref<128x16xf32, #tpu.memory_space<vmem_shared>>
      tpu.wait_dma2 semaphore(%run_scoped3A_907 : memref<!tpu.dma_semaphore, #tpu.memory_space<semaphore_mem>>) src(%arg8 : memref<128x16xf32, #tpu.memory_space<vmem>>) dst(%dma_wait3A_915 : memref<128x16xf32, #tpu.memory_space<vmem_shared>>)
      tpu.yield
    }) : () -> ()
    %scan3A_42 = arith.constant 0 : i32
    %scan3A_43 = arith.constant 0 : i32
    %scan3A_44 = arith.constant 40 : i32
    %scan3A_45 = arith.addi %scan3A_43, %scan3A_44 : i32
    %scan3A_46 = arith.constant 1 : i32
    %scan3A_47 = scf.for %scan3A_907 = %scan3A_43 to %scan3A_45 step %scan3A_46 iter_args(%scan3A_908 = %scan3A_42) -> (i32)  : i32 {
      %jit3A = arith.constant 8 : i32
      %div3A = arith.divsi %scan3A_907, %jit3A : i32
      %sign3A = arith.constant 0 : i32
      %sign3A_909 = arith.cmpi sgt, %scan3A_907, %sign3A : i32
      %sign3A_910 = arith.extui %sign3A_909 : i1 to i32
      %sign3A_911 = arith.constant 0 : i32
      %sign3A_912 = arith.cmpi slt, %scan3A_907, %sign3A_911 : i32
      %sign3A_913 = arith.extui %sign3A_912 : i1 to i32
      %sign3A_914 = arith.subi %sign3A_910, %sign3A_913 : i32
      %sign3A_915 = arith.constant 0 : i32
      %sign3A_916 = arith.cmpi sgt, %jit3A, %sign3A_915 : i32
      %sign3A_917 = arith.extui %sign3A_916 : i1 to i32
      %sign3A_918 = arith.constant 0 : i32
      %sign3A_919 = arith.cmpi slt, %jit3A, %sign3A_918 : i32
      %sign3A_920 = arith.extui %sign3A_919 : i1 to i32
      %sign3A_921 = arith.subi %sign3A_917, %sign3A_920 : i32
      %ne3A = arith.cmpi ne, %sign3A_914, %sign3A_921 : i32
      %rem3A = arith.remsi %scan3A_907, %jit3A : i32
      %ne3A_922 = arith.constant 0 : i32
      %ne3A_923 = arith.cmpi ne, %rem3A, %ne3A_922 : i32
      %and3A = arith.andi %ne3A, %ne3A_923 : i1
      %sub3A = arith.constant 1 : i32
      %sub3A_924 = arith.subi %div3A, %sub3A : i32
      %select_n3A = arith.select %and3A, %sub3A_924, %div3A : i32
      %iota3A = tpu.iota {dimensions = array<i32: 0>} : vector<16xi32>
      %mul3A_925 = arith.constant 2048 : i32
      %mul3A_926 = arith.muli %select_n3A, %mul3A_925 : i32
      %add3A_927 = arith.addi %mul3A_926, %mul3A_4 : i32
      %jit3A_928 = arith.constant 8 : i32
      %eq3A = arith.constant 0 : i32
      %eq3A_929 = arith.cmpi eq, %jit3A_928, %eq3A : i32
      %jit3A_930 = arith.constant 1 : i32
      %select_n3A_931 = arith.select %eq3A_929, %jit3A_930, %jit3A_928 : i32
      %rem3A_932 = arith.remsi %scan3A_907, %select_n3A_931 : i32
      %ne3A_933 = arith.constant 0 : i32
      %ne3A_934 = arith.cmpi ne, %rem3A_932, %ne3A_933 : i32
      %lt3A = arith.constant 0 : i32
      %lt3A_935 = arith.cmpi slt, %rem3A_932, %lt3A : i32
      %lt3A_936 = arith.constant 0 : i32
      %lt3A_937 = arith.cmpi slt, %select_n3A_931, %lt3A_936 : i32
      %ne3A_938 = arith.xori %lt3A_935, %lt3A_937 : i1
      %and3A_939 = arith.andi %ne3A_938, %ne3A_934 : i1
      %add3A_940 = arith.addi %rem3A_932, %select_n3A_931 : i32
      %select_n3A_941 = arith.select %and3A_939, %add3A_940, %rem3A_932 : i32
      %mul3A_942 = arith.constant 16 : i32
      %mul3A_943 = arith.muli %select_n3A_941, %mul3A_942 : i32
      %add3A_944 = arith.addi %add3A_927, %mul3A_943 : i32
      %add3A_945 = vector.broadcast %add3A_944 : i32 to vector<16xi32>
      %add3A_946 = arith.addi %iota3A, %add3A_945 : vector<16xi32>
      %mul3A_947 = arith.constant 16 : i32
      %mul3A_948 = arith.muli %scan3A_907, %mul3A_947 : i32
      %swap3A = arith.index_cast %mul3A_948 : i32 to index
      %swap3A_949 = tpu.vector_load %arg9[%swap3A] {strides = array<i32>} : memref<640xi32, #tpu.memory_space<vmem>>, vector<16xi32>,
      %swap3A_950 = vector.shape_cast %swap3A_949 : vector<16xi32> to vector<16xi32>
      %swap3A_951 = vector.shape_cast %add3A_946 : vector<16xi32> to vector<16xi32>
      tpu.vector_store %arg9[%swap3A], %swap3A_951 {strides = array<i32>} : memref<640xi32, #tpu.memory_space<vmem>>, vector<16xi32>,
      %scan3A_952 = arith.constant 0 : i32
      scf.yield %scan3A_952 : i32
    }
    %scan3A_48 = arith.constant 40 : i32
    %dma_start3A = arith.constant 0 : i32
    %dma_start3A_49 = arith.constant 0 : i32
    %dma_start3A_50 = arith.constant 0 : i32
    %dma_start3A_51 = arith.constant 0 : i32
    %dma_start3A_52 = arith.constant 0 : i32
    %dma_start3A_53 = tpu.memref_slice %arg7[%dma_start3A_49, %dma_start3A_51, %dma_start3A_52] : memref<8x640x16xf32, #tpu.memory_space<vmem>> -> memref<1x640x16xf32, #tpu.memory_space<vmem>>
    %dma_start3A_54 = tpu.memref_squeeze %dma_start3A_53 : memref<1x640x16xf32, #tpu.memory_space<vmem>> -> memref<640x16xf32, #tpu.memory_space<vmem>>
    %dma_start3A_55 = arith.constant 0 : i32
    %dma_start3A_56 = tpu.memref_slice %arg6[%dma_start3A, %dma_start3A_55] : memref<40x640xi32, #tpu.memory_space<vmem>> -> memref<1x640xi32, #tpu.memory_space<vmem>>
    %dma_start3A_57 = tpu.memref_squeeze %dma_start3A_56 : memref<1x640xi32, #tpu.memory_space<vmem>> -> memref<640xi32, #tpu.memory_space<vmem>>
    %dma_start3A_58 = arith.constant 0 : i32
    %dma_start3A_59 = arith.constant 0 : i32
    %dma_start3A_60 = tpu.memref_slice %arg3[%dma_start3A_58, %dma_start3A_59] : memref<102400x16xf32, #tpu.memory_space<hbm>> -> memref<102400x16xf32, #tpu.memory_space<hbm>>
    %dma_start3A_61 = tpu.memref_slice %arg12[%dma_start3A_50] : memref<8x!tpu.dma_semaphore, #tpu.memory_space<semaphore_mem>> -> memref<1x!tpu.dma_semaphore, #tpu.memory_space<semaphore_mem>>
    %dma_start3A_62 = tpu.memref_squeeze %dma_start3A_61 : memref<1x!tpu.dma_semaphore, #tpu.memory_space<semaphore_mem>> -> memref<!tpu.dma_semaphore, #tpu.memory_space<semaphore_mem>>
    tpu.enqueue_indirect_dma source(%dma_start3A_60 : memref<102400x16xf32, #tpu.memory_space<hbm>>) target(%dma_start3A_54 : memref<640x16xf32, #tpu.memory_space<vmem>>) offsets(%dma_start3A_57 : memref<640xi32, #tpu.memory_space<vmem>>) semaphore(%dma_start3A_62 : memref<!tpu.dma_semaphore, #tpu.memory_space<semaphore_mem>>)
    %dma_start3A_63 = arith.constant 1 : i32
    %dma_start3A_64 = arith.constant 1 : i32
    %dma_start3A_65 = arith.constant 1 : i32
    %dma_start3A_66 = arith.constant 0 : i32
    %dma_start3A_67 = arith.constant 0 : i32
    %dma_start3A_68 = tpu.memref_slice %arg7[%dma_start3A_64, %dma_start3A_66, %dma_start3A_67] : memref<8x640x16xf32, #tpu.memory_space<vmem>> -> memref<1x640x16xf32, #tpu.memory_space<vmem>>
    %dma_start3A_69 = tpu.memref_squeeze %dma_start3A_68 : memref<1x640x16xf32, #tpu.memory_space<vmem>> -> memref<640x16xf32, #tpu.memory_space<vmem>>
    %dma_start3A_70 = arith.constant 0 : i32
    %dma_start3A_71 = tpu.memref_slice %arg6[%dma_start3A_63, %dma_start3A_70] : memref<40x640xi32, #tpu.memory_space<vmem>> -> memref<1x640xi32, #tpu.memory_space<vmem>>
    %dma_start3A_72 = tpu.memref_squeeze %dma_start3A_71 : memref<1x640xi32, #tpu.memory_space<vmem>> -> memref<640xi32, #tpu.memory_space<vmem>>
    %dma_start3A_73 = arith.constant 0 : i32
    %dma_start3A_74 = arith.constant 0 : i32
    %dma_start3A_75 = tpu.memref_slice %arg3[%dma_start3A_73, %dma_start3A_74] : memref<102400x16xf32, #tpu.memory_space<hbm>> -> memref<102400x16xf32, #tpu.memory_space<hbm>>
    %dma_start3A_76 = tpu.memref_slice %arg12[%dma_start3A_65] : memref<8x!tpu.dma_semaphore, #tpu.memory_space<semaphore_mem>> -> memref<1x!tpu.dma_semaphore, #tpu.memory_space<semaphore_mem>>
    %dma_start3A_77 = tpu.memref_squeeze %dma_start3A_76 : memref<1x!tpu.dma_semaphore, #tpu.memory_space<semaphore_mem>> -> memref<!tpu.dma_semaphore, #tpu.memory_space<semaphore_mem>>
    tpu.enqueue_indirect_dma source(%dma_start3A_75 : memref<102400x16xf32, #tpu.memory_space<hbm>>) target(%dma_start3A_69 : memref<640x16xf32, #tpu.memory_space<vmem>>) offsets(%dma_start3A_72 : memref<640xi32, #tpu.memory_space<vmem>>) semaphore(%dma_start3A_77 : memref<!tpu.dma_semaphore, #tpu.memory_space<semaphore_mem>>)
    %dma_start3A_78 = arith.constant 2 : i32
    %dma_start3A_79 = arith.constant 2 : i32
    %dma_start3A_80 = arith.constant 2 : i32
    %dma_start3A_81 = arith.constant 0 : i32
    %dma_start3A_82 = arith.constant 0 : i32
    %dma_start3A_83 = tpu.memref_slice %arg7[%dma_start3A_79, %dma_start3A_81, %dma_start3A_82] : memref<8x640x16xf32, #tpu.memory_space<vmem>> -> memref<1x640x16xf32, #tpu.memory_space<vmem>>
    %dma_start3A_84 = tpu.memref_squeeze %dma_start3A_83 : memref<1x640x16xf32, #tpu.memory_space<vmem>> -> memref<640x16xf32, #tpu.memory_space<vmem>>
    %dma_start3A_85 = arith.constant 0 : i32
    %dma_start3A_86 = tpu.memref_slice %arg6[%dma_start3A_78, %dma_start3A_85] : memref<40x640xi32, #tpu.memory_space<vmem>> -> memref<1x640xi32, #tpu.memory_space<vmem>>
    %dma_start3A_87 = tpu.memref_squeeze %dma_start3A_86 : memref<1x640xi32, #tpu.memory_space<vmem>> -> memref<640xi32, #tpu.memory_space<vmem>>
    %dma_start3A_88 = arith.constant 0 : i32
    %dma_start3A_89 = arith.constant 0 : i32
    %dma_start3A_90 = tpu.memref_slice %arg3[%dma_start3A_88, %dma_start3A_89] : memref<102400x16xf32, #tpu.memory_space<hbm>> -> memref<102400x16xf32, #tpu.memory_space<hbm>>
    %dma_start3A_91 = tpu.memref_slice %arg12[%dma_start3A_80] : memref<8x!tpu.dma_semaphore, #tpu.memory_space<semaphore_mem>> -> memref<1x!tpu.dma_semaphore, #tpu.memory_space<semaphore_mem>>
    %dma_start3A_92 = tpu.memref_squeeze %dma_start3A_91 : memref<1x!tpu.dma_semaphore, #tpu.memory_space<semaphore_mem>> -> memref<!tpu.dma_semaphore, #tpu.memory_space<semaphore_mem>>
    tpu.enqueue_indirect_dma source(%dma_start3A_90 : memref<102400x16xf32, #tpu.memory_space<hbm>>) target(%dma_start3A_84 : memref<640x16xf32, #tpu.memory_space<vmem>>) offsets(%dma_start3A_87 : memref<640xi32, #tpu.memory_space<vmem>>) semaphore(%dma_start3A_92 : memref<!tpu.dma_semaphore, #tpu.memory_space<semaphore_mem>>)
    %dma_start3A_93 = arith.constant 3 : i32
    %dma_start3A_94 = arith.constant 3 : i32
    %dma_start3A_95 = arith.constant 3 : i32
    %dma_start3A_96 = arith.constant 0 : i32
    %dma_start3A_97 = arith.constant 0 : i32
    %dma_start3A_98 = tpu.memref_slice %arg7[%dma_start3A_94, %dma_start3A_96, %dma_start3A_97] : memref<8x640x16xf32, #tpu.memory_space<vmem>> -> memref<1x640x16xf32, #tpu.memory_space<vmem>>
    %dma_start3A_99 = tpu.memref_squeeze %dma_start3A_98 : memref<1x640x16xf32, #tpu.memory_space<vmem>> -> memref<640x16xf32, #tpu.memory_space<vmem>>
    %dma_start3A_100 = arith.constant 0 : i32
    %dma_start3A_101 = tpu.memref_slice %arg6[%dma_start3A_93, %dma_start3A_100] : memref<40x640xi32, #tpu.memory_space<vmem>> -> memref<1x640xi32, #tpu.memory_space<vmem>>
    %dma_start3A_102 = tpu.memref_squeeze %dma_start3A_101 : memref<1x640xi32, #tpu.memory_space<vmem>> -> memref<640xi32, #tpu.memory_space<vmem>>
    %dma_start3A_103 = arith.constant 0 : i32
    %dma_start3A_104 = arith.constant 0 : i32
    %dma_start3A_105 = tpu.memref_slice %arg3[%dma_start3A_103, %dma_start3A_104] : memref<102400x16xf32, #tpu.memory_space<hbm>> -> memref<102400x16xf32, #tpu.memory_space<hbm>>
    %dma_start3A_106 = tpu.memref_slice %arg12[%dma_start3A_95] : memref<8x!tpu.dma_semaphore, #tpu.memory_space<semaphore_mem>> -> memref<1x!tpu.dma_semaphore, #tpu.memory_space<semaphore_mem>>
    %dma_start3A_107 = tpu.memref_squeeze %dma_start3A_106 : memref<1x!tpu.dma_semaphore, #tpu.memory_space<semaphore_mem>> -> memref<!tpu.dma_semaphore, #tpu.memory_space<semaphore_mem>>
    tpu.enqueue_indirect_dma source(%dma_start3A_105 : memref<102400x16xf32, #tpu.memory_space<hbm>>) target(%dma_start3A_99 : memref<640x16xf32, #tpu.memory_space<vmem>>) offsets(%dma_start3A_102 : memref<640xi32, #tpu.memory_space<vmem>>) semaphore(%dma_start3A_107 : memref<!tpu.dma_semaphore, #tpu.memory_space<semaphore_mem>>)
    %dma_wait3A = arith.constant 0 : i32
    %dma_wait3A_108 = arith.constant 0 : i32
    %dma_wait3A_109 = arith.constant 0 : i32
    %dma_wait3A_110 = arith.constant 0 : i32
    %dma_wait3A_111 = arith.constant 0 : i32
    %dma_wait3A_112 = tpu.memref_slice %arg7[%dma_wait3A_108, %dma_wait3A_110, %dma_wait3A_111] : memref<8x640x16xf32, #tpu.memory_space<vmem>> -> memref<1x640x16xf32, #tpu.memory_space<vmem>>
    %dma_wait3A_113 = tpu.memref_squeeze %dma_wait3A_112 : memref<1x640x16xf32, #tpu.memory_space<vmem>> -> memref<640x16xf32, #tpu.memory_space<vmem>>
    %dma_wait3A_114 = arith.constant 0 : i32
    %dma_wait3A_115 = tpu.memref_slice %arg6[%dma_wait3A, %dma_wait3A_114] : memref<40x640xi32, #tpu.memory_space<vmem>> -> memref<1x640xi32, #tpu.memory_space<vmem>>
    %dma_wait3A_116 = tpu.memref_squeeze %dma_wait3A_115 : memref<1x640xi32, #tpu.memory_space<vmem>> -> memref<640xi32, #tpu.memory_space<vmem>>
    %dma_wait3A_117 = arith.constant 0 : i32
    %dma_wait3A_118 = arith.constant 0 : i32
    %dma_wait3A_119 = tpu.memref_slice %arg3[%dma_wait3A_117, %dma_wait3A_118] : memref<102400x16xf32, #tpu.memory_space<hbm>> -> memref<102400x16xf32, #tpu.memory_space<hbm>>
    %dma_wait3A_120 = tpu.memref_slice %arg12[%dma_wait3A_109] : memref<8x!tpu.dma_semaphore, #tpu.memory_space<semaphore_mem>> -> memref<1x!tpu.dma_semaphore, #tpu.memory_space<semaphore_mem>>
    %dma_wait3A_121 = tpu.memref_squeeze %dma_wait3A_120 : memref<1x!tpu.dma_semaphore, #tpu.memory_space<semaphore_mem>> -> memref<!tpu.dma_semaphore, #tpu.memory_space<semaphore_mem>>
    tpu.wait_indirect_dma semaphore(%dma_wait3A_121 : memref<!tpu.dma_semaphore, #tpu.memory_space<semaphore_mem>>) src(%dma_wait3A_119 : memref<102400x16xf32, #tpu.memory_space<hbm>>) dst(%dma_wait3A_113 : memref<640x16xf32, #tpu.memory_space<vmem>>)
    %dma_start3A_122 = arith.constant 0 : i32
    %dma_start3A_123 = arith.constant 0 : i32
    %dma_start3A_124 = arith.constant 0 : i32
    %dma_start3A_125 = arith.constant 0 : i32
    %dma_start3A_126 = tpu.memref_slice %arg7[%dma_start3A_122, %dma_start3A_124, %dma_start3A_125] : memref<8x640x16xf32, #tpu.memory_space<vmem>> -> memref<1x640x16xf32, #tpu.memory_space<vmem>>
    %dma_start3A_127 = tpu.memref_squeeze %dma_start3A_126 : memref<1x640x16xf32, #tpu.memory_space<vmem>> -> memref<640x16xf32, #tpu.memory_space<vmem>>
    %dma_start3A_128 = arith.constant 0 : i32
    %dma_start3A_129 = arith.constant 0 : i32
    %dma_start3A_130 = tpu.memref_slice %arg11[%dma_start3A_128, %dma_start3A_129] : memref<10240x16xf32, #tpu.memory_space<vmem_shared>> -> memref<10240x16xf32, #tpu.memory_space<vmem_shared>>
    %dma_start3A_131 = tpu.memref_slice %arg13[%dma_start3A_123] : memref<8x!tpu.dma_semaphore, #tpu.memory_space<semaphore_mem>> -> memref<1x!tpu.dma_semaphore, #tpu.memory_space<semaphore_mem>>
    %dma_start3A_132 = tpu.memref_squeeze %dma_start3A_131 : memref<1x!tpu.dma_semaphore, #tpu.memory_space<semaphore_mem>> -> memref<!tpu.dma_semaphore, #tpu.memory_space<semaphore_mem>>
    tpu.enqueue_indirect_dma source(%dma_start3A_127 : memref<640x16xf32, #tpu.memory_space<vmem>>) target(%dma_start3A_130 : memref<10240x16xf32, #tpu.memory_space<vmem_shared>>) offsets(%arg9 : memref<640xi32, #tpu.memory_space<vmem>>) semaphore(%dma_start3A_132 : memref<!tpu.dma_semaphore, #tpu.memory_space<semaphore_mem>>) {add = true}
    %dma_start3A_133 = arith.constant 4 : i32
    %dma_start3A_134 = arith.constant 4 : i32
    %dma_start3A_135 = arith.constant 4 : i32
    %dma_start3A_136 = arith.constant 0 : i32
    %dma_start3A_137 = arith.constant 0 : i32
    %dma_start3A_138 = tpu.memref_slice %arg7[%dma_start3A_134, %dma_start3A_136, %dma_start3A_137] : memref<8x640x16xf32, #tpu.memory_space<vmem>> -> memref<1x640x16xf32, #tpu.memory_space<vmem>>
    %dma_start3A_139 = tpu.memref_squeeze %dma_start3A_138 : memref<1x640x16xf32, #tpu.memory_space<vmem>> -> memref<640x16xf32, #tpu.memory_space<vmem>>
    %dma_start3A_140 = arith.constant 0 : i32
    %dma_start3A_141 = tpu.memref_slice %arg6[%dma_start3A_133, %dma_start3A_140] : memref<40x640xi32, #tpu.memory_space<vmem>> -> memref<1x640xi32, #tpu.memory_space<vmem>>
    %dma_start3A_142 = tpu.memref_squeeze %dma_start3A_141 : memref<1x640xi32, #tpu.memory_space<vmem>> -> memref<640xi32, #tpu.memory_space<vmem>>
    %dma_start3A_143 = arith.constant 0 : i32
    %dma_start3A_144 = arith.constant 0 : i32
    %dma_start3A_145 = tpu.memref_slice %arg3[%dma_start3A_143, %dma_start3A_144] : memref<102400x16xf32, #tpu.memory_space<hbm>> -> memref<102400x16xf32, #tpu.memory_space<hbm>>
    %dma_start3A_146 = tpu.memref_slice %arg12[%dma_start3A_135] : memref<8x!tpu.dma_semaphore, #tpu.memory_space<semaphore_mem>> -> memref<1x!tpu.dma_semaphore, #tpu.memory_space<semaphore_mem>>
    %dma_start3A_147 = tpu.memref_squeeze %dma_start3A_146 : memref<1x!tpu.dma_semaphore, #tpu.memory_space<semaphore_mem>> -> memref<!tpu.dma_semaphore, #tpu.memory_space<semaphore_mem>>
    tpu.enqueue_indirect_dma source(%dma_start3A_145 : memref<102400x16xf32, #tpu.memory_space<hbm>>) target(%dma_start3A_139 : memref<640x16xf32, #tpu.memory_space<vmem>>) offsets(%dma_start3A_142 : memref<640xi32, #tpu.memory_space<vmem>>) semaphore(%dma_start3A_147 : memref<!tpu.dma_semaphore, #tpu.memory_space<semaphore_mem>>)
    %dma_wait3A_148 = arith.constant 1 : i32
    %dma_wait3A_149 = arith.constant 1 : i32
    %dma_wait3A_150 = arith.constant 1 : i32
    %dma_wait3A_151 = arith.constant 0 : i32
    %dma_wait3A_152 = arith.constant 0 : i32
    %dma_wait3A_153 = tpu.memref_slice %arg7[%dma_wait3A_149, %dma_wait3A_151, %dma_wait3A_152] : memref<8x640x16xf32, #tpu.memory_space<vmem>> -> memref<1x640x16xf32, #tpu.memory_space<vmem>>
    %dma_wait3A_154 = tpu.memref_squeeze %dma_wait3A_153 : memref<1x640x16xf32, #tpu.memory_space<vmem>> -> memref<640x16xf32, #tpu.memory_space<vmem>>
    %dma_wait3A_155 = arith.constant 0 : i32
    %dma_wait3A_156 = tpu.memref_slice %arg6[%dma_wait3A_148, %dma_wait3A_155] : memref<40x640xi32, #tpu.memory_space<vmem>> -> memref<1x640xi32, #tpu.memory_space<vmem>>
    %dma_wait3A_157 = tpu.memref_squeeze %dma_wait3A_156 : memref<1x640xi32, #tpu.memory_space<vmem>> -> memref<640xi32, #tpu.memory_space<vmem>>
    %dma_wait3A_158 = arith.constant 0 : i32
    %dma_wait3A_159 = arith.constant 0 : i32
    %dma_wait3A_160 = tpu.memref_slice %arg3[%dma_wait3A_158, %dma_wait3A_159] : memref<102400x16xf32, #tpu.memory_space<hbm>> -> memref<102400x16xf32, #tpu.memory_space<hbm>>
    %dma_wait3A_161 = tpu.memref_slice %arg12[%dma_wait3A_150] : memref<8x!tpu.dma_semaphore, #tpu.memory_space<semaphore_mem>> -> memref<1x!tpu.dma_semaphore, #tpu.memory_space<semaphore_mem>>
    %dma_wait3A_162 = tpu.memref_squeeze %dma_wait3A_161 : memref<1x!tpu.dma_semaphore, #tpu.memory_space<semaphore_mem>> -> memref<!tpu.dma_semaphore, #tpu.memory_space<semaphore_mem>>
    tpu.wait_indirect_dma semaphore(%dma_wait3A_162 : memref<!tpu.dma_semaphore, #tpu.memory_space<semaphore_mem>>) src(%dma_wait3A_160 : memref<102400x16xf32, #tpu.memory_space<hbm>>) dst(%dma_wait3A_154 : memref<640x16xf32, #tpu.memory_space<vmem>>)
    %dma_start3A_163 = arith.constant 1 : i32
    %dma_start3A_164 = arith.constant 1 : i32
    %dma_start3A_165 = arith.constant 0 : i32
    %dma_start3A_166 = arith.constant 0 : i32
    %dma_start3A_167 = tpu.memref_slice %arg7[%dma_start3A_163, %dma_start3A_165, %dma_start3A_166] : memref<8x640x16xf32, #tpu.memory_space<vmem>> -> memref<1x640x16xf32, #tpu.memory_space<vmem>>
    %dma_start3A_168 = tpu.memref_squeeze %dma_start3A_167 : memref<1x640x16xf32, #tpu.memory_space<vmem>> -> memref<640x16xf32, #tpu.memory_space<vmem>>
    %dma_start3A_169 = arith.constant 0 : i32
    %dma_start3A_170 = arith.constant 0 : i32
    %dma_start3A_171 = tpu.memref_slice %arg11[%dma_start3A_169, %dma_start3A_170] : memref<10240x16xf32, #tpu.memory_space<vmem_shared>> -> memref<10240x16xf32, #tpu.memory_space<vmem_shared>>
    %dma_start3A_172 = tpu.memref_slice %arg13[%dma_start3A_164] : memref<8x!tpu.dma_semaphore, #tpu.memory_space<semaphore_mem>> -> memref<1x!tpu.dma_semaphore, #tpu.memory_space<semaphore_mem>>
    %dma_start3A_173 = tpu.memref_squeeze %dma_start3A_172 : memref<1x!tpu.dma_semaphore, #tpu.memory_space<semaphore_mem>> -> memref<!tpu.dma_semaphore, #tpu.memory_space<semaphore_mem>>
    tpu.enqueue_indirect_dma source(%dma_start3A_168 : memref<640x16xf32, #tpu.memory_space<vmem>>) target(%dma_start3A_171 : memref<10240x16xf32, #tpu.memory_space<vmem_shared>>) offsets(%arg9 : memref<640xi32, #tpu.memory_space<vmem>>) semaphore(%dma_start3A_173 : memref<!tpu.dma_semaphore, #tpu.memory_space<semaphore_mem>>) {add = true}
    %dma_start3A_174 = arith.constant 5 : i32
    %dma_start3A_175 = arith.constant 5 : i32
    %dma_start3A_176 = arith.constant 5 : i32
    %dma_start3A_177 = arith.constant 0 : i32
    %dma_start3A_178 = arith.constant 0 : i32
    %dma_start3A_179 = tpu.memref_slice %arg7[%dma_start3A_175, %dma_start3A_177, %dma_start3A_178] : memref<8x640x16xf32, #tpu.memory_space<vmem>> -> memref<1x640x16xf32, #tpu.memory_space<vmem>>
    %dma_start3A_180 = tpu.memref_squeeze %dma_start3A_179 : memref<1x640x16xf32, #tpu.memory_space<vmem>> -> memref<640x16xf32, #tpu.memory_space<vmem>>
    %dma_start3A_181 = arith.constant 0 : i32
    %dma_start3A_182 = tpu.memref_slice %arg6[%dma_start3A_174, %dma_start3A_181] : memref<40x640xi32, #tpu.memory_space<vmem>> -> memref<1x640xi32, #tpu.memory_space<vmem>>
    %dma_start3A_183 = tpu.memref_squeeze %dma_start3A_182 : memref<1x640xi32, #tpu.memory_space<vmem>> -> memref<640xi32, #tpu.memory_space<vmem>>
    %dma_start3A_184 = arith.constant 0 : i32
    %dma_start3A_185 = arith.constant 0 : i32
    %dma_start3A_186 = tpu.memref_slice %arg3[%dma_start3A_184, %dma_start3A_185] : memref<102400x16xf32, #tpu.memory_space<hbm>> -> memref<102400x16xf32, #tpu.memory_space<hbm>>
    %dma_start3A_187 = tpu.memref_slice %arg12[%dma_start3A_176] : memref<8x!tpu.dma_semaphore, #tpu.memory_space<semaphore_mem>> -> memref<1x!tpu.dma_semaphore, #tpu.memory_space<semaphore_mem>>
    %dma_start3A_188 = tpu.memref_squeeze %dma_start3A_187 : memref<1x!tpu.dma_semaphore, #tpu.memory_space<semaphore_mem>> -> memref<!tpu.dma_semaphore, #tpu.memory_space<semaphore_mem>>
    tpu.enqueue_indirect_dma source(%dma_start3A_186 : memref<102400x16xf32, #tpu.memory_space<hbm>>) target(%dma_start3A_180 : memref<640x16xf32, #tpu.memory_space<vmem>>) offsets(%dma_start3A_183 : memref<640xi32, #tpu.memory_space<vmem>>) semaphore(%dma_start3A_188 : memref<!tpu.dma_semaphore, #tpu.memory_space<semaphore_mem>>)
    %dma_wait3A_189 = arith.constant 2 : i32
    %dma_wait3A_190 = arith.constant 2 : i32
    %dma_wait3A_191 = arith.constant 2 : i32
    %dma_wait3A_192 = arith.constant 0 : i32
    %dma_wait3A_193 = arith.constant 0 : i32
    %dma_wait3A_194 = tpu.memref_slice %arg7[%dma_wait3A_190, %dma_wait3A_192, %dma_wait3A_193] : memref<8x640x16xf32, #tpu.memory_space<vmem>> -> memref<1x640x16xf32, #tpu.memory_space<vmem>>
    %dma_wait3A_195 = tpu.memref_squeeze %dma_wait3A_194 : memref<1x640x16xf32, #tpu.memory_space<vmem>> -> memref<640x16xf32, #tpu.memory_space<vmem>>
    %dma_wait3A_196 = arith.constant 0 : i32
    %dma_wait3A_197 = tpu.memref_slice %arg6[%dma_wait3A_189, %dma_wait3A_196] : memref<40x640xi32, #tpu.memory_space<vmem>> -> memref<1x640xi32, #tpu.memory_space<vmem>>
    %dma_wait3A_198 = tpu.memref_squeeze %dma_wait3A_197 : memref<1x640xi32, #tpu.memory_space<vmem>> -> memref<640xi32, #tpu.memory_space<vmem>>
    %dma_wait3A_199 = arith.constant 0 : i32
    %dma_wait3A_200 = arith.constant 0 : i32
    %dma_wait3A_201 = tpu.memref_slice %arg3[%dma_wait3A_199, %dma_wait3A_200] : memref<102400x16xf32, #tpu.memory_space<hbm>> -> memref<102400x16xf32, #tpu.memory_space<hbm>>
    %dma_wait3A_202 = tpu.memref_slice %arg12[%dma_wait3A_191] : memref<8x!tpu.dma_semaphore, #tpu.memory_space<semaphore_mem>> -> memref<1x!tpu.dma_semaphore, #tpu.memory_space<semaphore_mem>>
    %dma_wait3A_203 = tpu.memref_squeeze %dma_wait3A_202 : memref<1x!tpu.dma_semaphore, #tpu.memory_space<semaphore_mem>> -> memref<!tpu.dma_semaphore, #tpu.memory_space<semaphore_mem>>
    tpu.wait_indirect_dma semaphore(%dma_wait3A_203 : memref<!tpu.dma_semaphore, #tpu.memory_space<semaphore_mem>>) src(%dma_wait3A_201 : memref<102400x16xf32, #tpu.memory_space<hbm>>) dst(%dma_wait3A_195 : memref<640x16xf32, #tpu.memory_space<vmem>>)
    %dma_start3A_204 = arith.constant 2 : i32
    %dma_start3A_205 = arith.constant 2 : i32
    %dma_start3A_206 = arith.constant 0 : i32
    %dma_start3A_207 = arith.constant 0 : i32
    %dma_start3A_208 = tpu.memref_slice %arg7[%dma_start3A_204, %dma_start3A_206, %dma_start3A_207] : memref<8x640x16xf32, #tpu.memory_space<vmem>> -> memref<1x640x16xf32, #tpu.memory_space<vmem>>
    %dma_start3A_209 = tpu.memref_squeeze %dma_start3A_208 : memref<1x640x16xf32, #tpu.memory_space<vmem>> -> memref<640x16xf32, #tpu.memory_space<vmem>>
    %dma_start3A_210 = arith.constant 0 : i32
    %dma_start3A_211 = arith.constant 0 : i32
    %dma_start3A_212 = tpu.memref_slice %arg11[%dma_start3A_210, %dma_start3A_211] : memref<10240x16xf32, #tpu.memory_space<vmem_shared>> -> memref<10240x16xf32, #tpu.memory_space<vmem_shared>>
    %dma_start3A_213 = tpu.memref_slice %arg13[%dma_start3A_205] : memref<8x!tpu.dma_semaphore, #tpu.memory_space<semaphore_mem>> -> memref<1x!tpu.dma_semaphore, #tpu.memory_space<semaphore_mem>>
    %dma_start3A_214 = tpu.memref_squeeze %dma_start3A_213 : memref<1x!tpu.dma_semaphore, #tpu.memory_space<semaphore_mem>> -> memref<!tpu.dma_semaphore, #tpu.memory_space<semaphore_mem>>
    tpu.enqueue_indirect_dma source(%dma_start3A_209 : memref<640x16xf32, #tpu.memory_space<vmem>>) target(%dma_start3A_212 : memref<10240x16xf32, #tpu.memory_space<vmem_shared>>) offsets(%arg9 : memref<640xi32, #tpu.memory_space<vmem>>) semaphore(%dma_start3A_214 : memref<!tpu.dma_semaphore, #tpu.memory_space<semaphore_mem>>) {add = true}
    %dma_start3A_215 = arith.constant 6 : i32
    %dma_start3A_216 = arith.constant 6 : i32
    %dma_start3A_217 = arith.constant 6 : i32
    %dma_start3A_218 = arith.constant 0 : i32
    %dma_start3A_219 = arith.constant 0 : i32
    %dma_start3A_220 = tpu.memref_slice %arg7[%dma_start3A_216, %dma_start3A_218, %dma_start3A_219] : memref<8x640x16xf32, #tpu.memory_space<vmem>> -> memref<1x640x16xf32, #tpu.memory_space<vmem>>
    %dma_start3A_221 = tpu.memref_squeeze %dma_start3A_220 : memref<1x640x16xf32, #tpu.memory_space<vmem>> -> memref<640x16xf32, #tpu.memory_space<vmem>>
    %dma_start3A_222 = arith.constant 0 : i32
    %dma_start3A_223 = tpu.memref_slice %arg6[%dma_start3A_215, %dma_start3A_222] : memref<40x640xi32, #tpu.memory_space<vmem>> -> memref<1x640xi32, #tpu.memory_space<vmem>>
    %dma_start3A_224 = tpu.memref_squeeze %dma_start3A_223 : memref<1x640xi32, #tpu.memory_space<vmem>> -> memref<640xi32, #tpu.memory_space<vmem>>
    %dma_start3A_225 = arith.constant 0 : i32
    %dma_start3A_226 = arith.constant 0 : i32
    %dma_start3A_227 = tpu.memref_slice %arg3[%dma_start3A_225, %dma_start3A_226] : memref<102400x16xf32, #tpu.memory_space<hbm>> -> memref<102400x16xf32, #tpu.memory_space<hbm>>
    %dma_start3A_228 = tpu.memref_slice %arg12[%dma_start3A_217] : memref<8x!tpu.dma_semaphore, #tpu.memory_space<semaphore_mem>> -> memref<1x!tpu.dma_semaphore, #tpu.memory_space<semaphore_mem>>
    %dma_start3A_229 = tpu.memref_squeeze %dma_start3A_228 : memref<1x!tpu.dma_semaphore, #tpu.memory_space<semaphore_mem>> -> memref<!tpu.dma_semaphore, #tpu.memory_space<semaphore_mem>>
    tpu.enqueue_indirect_dma source(%dma_start3A_227 : memref<102400x16xf32, #tpu.memory_space<hbm>>) target(%dma_start3A_221 : memref<640x16xf32, #tpu.memory_space<vmem>>) offsets(%dma_start3A_224 : memref<640xi32, #tpu.memory_space<vmem>>) semaphore(%dma_start3A_229 : memref<!tpu.dma_semaphore, #tpu.memory_space<semaphore_mem>>)
    %dma_wait3A_230 = arith.constant 3 : i32
    %dma_wait3A_231 = arith.constant 3 : i32
    %dma_wait3A_232 = arith.constant 3 : i32
    %dma_wait3A_233 = arith.constant 0 : i32
    %dma_wait3A_234 = arith.constant 0 : i32
    %dma_wait3A_235 = tpu.memref_slice %arg7[%dma_wait3A_231, %dma_wait3A_233, %dma_wait3A_234] : memref<8x640x16xf32, #tpu.memory_space<vmem>> -> memref<1x640x16xf32, #tpu.memory_space<vmem>>
    %dma_wait3A_236 = tpu.memref_squeeze %dma_wait3A_235 : memref<1x640x16xf32, #tpu.memory_space<vmem>> -> memref<640x16xf32, #tpu.memory_space<vmem>>
    %dma_wait3A_237 = arith.constant 0 : i32
    %dma_wait3A_238 = tpu.memref_slice %arg6[%dma_wait3A_230, %dma_wait3A_237] : memref<40x640xi32, #tpu.memory_space<vmem>> -> memref<1x640xi32, #tpu.memory_space<vmem>>
    %dma_wait3A_239 = tpu.memref_squeeze %dma_wait3A_238 : memref<1x640xi32, #tpu.memory_space<vmem>> -> memref<640xi32, #tpu.memory_space<vmem>>
    %dma_wait3A_240 = arith.constant 0 : i32
    %dma_wait3A_241 = arith.constant 0 : i32
    %dma_wait3A_242 = tpu.memref_slice %arg3[%dma_wait3A_240, %dma_wait3A_241] : memref<102400x16xf32, #tpu.memory_space<hbm>> -> memref<102400x16xf32, #tpu.memory_space<hbm>>
    %dma_wait3A_243 = tpu.memref_slice %arg12[%dma_wait3A_232] : memref<8x!tpu.dma_semaphore, #tpu.memory_space<semaphore_mem>> -> memref<1x!tpu.dma_semaphore, #tpu.memory_space<semaphore_mem>>
    %dma_wait3A_244 = tpu.memref_squeeze %dma_wait3A_243 : memref<1x!tpu.dma_semaphore, #tpu.memory_space<semaphore_mem>> -> memref<!tpu.dma_semaphore, #tpu.memory_space<semaphore_mem>>
    tpu.wait_indirect_dma semaphore(%dma_wait3A_244 : memref<!tpu.dma_semaphore, #tpu.memory_space<semaphore_mem>>) src(%dma_wait3A_242 : memref<102400x16xf32, #tpu.memory_space<hbm>>) dst(%dma_wait3A_236 : memref<640x16xf32, #tpu.memory_space<vmem>>)
    %dma_start3A_245 = arith.constant 3 : i32
    %dma_start3A_246 = arith.constant 3 : i32
    %dma_start3A_247 = arith.constant 0 : i32
    %dma_start3A_248 = arith.constant 0 : i32
    %dma_start3A_249 = tpu.memref_slice %arg7[%dma_start3A_245, %dma_start3A_247, %dma_start3A_248] : memref<8x640x16xf32, #tpu.memory_space<vmem>> -> memref<1x640x16xf32, #tpu.memory_space<vmem>>
    %dma_start3A_250 = tpu.memref_squeeze %dma_start3A_249 : memref<1x640x16xf32, #tpu.memory_space<vmem>> -> memref<640x16xf32, #tpu.memory_space<vmem>>
    %dma_start3A_251 = arith.constant 0 : i32
    %dma_start3A_252 = arith.constant 0 : i32
    %dma_start3A_253 = tpu.memref_slice %arg11[%dma_start3A_251, %dma_start3A_252] : memref<10240x16xf32, #tpu.memory_space<vmem_shared>> -> memref<10240x16xf32, #tpu.memory_space<vmem_shared>>
    %dma_start3A_254 = tpu.memref_slice %arg13[%dma_start3A_246] : memref<8x!tpu.dma_semaphore, #tpu.memory_space<semaphore_mem>> -> memref<1x!tpu.dma_semaphore, #tpu.memory_space<semaphore_mem>>
    %dma_start3A_255 = tpu.memref_squeeze %dma_start3A_254 : memref<1x!tpu.dma_semaphore, #tpu.memory_space<semaphore_mem>> -> memref<!tpu.dma_semaphore, #tpu.memory_space<semaphore_mem>>
    tpu.enqueue_indirect_dma source(%dma_start3A_250 : memref<640x16xf32, #tpu.memory_space<vmem>>) target(%dma_start3A_253 : memref<10240x16xf32, #tpu.memory_space<vmem_shared>>) offsets(%arg9 : memref<640xi32, #tpu.memory_space<vmem>>) semaphore(%dma_start3A_255 : memref<!tpu.dma_semaphore, #tpu.memory_space<semaphore_mem>>) {add = true}
    %dma_start3A_256 = arith.constant 7 : i32
    %dma_start3A_257 = arith.constant 7 : i32
    %dma_start3A_258 = arith.constant 7 : i32
    %dma_start3A_259 = arith.constant 0 : i32
    %dma_start3A_260 = arith.constant 0 : i32
    %dma_start3A_261 = tpu.memref_slice %arg7[%dma_start3A_257, %dma_start3A_259, %dma_start3A_260] : memref<8x640x16xf32, #tpu.memory_space<vmem>> -> memref<1x640x16xf32, #tpu.memory_space<vmem>>
    %dma_start3A_262 = tpu.memref_squeeze %dma_start3A_261 : memref<1x640x16xf32, #tpu.memory_space<vmem>> -> memref<640x16xf32, #tpu.memory_space<vmem>>
    %dma_start3A_263 = arith.constant 0 : i32
    %dma_start3A_264 = tpu.memref_slice %arg6[%dma_start3A_256, %dma_start3A_263] : memref<40x640xi32, #tpu.memory_space<vmem>> -> memref<1x640xi32, #tpu.memory_space<vmem>>
    %dma_start3A_265 = tpu.memref_squeeze %dma_start3A_264 : memref<1x640xi32, #tpu.memory_space<vmem>> -> memref<640xi32, #tpu.memory_space<vmem>>
    %dma_start3A_266 = arith.constant 0 : i32
    %dma_start3A_267 = arith.constant 0 : i32
    %dma_start3A_268 = tpu.memref_slice %arg3[%dma_start3A_266, %dma_start3A_267] : memref<102400x16xf32, #tpu.memory_space<hbm>> -> memref<102400x16xf32, #tpu.memory_space<hbm>>
    %dma_start3A_269 = tpu.memref_slice %arg12[%dma_start3A_258] : memref<8x!tpu.dma_semaphore, #tpu.memory_space<semaphore_mem>> -> memref<1x!tpu.dma_semaphore, #tpu.memory_space<semaphore_mem>>
    %dma_start3A_270 = tpu.memref_squeeze %dma_start3A_269 : memref<1x!tpu.dma_semaphore, #tpu.memory_space<semaphore_mem>> -> memref<!tpu.dma_semaphore, #tpu.memory_space<semaphore_mem>>
    tpu.enqueue_indirect_dma source(%dma_start3A_268 : memref<102400x16xf32, #tpu.memory_space<hbm>>) target(%dma_start3A_262 : memref<640x16xf32, #tpu.memory_space<vmem>>) offsets(%dma_start3A_265 : memref<640xi32, #tpu.memory_space<vmem>>) semaphore(%dma_start3A_270 : memref<!tpu.dma_semaphore, #tpu.memory_space<semaphore_mem>>)
    %dma_wait3A_271 = arith.constant 4 : i32
    %dma_wait3A_272 = arith.constant 4 : i32
    %dma_wait3A_273 = arith.constant 4 : i32
    %dma_wait3A_274 = arith.constant 0 : i32
    %dma_wait3A_275 = arith.constant 0 : i32
    %dma_wait3A_276 = tpu.memref_slice %arg7[%dma_wait3A_272, %dma_wait3A_274, %dma_wait3A_275] : memref<8x640x16xf32, #tpu.memory_space<vmem>> -> memref<1x640x16xf32, #tpu.memory_space<vmem>>
    %dma_wait3A_277 = tpu.memref_squeeze %dma_wait3A_276 : memref<1x640x16xf32, #tpu.memory_space<vmem>> -> memref<640x16xf32, #tpu.memory_space<vmem>>
    %dma_wait3A_278 = arith.constant 0 : i32
    %dma_wait3A_279 = tpu.memref_slice %arg6[%dma_wait3A_271, %dma_wait3A_278] : memref<40x640xi32, #tpu.memory_space<vmem>> -> memref<1x640xi32, #tpu.memory_space<vmem>>
    %dma_wait3A_280 = tpu.memref_squeeze %dma_wait3A_279 : memref<1x640xi32, #tpu.memory_space<vmem>> -> memref<640xi32, #tpu.memory_space<vmem>>
    %dma_wait3A_281 = arith.constant 0 : i32
    %dma_wait3A_282 = arith.constant 0 : i32
    %dma_wait3A_283 = tpu.memref_slice %arg3[%dma_wait3A_281, %dma_wait3A_282] : memref<102400x16xf32, #tpu.memory_space<hbm>> -> memref<102400x16xf32, #tpu.memory_space<hbm>>
    %dma_wait3A_284 = tpu.memref_slice %arg12[%dma_wait3A_273] : memref<8x!tpu.dma_semaphore, #tpu.memory_space<semaphore_mem>> -> memref<1x!tpu.dma_semaphore, #tpu.memory_space<semaphore_mem>>
    %dma_wait3A_285 = tpu.memref_squeeze %dma_wait3A_284 : memref<1x!tpu.dma_semaphore, #tpu.memory_space<semaphore_mem>> -> memref<!tpu.dma_semaphore, #tpu.memory_space<semaphore_mem>>
    tpu.wait_indirect_dma semaphore(%dma_wait3A_285 : memref<!tpu.dma_semaphore, #tpu.memory_space<semaphore_mem>>) src(%dma_wait3A_283 : memref<102400x16xf32, #tpu.memory_space<hbm>>) dst(%dma_wait3A_277 : memref<640x16xf32, #tpu.memory_space<vmem>>)
    %dma_start3A_286 = arith.constant 4 : i32
    %dma_start3A_287 = arith.constant 4 : i32
    %dma_start3A_288 = arith.constant 0 : i32
    %dma_start3A_289 = arith.constant 0 : i32
    %dma_start3A_290 = tpu.memref_slice %arg7[%dma_start3A_286, %dma_start3A_288, %dma_start3A_289] : memref<8x640x16xf32, #tpu.memory_space<vmem>> -> memref<1x640x16xf32, #tpu.memory_space<vmem>>
    %dma_start3A_291 = tpu.memref_squeeze %dma_start3A_290 : memref<1x640x16xf32, #tpu.memory_space<vmem>> -> memref<640x16xf32, #tpu.memory_space<vmem>>
    %dma_start3A_292 = arith.constant 0 : i32
    %dma_start3A_293 = arith.constant 0 : i32
    %dma_start3A_294 = tpu.memref_slice %arg11[%dma_start3A_292, %dma_start3A_293] : memref<10240x16xf32, #tpu.memory_space<vmem_shared>> -> memref<10240x16xf32, #tpu.memory_space<vmem_shared>>
    %dma_start3A_295 = tpu.memref_slice %arg13[%dma_start3A_287] : memref<8x!tpu.dma_semaphore, #tpu.memory_space<semaphore_mem>> -> memref<1x!tpu.dma_semaphore, #tpu.memory_space<semaphore_mem>>
    %dma_start3A_296 = tpu.memref_squeeze %dma_start3A_295 : memref<1x!tpu.dma_semaphore, #tpu.memory_space<semaphore_mem>> -> memref<!tpu.dma_semaphore, #tpu.memory_space<semaphore_mem>>
    tpu.enqueue_indirect_dma source(%dma_start3A_291 : memref<640x16xf32, #tpu.memory_space<vmem>>) target(%dma_start3A_294 : memref<10240x16xf32, #tpu.memory_space<vmem_shared>>) offsets(%arg9 : memref<640xi32, #tpu.memory_space<vmem>>) semaphore(%dma_start3A_296 : memref<!tpu.dma_semaphore, #tpu.memory_space<semaphore_mem>>) {add = true}
    %dma_wait3A_297 = arith.constant 0 : i32
    %dma_wait3A_298 = arith.constant 0 : i32
    %dma_wait3A_299 = arith.constant 0 : i32
    %dma_wait3A_300 = arith.constant 0 : i32
    %dma_wait3A_301 = tpu.memref_slice %arg7[%dma_wait3A_297, %dma_wait3A_299, %dma_wait3A_300] : memref<8x640x16xf32, #tpu.memory_space<vmem>> -> memref<1x640x16xf32, #tpu.memory_space<vmem>>
    %dma_wait3A_302 = tpu.memref_squeeze %dma_wait3A_301 : memref<1x640x16xf32, #tpu.memory_space<vmem>> -> memref<640x16xf32, #tpu.memory_space<vmem>>
    %dma_wait3A_303 = arith.constant 0 : i32
    %dma_wait3A_304 = arith.constant 0 : i32
    %dma_wait3A_305 = tpu.memref_slice %arg11[%dma_wait3A_303, %dma_wait3A_304] : memref<10240x16xf32, #tpu.memory_space<vmem_shared>> -> memref<10240x16xf32, #tpu.memory_space<vmem_shared>>
    %dma_wait3A_306 = tpu.memref_slice %arg13[%dma_wait3A_298] : memref<8x!tpu.dma_semaphore, #tpu.memory_space<semaphore_mem>> -> memref<1x!tpu.dma_semaphore, #tpu.memory_space<semaphore_mem>>
    %dma_wait3A_307 = tpu.memref_squeeze %dma_wait3A_306 : memref<1x!tpu.dma_semaphore, #tpu.memory_space<semaphore_mem>> -> memref<!tpu.dma_semaphore, #tpu.memory_space<semaphore_mem>>
    tpu.wait_indirect_dma semaphore(%dma_wait3A_307 : memref<!tpu.dma_semaphore, #tpu.memory_space<semaphore_mem>>) src(%dma_wait3A_302 : memref<640x16xf32, #tpu.memory_space<vmem>>) dst(%dma_wait3A_305 : memref<10240x16xf32, #tpu.memory_space<vmem_shared>>)
    %dma_start3A_308 = arith.constant 8 : i32
    %dma_start3A_309 = arith.constant 0 : i32
    %dma_start3A_310 = arith.constant 0 : i32
    %dma_start3A_311 = arith.constant 0 : i32
    %dma_start3A_312 = arith.constant 0 : i32
    %dma_start3A_313 = tpu.memref_slice %arg7[%dma_start3A_309, %dma_start3A_311, %dma_start3A_312] : memref<8x640x16xf32, #tpu.memory_space<vmem>> -> memref<1x640x16xf32, #tpu.memory_space<vmem>>
    %dma_start3A_314 = tpu.memref_squeeze %dma_start3A_313 : memref<1x640x16xf32, #tpu.memory_space<vmem>> -> memref<640x16xf32, #tpu.memory_space<vmem>>
    %dma_start3A_315 = arith.constant 0 : i32
    %dma_start3A_316 = tpu.memref_slice %arg6[%dma_start3A_308, %dma_start3A_315] : memref<40x640xi32, #tpu.memory_space<vmem>> -> memref<1x640xi32, #tpu.memory_space<vmem>>
    %dma_start3A_317 = tpu.memref_squeeze %dma_start3A_316 : memref<1x640xi32, #tpu.memory_space<vmem>> -> memref<640xi32, #tpu.memory_space<vmem>>
    %dma_start3A_318 = arith.constant 0 : i32
    %dma_start3A_319 = arith.constant 0 : i32
    %dma_start3A_320 = tpu.memref_slice %arg3[%dma_start3A_318, %dma_start3A_319] : memref<102400x16xf32, #tpu.memory_space<hbm>> -> memref<102400x16xf32, #tpu.memory_space<hbm>>
    %dma_start3A_321 = tpu.memref_slice %arg12[%dma_start3A_310] : memref<8x!tpu.dma_semaphore, #tpu.memory_space<semaphore_mem>> -> memref<1x!tpu.dma_semaphore, #tpu.memory_space<semaphore_mem>>
    %dma_start3A_322 = tpu.memref_squeeze %dma_start3A_321 : memref<1x!tpu.dma_semaphore, #tpu.memory_space<semaphore_mem>> -> memref<!tpu.dma_semaphore, #tpu.memory_space<semaphore_mem>>
    tpu.enqueue_indirect_dma source(%dma_start3A_320 : memref<102400x16xf32, #tpu.memory_space<hbm>>) target(%dma_start3A_314 : memref<640x16xf32, #tpu.memory_space<vmem>>) offsets(%dma_start3A_317 : memref<640xi32, #tpu.memory_space<vmem>>) semaphore(%dma_start3A_322 : memref<!tpu.dma_semaphore, #tpu.memory_space<semaphore_mem>>)
    %dma_wait3A_323 = arith.constant 5 : i32
    %dma_wait3A_324 = arith.constant 5 : i32
    %dma_wait3A_325 = arith.constant 5 : i32
    %dma_wait3A_326 = arith.constant 0 : i32
    %dma_wait3A_327 = arith.constant 0 : i32
    %dma_wait3A_328 = tpu.memref_slice %arg7[%dma_wait3A_324, %dma_wait3A_326, %dma_wait3A_327] : memref<8x640x16xf32, #tpu.memory_space<vmem>> -> memref<1x640x16xf32, #tpu.memory_space<vmem>>
    %dma_wait3A_329 = tpu.memref_squeeze %dma_wait3A_328 : memref<1x640x16xf32, #tpu.memory_space<vmem>> -> memref<640x16xf32, #tpu.memory_space<vmem>>
    %dma_wait3A_330 = arith.constant 0 : i32
    %dma_wait3A_331 = tpu.memref_slice %arg6[%dma_wait3A_323, %dma_wait3A_330] : memref<40x640xi32, #tpu.memory_space<vmem>> -> memref<1x640xi32, #tpu.memory_space<vmem>>
    %dma_wait3A_332 = tpu.memref_squeeze %dma_wait3A_331 : memref<1x640xi32, #tpu.memory_space<vmem>> -> memref<640xi32, #tpu.memory_space<vmem>>
    %dma_wait3A_333 = arith.constant 0 : i32
    %dma_wait3A_334 = arith.constant 0 : i32
    %dma_wait3A_335 = tpu.memref_slice %arg3[%dma_wait3A_333, %dma_wait3A_334] : memref<102400x16xf32, #tpu.memory_space<hbm>> -> memref<102400x16xf32, #tpu.memory_space<hbm>>
    %dma_wait3A_336 = tpu.memref_slice %arg12[%dma_wait3A_325] : memref<8x!tpu.dma_semaphore, #tpu.memory_space<semaphore_mem>> -> memref<1x!tpu.dma_semaphore, #tpu.memory_space<semaphore_mem>>
    %dma_wait3A_337 = tpu.memref_squeeze %dma_wait3A_336 : memref<1x!tpu.dma_semaphore, #tpu.memory_space<semaphore_mem>> -> memref<!tpu.dma_semaphore, #tpu.memory_space<semaphore_mem>>
    tpu.wait_indirect_dma semaphore(%dma_wait3A_337 : memref<!tpu.dma_semaphore, #tpu.memory_space<semaphore_mem>>) src(%dma_wait3A_335 : memref<102400x16xf32, #tpu.memory_space<hbm>>) dst(%dma_wait3A_329 : memref<640x16xf32, #tpu.memory_space<vmem>>)
    %dma_start3A_338 = arith.constant 5 : i32
    %dma_start3A_339 = arith.constant 5 : i32
    %dma_start3A_340 = arith.constant 0 : i32
    %dma_start3A_341 = arith.constant 0 : i32
    %dma_start3A_342 = tpu.memref_slice %arg7[%dma_start3A_338, %dma_start3A_340, %dma_start3A_341] : memref<8x640x16xf32, #tpu.memory_space<vmem>> -> memref<1x640x16xf32, #tpu.memory_space<vmem>>
    %dma_start3A_343 = tpu.memref_squeeze %dma_start3A_342 : memref<1x640x16xf32, #tpu.memory_space<vmem>> -> memref<640x16xf32, #tpu.memory_space<vmem>>
    %dma_start3A_344 = arith.constant 0 : i32
    %dma_start3A_345 = arith.constant 0 : i32
    %dma_start3A_346 = tpu.memref_slice %arg11[%dma_start3A_344, %dma_start3A_345] : memref<10240x16xf32, #tpu.memory_space<vmem_shared>> -> memref<10240x16xf32, #tpu.memory_space<vmem_shared>>
    %dma_start3A_347 = tpu.memref_slice %arg13[%dma_start3A_339] : memref<8x!tpu.dma_semaphore, #tpu.memory_space<semaphore_mem>> -> memref<1x!tpu.dma_semaphore, #tpu.memory_space<semaphore_mem>>
    %dma_start3A_348 = tpu.memref_squeeze %dma_start3A_347 : memref<1x!tpu.dma_semaphore, #tpu.memory_space<semaphore_mem>> -> memref<!tpu.dma_semaphore, #tpu.memory_space<semaphore_mem>>
    tpu.enqueue_indirect_dma source(%dma_start3A_343 : memref<640x16xf32, #tpu.memory_space<vmem>>) target(%dma_start3A_346 : memref<10240x16xf32, #tpu.memory_space<vmem_shared>>) offsets(%arg9 : memref<640xi32, #tpu.memory_space<vmem>>) semaphore(%dma_start3A_348 : memref<!tpu.dma_semaphore, #tpu.memory_space<semaphore_mem>>) {add = true}
    %dma_wait3A_349 = arith.constant 1 : i32
    %dma_wait3A_350 = arith.constant 1 : i32
    %dma_wait3A_351 = arith.constant 0 : i32
    %dma_wait3A_352 = arith.constant 0 : i32
    %dma_wait3A_353 = tpu.memref_slice %arg7[%dma_wait3A_349, %dma_wait3A_351, %dma_wait3A_352] : memref<8x640x16xf32, #tpu.memory_space<vmem>> -> memref<1x640x16xf32, #tpu.memory_space<vmem>>
    %dma_wait3A_354 = tpu.memref_squeeze %dma_wait3A_353 : memref<1x640x16xf32, #tpu.memory_space<vmem>> -> memref<640x16xf32, #tpu.memory_space<vmem>>
    %dma_wait3A_355 = arith.constant 0 : i32
    %dma_wait3A_356 = arith.constant 0 : i32
    %dma_wait3A_357 = tpu.memref_slice %arg11[%dma_wait3A_355, %dma_wait3A_356] : memref<10240x16xf32, #tpu.memory_space<vmem_shared>> -> memref<10240x16xf32, #tpu.memory_space<vmem_shared>>
    %dma_wait3A_358 = tpu.memref_slice %arg13[%dma_wait3A_350] : memref<8x!tpu.dma_semaphore, #tpu.memory_space<semaphore_mem>> -> memref<1x!tpu.dma_semaphore, #tpu.memory_space<semaphore_mem>>
    %dma_wait3A_359 = tpu.memref_squeeze %dma_wait3A_358 : memref<1x!tpu.dma_semaphore, #tpu.memory_space<semaphore_mem>> -> memref<!tpu.dma_semaphore, #tpu.memory_space<semaphore_mem>>
    tpu.wait_indirect_dma semaphore(%dma_wait3A_359 : memref<!tpu.dma_semaphore, #tpu.memory_space<semaphore_mem>>) src(%dma_wait3A_354 : memref<640x16xf32, #tpu.memory_space<vmem>>) dst(%dma_wait3A_357 : memref<10240x16xf32, #tpu.memory_space<vmem_shared>>)
    %dma_start3A_360 = arith.constant 9 : i32
    %dma_start3A_361 = arith.constant 1 : i32
    %dma_start3A_362 = arith.constant 1 : i32
    %dma_start3A_363 = arith.constant 0 : i32
    %dma_start3A_364 = arith.constant 0 : i32
    %dma_start3A_365 = tpu.memref_slice %arg7[%dma_start3A_361, %dma_start3A_363, %dma_start3A_364] : memref<8x640x16xf32, #tpu.memory_space<vmem>> -> memref<1x640x16xf32, #tpu.memory_space<vmem>>
    %dma_start3A_366 = tpu.memref_squeeze %dma_start3A_365 : memref<1x640x16xf32, #tpu.memory_space<vmem>> -> memref<640x16xf32, #tpu.memory_space<vmem>>
    %dma_start3A_367 = arith.constant 0 : i32
    %dma_start3A_368 = tpu.memref_slice %arg6[%dma_start3A_360, %dma_start3A_367] : memref<40x640xi32, #tpu.memory_space<vmem>> -> memref<1x640xi32, #tpu.memory_space<vmem>>
    %dma_start3A_369 = tpu.memref_squeeze %dma_start3A_368 : memref<1x640xi32, #tpu.memory_space<vmem>> -> memref<640xi32, #tpu.memory_space<vmem>>
    %dma_start3A_370 = arith.constant 0 : i32
    %dma_start3A_371 = arith.constant 0 : i32
    %dma_start3A_372 = tpu.memref_slice %arg3[%dma_start3A_370, %dma_start3A_371] : memref<102400x16xf32, #tpu.memory_space<hbm>> -> memref<102400x16xf32, #tpu.memory_space<hbm>>
    %dma_start3A_373 = tpu.memref_slice %arg12[%dma_start3A_362] : memref<8x!tpu.dma_semaphore, #tpu.memory_space<semaphore_mem>> -> memref<1x!tpu.dma_semaphore, #tpu.memory_space<semaphore_mem>>
    %dma_start3A_374 = tpu.memref_squeeze %dma_start3A_373 : memref<1x!tpu.dma_semaphore, #tpu.memory_space<semaphore_mem>> -> memref<!tpu.dma_semaphore, #tpu.memory_space<semaphore_mem>>
    tpu.enqueue_indirect_dma source(%dma_start3A_372 : memref<102400x16xf32, #tpu.memory_space<hbm>>) target(%dma_start3A_366 : memref<640x16xf32, #tpu.memory_space<vmem>>) offsets(%dma_start3A_369 : memref<640xi32, #tpu.memory_space<vmem>>) semaphore(%dma_start3A_374 : memref<!tpu.dma_semaphore, #tpu.memory_space<semaphore_mem>>)
    %dma_wait3A_375 = arith.constant 6 : i32
    %dma_wait3A_376 = arith.constant 6 : i32
    %dma_wait3A_377 = arith.constant 6 : i32
    %dma_wait3A_378 = arith.constant 0 : i32
    %dma_wait3A_379 = arith.constant 0 : i32
    %dma_wait3A_380 = tpu.memref_slice %arg7[%dma_wait3A_376, %dma_wait3A_378, %dma_wait3A_379] : memref<8x640x16xf32, #tpu.memory_space<vmem>> -> memref<1x640x16xf32, #tpu.memory_space<vmem>>
    %dma_wait3A_381 = tpu.memref_squeeze %dma_wait3A_380 : memref<1x640x16xf32, #tpu.memory_space<vmem>> -> memref<640x16xf32, #tpu.memory_space<vmem>>
    %dma_wait3A_382 = arith.constant 0 : i32
    %dma_wait3A_383 = tpu.memref_slice %arg6[%dma_wait3A_375, %dma_wait3A_382] : memref<40x640xi32, #tpu.memory_space<vmem>> -> memref<1x640xi32, #tpu.memory_space<vmem>>
    %dma_wait3A_384 = tpu.memref_squeeze %dma_wait3A_383 : memref<1x640xi32, #tpu.memory_space<vmem>> -> memref<640xi32, #tpu.memory_space<vmem>>
    %dma_wait3A_385 = arith.constant 0 : i32
    %dma_wait3A_386 = arith.constant 0 : i32
    %dma_wait3A_387 = tpu.memref_slice %arg3[%dma_wait3A_385, %dma_wait3A_386] : memref<102400x16xf32, #tpu.memory_space<hbm>> -> memref<102400x16xf32, #tpu.memory_space<hbm>>
    %dma_wait3A_388 = tpu.memref_slice %arg12[%dma_wait3A_377] : memref<8x!tpu.dma_semaphore, #tpu.memory_space<semaphore_mem>> -> memref<1x!tpu.dma_semaphore, #tpu.memory_space<semaphore_mem>>
    %dma_wait3A_389 = tpu.memref_squeeze %dma_wait3A_388 : memref<1x!tpu.dma_semaphore, #tpu.memory_space<semaphore_mem>> -> memref<!tpu.dma_semaphore, #tpu.memory_space<semaphore_mem>>
    tpu.wait_indirect_dma semaphore(%dma_wait3A_389 : memref<!tpu.dma_semaphore, #tpu.memory_space<semaphore_mem>>) src(%dma_wait3A_387 : memref<102400x16xf32, #tpu.memory_space<hbm>>) dst(%dma_wait3A_381 : memref<640x16xf32, #tpu.memory_space<vmem>>)
    %dma_start3A_390 = arith.constant 6 : i32
    %dma_start3A_391 = arith.constant 6 : i32
    %dma_start3A_392 = arith.constant 0 : i32
    %dma_start3A_393 = arith.constant 0 : i32
    %dma_start3A_394 = tpu.memref_slice %arg7[%dma_start3A_390, %dma_start3A_392, %dma_start3A_393] : memref<8x640x16xf32, #tpu.memory_space<vmem>> -> memref<1x640x16xf32, #tpu.memory_space<vmem>>
    %dma_start3A_395 = tpu.memref_squeeze %dma_start3A_394 : memref<1x640x16xf32, #tpu.memory_space<vmem>> -> memref<640x16xf32, #tpu.memory_space<vmem>>
    %dma_start3A_396 = arith.constant 0 : i32
    %dma_start3A_397 = arith.constant 0 : i32
    %dma_start3A_398 = tpu.memref_slice %arg11[%dma_start3A_396, %dma_start3A_397] : memref<10240x16xf32, #tpu.memory_space<vmem_shared>> -> memref<10240x16xf32, #tpu.memory_space<vmem_shared>>
    %dma_start3A_399 = tpu.memref_slice %arg13[%dma_start3A_391] : memref<8x!tpu.dma_semaphore, #tpu.memory_space<semaphore_mem>> -> memref<1x!tpu.dma_semaphore, #tpu.memory_space<semaphore_mem>>
    %dma_start3A_400 = tpu.memref_squeeze %dma_start3A_399 : memref<1x!tpu.dma_semaphore, #tpu.memory_space<semaphore_mem>> -> memref<!tpu.dma_semaphore, #tpu.memory_space<semaphore_mem>>
    tpu.enqueue_indirect_dma source(%dma_start3A_395 : memref<640x16xf32, #tpu.memory_space<vmem>>) target(%dma_start3A_398 : memref<10240x16xf32, #tpu.memory_space<vmem_shared>>) offsets(%arg9 : memref<640xi32, #tpu.memory_space<vmem>>) semaphore(%dma_start3A_400 : memref<!tpu.dma_semaphore, #tpu.memory_space<semaphore_mem>>) {add = true}
    %dma_wait3A_401 = arith.constant 2 : i32
    %dma_wait3A_402 = arith.constant 2 : i32
    %dma_wait3A_403 = arith.constant 0 : i32
    %dma_wait3A_404 = arith.constant 0 : i32
    %dma_wait3A_405 = tpu.memref_slice %arg7[%dma_wait3A_401, %dma_wait3A_403, %dma_wait3A_404] : memref<8x640x16xf32, #tpu.memory_space<vmem>> -> memref<1x640x16xf32, #tpu.memory_space<vmem>>
    %dma_wait3A_406 = tpu.memref_squeeze %dma_wait3A_405 : memref<1x640x16xf32, #tpu.memory_space<vmem>> -> memref<640x16xf32, #tpu.memory_space<vmem>>
    %dma_wait3A_407 = arith.constant 0 : i32
    %dma_wait3A_408 = arith.constant 0 : i32
    %dma_wait3A_409 = tpu.memref_slice %arg11[%dma_wait3A_407, %dma_wait3A_408] : memref<10240x16xf32, #tpu.memory_space<vmem_shared>> -> memref<10240x16xf32, #tpu.memory_space<vmem_shared>>
    %dma_wait3A_410 = tpu.memref_slice %arg13[%dma_wait3A_402] : memref<8x!tpu.dma_semaphore, #tpu.memory_space<semaphore_mem>> -> memref<1x!tpu.dma_semaphore, #tpu.memory_space<semaphore_mem>>
    %dma_wait3A_411 = tpu.memref_squeeze %dma_wait3A_410 : memref<1x!tpu.dma_semaphore, #tpu.memory_space<semaphore_mem>> -> memref<!tpu.dma_semaphore, #tpu.memory_space<semaphore_mem>>
    tpu.wait_indirect_dma semaphore(%dma_wait3A_411 : memref<!tpu.dma_semaphore, #tpu.memory_space<semaphore_mem>>) src(%dma_wait3A_406 : memref<640x16xf32, #tpu.memory_space<vmem>>) dst(%dma_wait3A_409 : memref<10240x16xf32, #tpu.memory_space<vmem_shared>>)
    %dma_start3A_412 = arith.constant 10 : i32
    %dma_start3A_413 = arith.constant 2 : i32
    %dma_start3A_414 = arith.constant 2 : i32
    %dma_start3A_415 = arith.constant 0 : i32
    %dma_start3A_416 = arith.constant 0 : i32
    %dma_start3A_417 = tpu.memref_slice %arg7[%dma_start3A_413, %dma_start3A_415, %dma_start3A_416] : memref<8x640x16xf32, #tpu.memory_space<vmem>> -> memref<1x640x16xf32, #tpu.memory_space<vmem>>
    %dma_start3A_418 = tpu.memref_squeeze %dma_start3A_417 : memref<1x640x16xf32, #tpu.memory_space<vmem>> -> memref<640x16xf32, #tpu.memory_space<vmem>>
    %dma_start3A_419 = arith.constant 0 : i32
    %dma_start3A_420 = tpu.memref_slice %arg6[%dma_start3A_412, %dma_start3A_419] : memref<40x640xi32, #tpu.memory_space<vmem>> -> memref<1x640xi32, #tpu.memory_space<vmem>>
    %dma_start3A_421 = tpu.memref_squeeze %dma_start3A_420 : memref<1x640xi32, #tpu.memory_space<vmem>> -> memref<640xi32, #tpu.memory_space<vmem>>
    %dma_start3A_422 = arith.constant 0 : i32
    %dma_start3A_423 = arith.constant 0 : i32
    %dma_start3A_424 = tpu.memref_slice %arg3[%dma_start3A_422, %dma_start3A_423] : memref<102400x16xf32, #tpu.memory_space<hbm>> -> memref<102400x16xf32, #tpu.memory_space<hbm>>
    %dma_start3A_425 = tpu.memref_slice %arg12[%dma_start3A_414] : memref<8x!tpu.dma_semaphore, #tpu.memory_space<semaphore_mem>> -> memref<1x!tpu.dma_semaphore, #tpu.memory_space<semaphore_mem>>
    %dma_start3A_426 = tpu.memref_squeeze %dma_start3A_425 : memref<1x!tpu.dma_semaphore, #tpu.memory_space<semaphore_mem>> -> memref<!tpu.dma_semaphore, #tpu.memory_space<semaphore_mem>>
    tpu.enqueue_indirect_dma source(%dma_start3A_424 : memref<102400x16xf32, #tpu.memory_space<hbm>>) target(%dma_start3A_418 : memref<640x16xf32, #tpu.memory_space<vmem>>) offsets(%dma_start3A_421 : memref<640xi32, #tpu.memory_space<vmem>>) semaphore(%dma_start3A_426 : memref<!tpu.dma_semaphore, #tpu.memory_space<semaphore_mem>>)
    %dma_wait3A_427 = arith.constant 7 : i32
    %dma_wait3A_428 = arith.constant 7 : i32
    %dma_wait3A_429 = arith.constant 7 : i32
    %dma_wait3A_430 = arith.constant 0 : i32
    %dma_wait3A_431 = arith.constant 0 : i32
    %dma_wait3A_432 = tpu.memref_slice %arg7[%dma_wait3A_428, %dma_wait3A_430, %dma_wait3A_431] : memref<8x640x16xf32, #tpu.memory_space<vmem>> -> memref<1x640x16xf32, #tpu.memory_space<vmem>>
    %dma_wait3A_433 = tpu.memref_squeeze %dma_wait3A_432 : memref<1x640x16xf32, #tpu.memory_space<vmem>> -> memref<640x16xf32, #tpu.memory_space<vmem>>
    %dma_wait3A_434 = arith.constant 0 : i32
    %dma_wait3A_435 = tpu.memref_slice %arg6[%dma_wait3A_427, %dma_wait3A_434] : memref<40x640xi32, #tpu.memory_space<vmem>> -> memref<1x640xi32, #tpu.memory_space<vmem>>
    %dma_wait3A_436 = tpu.memref_squeeze %dma_wait3A_435 : memref<1x640xi32, #tpu.memory_space<vmem>> -> memref<640xi32, #tpu.memory_space<vmem>>
    %dma_wait3A_437 = arith.constant 0 : i32
    %dma_wait3A_438 = arith.constant 0 : i32
    %dma_wait3A_439 = tpu.memref_slice %arg3[%dma_wait3A_437, %dma_wait3A_438] : memref<102400x16xf32, #tpu.memory_space<hbm>> -> memref<102400x16xf32, #tpu.memory_space<hbm>>
    %dma_wait3A_440 = tpu.memref_slice %arg12[%dma_wait3A_429] : memref<8x!tpu.dma_semaphore, #tpu.memory_space<semaphore_mem>> -> memref<1x!tpu.dma_semaphore, #tpu.memory_space<semaphore_mem>>
    %dma_wait3A_441 = tpu.memref_squeeze %dma_wait3A_440 : memref<1x!tpu.dma_semaphore, #tpu.memory_space<semaphore_mem>> -> memref<!tpu.dma_semaphore, #tpu.memory_space<semaphore_mem>>
    tpu.wait_indirect_dma semaphore(%dma_wait3A_441 : memref<!tpu.dma_semaphore, #tpu.memory_space<semaphore_mem>>) src(%dma_wait3A_439 : memref<102400x16xf32, #tpu.memory_space<hbm>>) dst(%dma_wait3A_433 : memref<640x16xf32, #tpu.memory_space<vmem>>)
    %dma_start3A_442 = arith.constant 7 : i32
    %dma_start3A_443 = arith.constant 7 : i32
    %dma_start3A_444 = arith.constant 0 : i32
    %dma_start3A_445 = arith.constant 0 : i32
    %dma_start3A_446 = tpu.memref_slice %arg7[%dma_start3A_442, %dma_start3A_444, %dma_start3A_445] : memref<8x640x16xf32, #tpu.memory_space<vmem>> -> memref<1x640x16xf32, #tpu.memory_space<vmem>>
    %dma_start3A_447 = tpu.memref_squeeze %dma_start3A_446 : memref<1x640x16xf32, #tpu.memory_space<vmem>> -> memref<640x16xf32, #tpu.memory_space<vmem>>
    %dma_start3A_448 = arith.constant 0 : i32
    %dma_start3A_449 = arith.constant 0 : i32
    %dma_start3A_450 = tpu.memref_slice %arg11[%dma_start3A_448, %dma_start3A_449] : memref<10240x16xf32, #tpu.memory_space<vmem_shared>> -> memref<10240x16xf32, #tpu.memory_space<vmem_shared>>
    %dma_start3A_451 = tpu.memref_slice %arg13[%dma_start3A_443] : memref<8x!tpu.dma_semaphore, #tpu.memory_space<semaphore_mem>> -> memref<1x!tpu.dma_semaphore, #tpu.memory_space<semaphore_mem>>
    %dma_start3A_452 = tpu.memref_squeeze %dma_start3A_451 : memref<1x!tpu.dma_semaphore, #tpu.memory_space<semaphore_mem>> -> memref<!tpu.dma_semaphore, #tpu.memory_space<semaphore_mem>>
    tpu.enqueue_indirect_dma source(%dma_start3A_447 : memref<640x16xf32, #tpu.memory_space<vmem>>) target(%dma_start3A_450 : memref<10240x16xf32, #tpu.memory_space<vmem_shared>>) offsets(%arg9 : memref<640xi32, #tpu.memory_space<vmem>>) semaphore(%dma_start3A_452 : memref<!tpu.dma_semaphore, #tpu.memory_space<semaphore_mem>>) {add = true}
    %dma_wait3A_453 = arith.constant 3 : i32
    %dma_wait3A_454 = arith.constant 3 : i32
    %dma_wait3A_455 = arith.constant 0 : i32
    %dma_wait3A_456 = arith.constant 0 : i32
    %dma_wait3A_457 = tpu.memref_slice %arg7[%dma_wait3A_453, %dma_wait3A_455, %dma_wait3A_456] : memref<8x640x16xf32, #tpu.memory_space<vmem>> -> memref<1x640x16xf32, #tpu.memory_space<vmem>>
    %dma_wait3A_458 = tpu.memref_squeeze %dma_wait3A_457 : memref<1x640x16xf32, #tpu.memory_space<vmem>> -> memref<640x16xf32, #tpu.memory_space<vmem>>
    %dma_wait3A_459 = arith.constant 0 : i32
    %dma_wait3A_460 = arith.constant 0 : i32
    %dma_wait3A_461 = tpu.memref_slice %arg11[%dma_wait3A_459, %dma_wait3A_460] : memref<10240x16xf32, #tpu.memory_space<vmem_shared>> -> memref<10240x16xf32, #tpu.memory_space<vmem_shared>>
    %dma_wait3A_462 = tpu.memref_slice %arg13[%dma_wait3A_454] : memref<8x!tpu.dma_semaphore, #tpu.memory_space<semaphore_mem>> -> memref<1x!tpu.dma_semaphore, #tpu.memory_space<semaphore_mem>>
    %dma_wait3A_463 = tpu.memref_squeeze %dma_wait3A_462 : memref<1x!tpu.dma_semaphore, #tpu.memory_space<semaphore_mem>> -> memref<!tpu.dma_semaphore, #tpu.memory_space<semaphore_mem>>
    tpu.wait_indirect_dma semaphore(%dma_wait3A_463 : memref<!tpu.dma_semaphore, #tpu.memory_space<semaphore_mem>>) src(%dma_wait3A_458 : memref<640x16xf32, #tpu.memory_space<vmem>>) dst(%dma_wait3A_461 : memref<10240x16xf32, #tpu.memory_space<vmem_shared>>)
    %dma_start3A_464 = arith.constant 11 : i32
    %dma_start3A_465 = arith.constant 3 : i32
    %dma_start3A_466 = arith.constant 3 : i32
    %dma_start3A_467 = arith.constant 0 : i32
    %dma_start3A_468 = arith.constant 0 : i32
    %dma_start3A_469 = tpu.memref_slice %arg7[%dma_start3A_465, %dma_start3A_467, %dma_start3A_468] : memref<8x640x16xf32, #tpu.memory_space<vmem>> -> memref<1x640x16xf32, #tpu.memory_space<vmem>>
    %dma_start3A_470 = tpu.memref_squeeze %dma_start3A_469 : memref<1x640x16xf32, #tpu.memory_space<vmem>> -> memref<640x16xf32, #tpu.memory_space<vmem>>
    %dma_start3A_471 = arith.constant 0 : i32
    %dma_start3A_472 = tpu.memref_slice %arg6[%dma_start3A_464, %dma_start3A_471] : memref<40x640xi32, #tpu.memory_space<vmem>> -> memref<1x640xi32, #tpu.memory_space<vmem>>
    %dma_start3A_473 = tpu.memref_squeeze %dma_start3A_472 : memref<1x640xi32, #tpu.memory_space<vmem>> -> memref<640xi32, #tpu.memory_space<vmem>>
    %dma_start3A_474 = arith.constant 0 : i32
    %dma_start3A_475 = arith.constant 0 : i32
    %dma_start3A_476 = tpu.memref_slice %arg3[%dma_start3A_474, %dma_start3A_475] : memref<102400x16xf32, #tpu.memory_space<hbm>> -> memref<102400x16xf32, #tpu.memory_space<hbm>>
    %dma_start3A_477 = tpu.memref_slice %arg12[%dma_start3A_466] : memref<8x!tpu.dma_semaphore, #tpu.memory_space<semaphore_mem>> -> memref<1x!tpu.dma_semaphore, #tpu.memory_space<semaphore_mem>>
    %dma_start3A_478 = tpu.memref_squeeze %dma_start3A_477 : memref<1x!tpu.dma_semaphore, #tpu.memory_space<semaphore_mem>> -> memref<!tpu.dma_semaphore, #tpu.memory_space<semaphore_mem>>
    tpu.enqueue_indirect_dma source(%dma_start3A_476 : memref<102400x16xf32, #tpu.memory_space<hbm>>) target(%dma_start3A_470 : memref<640x16xf32, #tpu.memory_space<vmem>>) offsets(%dma_start3A_473 : memref<640xi32, #tpu.memory_space<vmem>>) semaphore(%dma_start3A_478 : memref<!tpu.dma_semaphore, #tpu.memory_space<semaphore_mem>>)
    %scan3A_479 = arith.constant 0 : i32
    %scan3A_480 = arith.constant 1 : i32
    %scan3A_481 = arith.constant 3 : i32
    %scan3A_482 = arith.addi %scan3A_480, %scan3A_481 : i32
    %scan3A_483 = arith.constant 1 : i32
    %scan3A_484 = scf.for %scan3A_907 = %scan3A_480 to %scan3A_482 step %scan3A_483 iter_args(%scan3A_908 = %scan3A_479) -> (i32)  : i32 {
      %mul3A_909 = arith.constant 8 : i32
      %mul3A_910 = arith.muli %scan3A_907, %mul3A_909 : i32
      %add3A_911 = arith.constant 0 : i32
      %add3A_912 = arith.addi %mul3A_910, %add3A_911 : i32
      %dma_wait3A_913 = arith.constant 0 : i32
      %dma_wait3A_914 = arith.constant 0 : i32
      %dma_wait3A_915 = arith.constant 0 : i32
      %dma_wait3A_916 = arith.constant 0 : i32
      %dma_wait3A_917 = tpu.memref_slice %arg7[%dma_wait3A_913, %dma_wait3A_915, %dma_wait3A_916] : memref<8x640x16xf32, #tpu.memory_space<vmem>> -> memref<1x640x16xf32, #tpu.memory_space<vmem>>
      %dma_wait3A_918 = tpu.memref_squeeze %dma_wait3A_917 : memref<1x640x16xf32, #tpu.memory_space<vmem>> -> memref<640x16xf32, #tpu.memory_space<vmem>>
      %dma_wait3A_919 = arith.constant 0 : i32
      %dma_wait3A_920 = tpu.memref_slice %arg6[%add3A_912, %dma_wait3A_919] : memref<40x640xi32, #tpu.memory_space<vmem>> -> memref<1x640xi32, #tpu.memory_space<vmem>>
      %dma_wait3A_921 = tpu.memref_squeeze %dma_wait3A_920 : memref<1x640xi32, #tpu.memory_space<vmem>> -> memref<640xi32, #tpu.memory_space<vmem>>
      %dma_wait3A_922 = arith.constant 0 : i32
      %dma_wait3A_923 = arith.constant 0 : i32
      %dma_wait3A_924 = tpu.memref_slice %arg3[%dma_wait3A_922, %dma_wait3A_923] : memref<102400x16xf32, #tpu.memory_space<hbm>> -> memref<102400x16xf32, #tpu.memory_space<hbm>>
      %dma_wait3A_925 = tpu.memref_slice %arg12[%dma_wait3A_914] : memref<8x!tpu.dma_semaphore, #tpu.memory_space<semaphore_mem>> -> memref<1x!tpu.dma_semaphore, #tpu.memory_space<semaphore_mem>>
      %dma_wait3A_926 = tpu.memref_squeeze %dma_wait3A_925 : memref<1x!tpu.dma_semaphore, #tpu.memory_space<semaphore_mem>> -> memref<!tpu.dma_semaphore, #tpu.memory_space<semaphore_mem>>
      tpu.wait_indirect_dma semaphore(%dma_wait3A_926 : memref<!tpu.dma_semaphore, #tpu.memory_space<semaphore_mem>>) src(%dma_wait3A_924 : memref<102400x16xf32, #tpu.memory_space<hbm>>) dst(%dma_wait3A_918 : memref<640x16xf32, #tpu.memory_space<vmem>>)
      %dma_start3A_927 = arith.constant 0 : i32
      %dma_start3A_928 = arith.constant 0 : i32
      %dma_start3A_929 = arith.constant 0 : i32
      %dma_start3A_930 = arith.constant 0 : i32
      %dma_start3A_931 = tpu.memref_slice %arg7[%dma_start3A_927, %dma_start3A_929, %dma_start3A_930] : memref<8x640x16xf32, #tpu.memory_space<vmem>> -> memref<1x640x16xf32, #tpu.memory_space<vmem>>
      %dma_start3A_932 = tpu.memref_squeeze %dma_start3A_931 : memref<1x640x16xf32, #tpu.memory_space<vmem>> -> memref<640x16xf32, #tpu.memory_space<vmem>>
      %dma_start3A_933 = arith.constant 0 : i32
      %dma_start3A_934 = arith.constant 0 : i32
      %dma_start3A_935 = tpu.memref_slice %arg11[%dma_start3A_933, %dma_start3A_934] : memref<10240x16xf32, #tpu.memory_space<vmem_shared>> -> memref<10240x16xf32, #tpu.memory_space<vmem_shared>>
      %dma_start3A_936 = tpu.memref_slice %arg13[%dma_start3A_928] : memref<8x!tpu.dma_semaphore, #tpu.memory_space<semaphore_mem>> -> memref<1x!tpu.dma_semaphore, #tpu.memory_space<semaphore_mem>>
      %dma_start3A_937 = tpu.memref_squeeze %dma_start3A_936 : memref<1x!tpu.dma_semaphore, #tpu.memory_space<semaphore_mem>> -> memref<!tpu.dma_semaphore, #tpu.memory_space<semaphore_mem>>
      tpu.enqueue_indirect_dma source(%dma_start3A_932 : memref<640x16xf32, #tpu.memory_space<vmem>>) target(%dma_start3A_935 : memref<10240x16xf32, #tpu.memory_space<vmem_shared>>) offsets(%arg9 : memref<640xi32, #tpu.memory_space<vmem>>) semaphore(%dma_start3A_937 : memref<!tpu.dma_semaphore, #tpu.memory_space<semaphore_mem>>) {add = true}
      %dma_wait3A_938 = arith.constant 4 : i32
      %dma_wait3A_939 = arith.constant 4 : i32
      %dma_wait3A_940 = arith.constant 0 : i32
      %dma_wait3A_941 = arith.constant 0 : i32
      %dma_wait3A_942 = tpu.memref_slice %arg7[%dma_wait3A_938, %dma_wait3A_940, %dma_wait3A_941] : memref<8x640x16xf32, #tpu.memory_space<vmem>> -> memref<1x640x16xf32, #tpu.memory_space<vmem>>
      %dma_wait3A_943 = tpu.memref_squeeze %dma_wait3A_942 : memref<1x640x16xf32, #tpu.memory_space<vmem>> -> memref<640x16xf32, #tpu.memory_space<vmem>>
      %dma_wait3A_944 = arith.constant 0 : i32
      %dma_wait3A_945 = arith.constant 0 : i32
      %dma_wait3A_946 = tpu.memref_slice %arg11[%dma_wait3A_944, %dma_wait3A_945] : memref<10240x16xf32, #tpu.memory_space<vmem_shared>> -> memref<10240x16xf32, #tpu.memory_space<vmem_shared>>
      %dma_wait3A_947 = tpu.memref_slice %arg13[%dma_wait3A_939] : memref<8x!tpu.dma_semaphore, #tpu.memory_space<semaphore_mem>> -> memref<1x!tpu.dma_semaphore, #tpu.memory_space<semaphore_mem>>
      %dma_wait3A_948 = tpu.memref_squeeze %dma_wait3A_947 : memref<1x!tpu.dma_semaphore, #tpu.memory_space<semaphore_mem>> -> memref<!tpu.dma_semaphore, #tpu.memory_space<semaphore_mem>>
      tpu.wait_indirect_dma semaphore(%dma_wait3A_948 : memref<!tpu.dma_semaphore, #tpu.memory_space<semaphore_mem>>) src(%dma_wait3A_943 : memref<640x16xf32, #tpu.memory_space<vmem>>) dst(%dma_wait3A_946 : memref<10240x16xf32, #tpu.memory_space<vmem_shared>>)
      %add3A_949 = arith.constant 4 : i32
      %add3A_950 = arith.addi %add3A_912, %add3A_949 : i32
      %dma_start3A_951 = arith.constant 4 : i32
      %dma_start3A_952 = arith.constant 4 : i32
      %dma_start3A_953 = arith.constant 0 : i32
      %dma_start3A_954 = arith.constant 0 : i32
      %dma_start3A_955 = tpu.memref_slice %arg7[%dma_start3A_951, %dma_start3A_953, %dma_start3A_954] : memref<8x640x16xf32, #tpu.memory_space<vmem>> -> memref<1x640x16xf32, #tpu.memory_space<vmem>>
      %dma_start3A_956 = tpu.memref_squeeze %dma_start3A_955 : memref<1x640x16xf32, #tpu.memory_space<vmem>> -> memref<640x16xf32, #tpu.memory_space<vmem>>
      %dma_start3A_957 = arith.constant 0 : i32
      %dma_start3A_958 = tpu.memref_slice %arg6[%add3A_950, %dma_start3A_957] : memref<40x640xi32, #tpu.memory_space<vmem>> -> memref<1x640xi32, #tpu.memory_space<vmem>>
      %dma_start3A_959 = tpu.memref_squeeze %dma_start3A_958 : memref<1x640xi32, #tpu.memory_space<vmem>> -> memref<640xi32, #tpu.memory_space<vmem>>
      %dma_start3A_960 = arith.constant 0 : i32
      %dma_start3A_961 = arith.constant 0 : i32
      %dma_start3A_962 = tpu.memref_slice %arg3[%dma_start3A_960, %dma_start3A_961] : memref<102400x16xf32, #tpu.memory_space<hbm>> -> memref<102400x16xf32, #tpu.memory_space<hbm>>
      %dma_start3A_963 = tpu.memref_slice %arg12[%dma_start3A_952] : memref<8x!tpu.dma_semaphore, #tpu.memory_space<semaphore_mem>> -> memref<1x!tpu.dma_semaphore, #tpu.memory_space<semaphore_mem>>
      %dma_start3A_964 = tpu.memref_squeeze %dma_start3A_963 : memref<1x!tpu.dma_semaphore, #tpu.memory_space<semaphore_mem>> -> memref<!tpu.dma_semaphore, #tpu.memory_space<semaphore_mem>>
      tpu.enqueue_indirect_dma source(%dma_start3A_962 : memref<102400x16xf32, #tpu.memory_space<hbm>>) target(%dma_start3A_956 : memref<640x16xf32, #tpu.memory_space<vmem>>) offsets(%dma_start3A_959 : memref<640xi32, #tpu.memory_space<vmem>>) semaphore(%dma_start3A_964 : memref<!tpu.dma_semaphore, #tpu.memory_space<semaphore_mem>>)
      %add3A_965 = arith.constant 1 : i32
      %add3A_966 = arith.addi %mul3A_910, %add3A_965 : i32
      %dma_wait3A_967 = arith.constant 1 : i32
      %dma_wait3A_968 = arith.constant 1 : i32
      %dma_wait3A_969 = arith.constant 0 : i32
      %dma_wait3A_970 = arith.constant 0 : i32
      %dma_wait3A_971 = tpu.memref_slice %arg7[%dma_wait3A_967, %dma_wait3A_969, %dma_wait3A_970] : memref<8x640x16xf32, #tpu.memory_space<vmem>> -> memref<1x640x16xf32, #tpu.memory_space<vmem>>
      %dma_wait3A_972 = tpu.memref_squeeze %dma_wait3A_971 : memref<1x640x16xf32, #tpu.memory_space<vmem>> -> memref<640x16xf32, #tpu.memory_space<vmem>>
      %dma_wait3A_973 = arith.constant 0 : i32
      %dma_wait3A_974 = tpu.memref_slice %arg6[%add3A_966, %dma_wait3A_973] : memref<40x640xi32, #tpu.memory_space<vmem>> -> memref<1x640xi32, #tpu.memory_space<vmem>>
      %dma_wait3A_975 = tpu.memref_squeeze %dma_wait3A_974 : memref<1x640xi32, #tpu.memory_space<vmem>> -> memref<640xi32, #tpu.memory_space<vmem>>
      %dma_wait3A_976 = arith.constant 0 : i32
      %dma_wait3A_977 = arith.constant 0 : i32
      %dma_wait3A_978 = tpu.memref_slice %arg3[%dma_wait3A_976, %dma_wait3A_977] : memref<102400x16xf32, #tpu.memory_space<hbm>> -> memref<102400x16xf32, #tpu.memory_space<hbm>>
      %dma_wait3A_979 = tpu.memref_slice %arg12[%dma_wait3A_968] : memref<8x!tpu.dma_semaphore, #tpu.memory_space<semaphore_mem>> -> memref<1x!tpu.dma_semaphore, #tpu.memory_space<semaphore_mem>>
      %dma_wait3A_980 = tpu.memref_squeeze %dma_wait3A_979 : memref<1x!tpu.dma_semaphore, #tpu.memory_space<semaphore_mem>> -> memref<!tpu.dma_semaphore, #tpu.memory_space<semaphore_mem>>
      tpu.wait_indirect_dma semaphore(%dma_wait3A_980 : memref<!tpu.dma_semaphore, #tpu.memory_space<semaphore_mem>>) src(%dma_wait3A_978 : memref<102400x16xf32, #tpu.memory_space<hbm>>) dst(%dma_wait3A_972 : memref<640x16xf32, #tpu.memory_space<vmem>>)
      %dma_start3A_981 = arith.constant 1 : i32
      %dma_start3A_982 = arith.constant 1 : i32
      %dma_start3A_983 = arith.constant 0 : i32
      %dma_start3A_984 = arith.constant 0 : i32
      %dma_start3A_985 = tpu.memref_slice %arg7[%dma_start3A_981, %dma_start3A_983, %dma_start3A_984] : memref<8x640x16xf32, #tpu.memory_space<vmem>> -> memref<1x640x16xf32, #tpu.memory_space<vmem>>
      %dma_start3A_986 = tpu.memref_squeeze %dma_start3A_985 : memref<1x640x16xf32, #tpu.memory_space<vmem>> -> memref<640x16xf32, #tpu.memory_space<vmem>>
      %dma_start3A_987 = arith.constant 0 : i32
      %dma_start3A_988 = arith.constant 0 : i32
      %dma_start3A_989 = tpu.memref_slice %arg11[%dma_start3A_987, %dma_start3A_988] : memref<10240x16xf32, #tpu.memory_space<vmem_shared>> -> memref<10240x16xf32, #tpu.memory_space<vmem_shared>>
      %dma_start3A_990 = tpu.memref_slice %arg13[%dma_start3A_982] : memref<8x!tpu.dma_semaphore, #tpu.memory_space<semaphore_mem>> -> memref<1x!tpu.dma_semaphore, #tpu.memory_space<semaphore_mem>>
      %dma_start3A_991 = tpu.memref_squeeze %dma_start3A_990 : memref<1x!tpu.dma_semaphore, #tpu.memory_space<semaphore_mem>> -> memref<!tpu.dma_semaphore, #tpu.memory_space<semaphore_mem>>
      tpu.enqueue_indirect_dma source(%dma_start3A_986 : memref<640x16xf32, #tpu.memory_space<vmem>>) target(%dma_start3A_989 : memref<10240x16xf32, #tpu.memory_space<vmem_shared>>) offsets(%arg9 : memref<640xi32, #tpu.memory_space<vmem>>) semaphore(%dma_start3A_991 : memref<!tpu.dma_semaphore, #tpu.memory_space<semaphore_mem>>) {add = true}
      %dma_wait3A_992 = arith.constant 5 : i32
      %dma_wait3A_993 = arith.constant 5 : i32
      %dma_wait3A_994 = arith.constant 0 : i32
      %dma_wait3A_995 = arith.constant 0 : i32
      %dma_wait3A_996 = tpu.memref_slice %arg7[%dma_wait3A_992, %dma_wait3A_994, %dma_wait3A_995] : memref<8x640x16xf32, #tpu.memory_space<vmem>> -> memref<1x640x16xf32, #tpu.memory_space<vmem>>
      %dma_wait3A_997 = tpu.memref_squeeze %dma_wait3A_996 : memref<1x640x16xf32, #tpu.memory_space<vmem>> -> memref<640x16xf32, #tpu.memory_space<vmem>>
      %dma_wait3A_998 = arith.constant 0 : i32
      %dma_wait3A_999 = arith.constant 0 : i32
      %dma_wait3A_1000 = tpu.memref_slice %arg11[%dma_wait3A_998, %dma_wait3A_999] : memref<10240x16xf32, #tpu.memory_space<vmem_shared>> -> memref<10240x16xf32, #tpu.memory_space<vmem_shared>>
      %dma_wait3A_1001 = tpu.memref_slice %arg13[%dma_wait3A_993] : memref<8x!tpu.dma_semaphore, #tpu.memory_space<semaphore_mem>> -> memref<1x!tpu.dma_semaphore, #tpu.memory_space<semaphore_mem>>
      %dma_wait3A_1002 = tpu.memref_squeeze %dma_wait3A_1001 : memref<1x!tpu.dma_semaphore, #tpu.memory_space<semaphore_mem>> -> memref<!tpu.dma_semaphore, #tpu.memory_space<semaphore_mem>>
      tpu.wait_indirect_dma semaphore(%dma_wait3A_1002 : memref<!tpu.dma_semaphore, #tpu.memory_space<semaphore_mem>>) src(%dma_wait3A_997 : memref<640x16xf32, #tpu.memory_space<vmem>>) dst(%dma_wait3A_1000 : memref<10240x16xf32, #tpu.memory_space<vmem_shared>>)
      %add3A_1003 = arith.constant 4 : i32
      %add3A_1004 = arith.addi %add3A_966, %add3A_1003 : i32
      %dma_start3A_1005 = arith.constant 5 : i32
      %dma_start3A_1006 = arith.constant 5 : i32
      %dma_start3A_1007 = arith.constant 0 : i32
      %dma_start3A_1008 = arith.constant 0 : i32
      %dma_start3A_1009 = tpu.memref_slice %arg7[%dma_start3A_1005, %dma_start3A_1007, %dma_start3A_1008] : memref<8x640x16xf32, #tpu.memory_space<vmem>> -> memref<1x640x16xf32, #tpu.memory_space<vmem>>
      %dma_start3A_1010 = tpu.memref_squeeze %dma_start3A_1009 : memref<1x640x16xf32, #tpu.memory_space<vmem>> -> memref<640x16xf32, #tpu.memory_space<vmem>>
      %dma_start3A_1011 = arith.constant 0 : i32
      %dma_start3A_1012 = tpu.memref_slice %arg6[%add3A_1004, %dma_start3A_1011] : memref<40x640xi32, #tpu.memory_space<vmem>> -> memref<1x640xi32, #tpu.memory_space<vmem>>
      %dma_start3A_1013 = tpu.memref_squeeze %dma_start3A_1012 : memref<1x640xi32, #tpu.memory_space<vmem>> -> memref<640xi32, #tpu.memory_space<vmem>>
      %dma_start3A_1014 = arith.constant 0 : i32
      %dma_start3A_1015 = arith.constant 0 : i32
      %dma_start3A_1016 = tpu.memref_slice %arg3[%dma_start3A_1014, %dma_start3A_1015] : memref<102400x16xf32, #tpu.memory_space<hbm>> -> memref<102400x16xf32, #tpu.memory_space<hbm>>
      %dma_start3A_1017 = tpu.memref_slice %arg12[%dma_start3A_1006] : memref<8x!tpu.dma_semaphore, #tpu.memory_space<semaphore_mem>> -> memref<1x!tpu.dma_semaphore, #tpu.memory_space<semaphore_mem>>
      %dma_start3A_1018 = tpu.memref_squeeze %dma_start3A_1017 : memref<1x!tpu.dma_semaphore, #tpu.memory_space<semaphore_mem>> -> memref<!tpu.dma_semaphore, #tpu.memory_space<semaphore_mem>>
      tpu.enqueue_indirect_dma source(%dma_start3A_1016 : memref<102400x16xf32, #tpu.memory_space<hbm>>) target(%dma_start3A_1010 : memref<640x16xf32, #tpu.memory_space<vmem>>) offsets(%dma_start3A_1013 : memref<640xi32, #tpu.memory_space<vmem>>) semaphore(%dma_start3A_1018 : memref<!tpu.dma_semaphore, #tpu.memory_space<semaphore_mem>>)
      %add3A_1019 = arith.constant 2 : i32
      %add3A_1020 = arith.addi %mul3A_910, %add3A_1019 : i32
      %dma_wait3A_1021 = arith.constant 2 : i32
      %dma_wait3A_1022 = arith.constant 2 : i32
      %dma_wait3A_1023 = arith.constant 0 : i32
      %dma_wait3A_1024 = arith.constant 0 : i32
      %dma_wait3A_1025 = tpu.memref_slice %arg7[%dma_wait3A_1021, %dma_wait3A_1023, %dma_wait3A_1024] : memref<8x640x16xf32, #tpu.memory_space<vmem>> -> memref<1x640x16xf32, #tpu.memory_space<vmem>>
      %dma_wait3A_1026 = tpu.memref_squeeze %dma_wait3A_1025 : memref<1x640x16xf32, #tpu.memory_space<vmem>> -> memref<640x16xf32, #tpu.memory_space<vmem>>
      %dma_wait3A_1027 = arith.constant 0 : i32
      %dma_wait3A_1028 = tpu.memref_slice %arg6[%add3A_1020, %dma_wait3A_1027] : memref<40x640xi32, #tpu.memory_space<vmem>> -> memref<1x640xi32, #tpu.memory_space<vmem>>
      %dma_wait3A_1029 = tpu.memref_squeeze %dma_wait3A_1028 : memref<1x640xi32, #tpu.memory_space<vmem>> -> memref<640xi32, #tpu.memory_space<vmem>>
      %dma_wait3A_1030 = arith.constant 0 : i32
      %dma_wait3A_1031 = arith.constant 0 : i32
      %dma_wait3A_1032 = tpu.memref_slice %arg3[%dma_wait3A_1030, %dma_wait3A_1031] : memref<102400x16xf32, #tpu.memory_space<hbm>> -> memref<102400x16xf32, #tpu.memory_space<hbm>>
      %dma_wait3A_1033 = tpu.memref_slice %arg12[%dma_wait3A_1022] : memref<8x!tpu.dma_semaphore, #tpu.memory_space<semaphore_mem>> -> memref<1x!tpu.dma_semaphore, #tpu.memory_space<semaphore_mem>>
      %dma_wait3A_1034 = tpu.memref_squeeze %dma_wait3A_1033 : memref<1x!tpu.dma_semaphore, #tpu.memory_space<semaphore_mem>> -> memref<!tpu.dma_semaphore, #tpu.memory_space<semaphore_mem>>
      tpu.wait_indirect_dma semaphore(%dma_wait3A_1034 : memref<!tpu.dma_semaphore, #tpu.memory_space<semaphore_mem>>) src(%dma_wait3A_1032 : memref<102400x16xf32, #tpu.memory_space<hbm>>) dst(%dma_wait3A_1026 : memref<640x16xf32, #tpu.memory_space<vmem>>)
      %dma_start3A_1035 = arith.constant 2 : i32
      %dma_start3A_1036 = arith.constant 2 : i32
      %dma_start3A_1037 = arith.constant 0 : i32
      %dma_start3A_1038 = arith.constant 0 : i32
      %dma_start3A_1039 = tpu.memref_slice %arg7[%dma_start3A_1035, %dma_start3A_1037, %dma_start3A_1038] : memref<8x640x16xf32, #tpu.memory_space<vmem>> -> memref<1x640x16xf32, #tpu.memory_space<vmem>>
      %dma_start3A_1040 = tpu.memref_squeeze %dma_start3A_1039 : memref<1x640x16xf32, #tpu.memory_space<vmem>> -> memref<640x16xf32, #tpu.memory_space<vmem>>
      %dma_start3A_1041 = arith.constant 0 : i32
      %dma_start3A_1042 = arith.constant 0 : i32
      %dma_start3A_1043 = tpu.memref_slice %arg11[%dma_start3A_1041, %dma_start3A_1042] : memref<10240x16xf32, #tpu.memory_space<vmem_shared>> -> memref<10240x16xf32, #tpu.memory_space<vmem_shared>>
      %dma_start3A_1044 = tpu.memref_slice %arg13[%dma_start3A_1036] : memref<8x!tpu.dma_semaphore, #tpu.memory_space<semaphore_mem>> -> memref<1x!tpu.dma_semaphore, #tpu.memory_space<semaphore_mem>>
      %dma_start3A_1045 = tpu.memref_squeeze %dma_start3A_1044 : memref<1x!tpu.dma_semaphore, #tpu.memory_space<semaphore_mem>> -> memref<!tpu.dma_semaphore, #tpu.memory_space<semaphore_mem>>
      tpu.enqueue_indirect_dma source(%dma_start3A_1040 : memref<640x16xf32, #tpu.memory_space<vmem>>) target(%dma_start3A_1043 : memref<10240x16xf32, #tpu.memory_space<vmem_shared>>) offsets(%arg9 : memref<640xi32, #tpu.memory_space<vmem>>) semaphore(%dma_start3A_1045 : memref<!tpu.dma_semaphore, #tpu.memory_space<semaphore_mem>>) {add = true}
      %dma_wait3A_1046 = arith.constant 6 : i32
      %dma_wait3A_1047 = arith.constant 6 : i32
      %dma_wait3A_1048 = arith.constant 0 : i32
      %dma_wait3A_1049 = arith.constant 0 : i32
      %dma_wait3A_1050 = tpu.memref_slice %arg7[%dma_wait3A_1046, %dma_wait3A_1048, %dma_wait3A_1049] : memref<8x640x16xf32, #tpu.memory_space<vmem>> -> memref<1x640x16xf32, #tpu.memory_space<vmem>>
      %dma_wait3A_1051 = tpu.memref_squeeze %dma_wait3A_1050 : memref<1x640x16xf32, #tpu.memory_space<vmem>> -> memref<640x16xf32, #tpu.memory_space<vmem>>
      %dma_wait3A_1052 = arith.constant 0 : i32
      %dma_wait3A_1053 = arith.constant 0 : i32
      %dma_wait3A_1054 = tpu.memref_slice %arg11[%dma_wait3A_1052, %dma_wait3A_1053] : memref<10240x16xf32, #tpu.memory_space<vmem_shared>> -> memref<10240x16xf32, #tpu.memory_space<vmem_shared>>
      %dma_wait3A_1055 = tpu.memref_slice %arg13[%dma_wait3A_1047] : memref<8x!tpu.dma_semaphore, #tpu.memory_space<semaphore_mem>> -> memref<1x!tpu.dma_semaphore, #tpu.memory_space<semaphore_mem>>
      %dma_wait3A_1056 = tpu.memref_squeeze %dma_wait3A_1055 : memref<1x!tpu.dma_semaphore, #tpu.memory_space<semaphore_mem>> -> memref<!tpu.dma_semaphore, #tpu.memory_space<semaphore_mem>>
      tpu.wait_indirect_dma semaphore(%dma_wait3A_1056 : memref<!tpu.dma_semaphore, #tpu.memory_space<semaphore_mem>>) src(%dma_wait3A_1051 : memref<640x16xf32, #tpu.memory_space<vmem>>) dst(%dma_wait3A_1054 : memref<10240x16xf32, #tpu.memory_space<vmem_shared>>)
      %add3A_1057 = arith.constant 4 : i32
      %add3A_1058 = arith.addi %add3A_1020, %add3A_1057 : i32
      %dma_start3A_1059 = arith.constant 6 : i32
      %dma_start3A_1060 = arith.constant 6 : i32
      %dma_start3A_1061 = arith.constant 0 : i32
      %dma_start3A_1062 = arith.constant 0 : i32
      %dma_start3A_1063 = tpu.memref_slice %arg7[%dma_start3A_1059, %dma_start3A_1061, %dma_start3A_1062] : memref<8x640x16xf32, #tpu.memory_space<vmem>> -> memref<1x640x16xf32, #tpu.memory_space<vmem>>
      %dma_start3A_1064 = tpu.memref_squeeze %dma_start3A_1063 : memref<1x640x16xf32, #tpu.memory_space<vmem>> -> memref<640x16xf32, #tpu.memory_space<vmem>>
      %dma_start3A_1065 = arith.constant 0 : i32
      %dma_start3A_1066 = tpu.memref_slice %arg6[%add3A_1058, %dma_start3A_1065] : memref<40x640xi32, #tpu.memory_space<vmem>> -> memref<1x640xi32, #tpu.memory_space<vmem>>
      %dma_start3A_1067 = tpu.memref_squeeze %dma_start3A_1066 : memref<1x640xi32, #tpu.memory_space<vmem>> -> memref<640xi32, #tpu.memory_space<vmem>>
      %dma_start3A_1068 = arith.constant 0 : i32
      %dma_start3A_1069 = arith.constant 0 : i32
      %dma_start3A_1070 = tpu.memref_slice %arg3[%dma_start3A_1068, %dma_start3A_1069] : memref<102400x16xf32, #tpu.memory_space<hbm>> -> memref<102400x16xf32, #tpu.memory_space<hbm>>
      %dma_start3A_1071 = tpu.memref_slice %arg12[%dma_start3A_1060] : memref<8x!tpu.dma_semaphore, #tpu.memory_space<semaphore_mem>> -> memref<1x!tpu.dma_semaphore, #tpu.memory_space<semaphore_mem>>
      %dma_start3A_1072 = tpu.memref_squeeze %dma_start3A_1071 : memref<1x!tpu.dma_semaphore, #tpu.memory_space<semaphore_mem>> -> memref<!tpu.dma_semaphore, #tpu.memory_space<semaphore_mem>>
      tpu.enqueue_indirect_dma source(%dma_start3A_1070 : memref<102400x16xf32, #tpu.memory_space<hbm>>) target(%dma_start3A_1064 : memref<640x16xf32, #tpu.memory_space<vmem>>) offsets(%dma_start3A_1067 : memref<640xi32, #tpu.memory_space<vmem>>) semaphore(%dma_start3A_1072 : memref<!tpu.dma_semaphore, #tpu.memory_space<semaphore_mem>>)
      %add3A_1073 = arith.constant 3 : i32
      %add3A_1074 = arith.addi %mul3A_910, %add3A_1073 : i32
      %dma_wait3A_1075 = arith.constant 3 : i32
      %dma_wait3A_1076 = arith.constant 3 : i32
      %dma_wait3A_1077 = arith.constant 0 : i32
      %dma_wait3A_1078 = arith.constant 0 : i32
      %dma_wait3A_1079 = tpu.memref_slice %arg7[%dma_wait3A_1075, %dma_wait3A_1077, %dma_wait3A_1078] : memref<8x640x16xf32, #tpu.memory_space<vmem>> -> memref<1x640x16xf32, #tpu.memory_space<vmem>>
      %dma_wait3A_1080 = tpu.memref_squeeze %dma_wait3A_1079 : memref<1x640x16xf32, #tpu.memory_space<vmem>> -> memref<640x16xf32, #tpu.memory_space<vmem>>
      %dma_wait3A_1081 = arith.constant 0 : i32
      %dma_wait3A_1082 = tpu.memref_slice %arg6[%add3A_1074, %dma_wait3A_1081] : memref<40x640xi32, #tpu.memory_space<vmem>> -> memref<1x640xi32, #tpu.memory_space<vmem>>
      %dma_wait3A_1083 = tpu.memref_squeeze %dma_wait3A_1082 : memref<1x640xi32, #tpu.memory_space<vmem>> -> memref<640xi32, #tpu.memory_space<vmem>>
      %dma_wait3A_1084 = arith.constant 0 : i32
      %dma_wait3A_1085 = arith.constant 0 : i32
      %dma_wait3A_1086 = tpu.memref_slice %arg3[%dma_wait3A_1084, %dma_wait3A_1085] : memref<102400x16xf32, #tpu.memory_space<hbm>> -> memref<102400x16xf32, #tpu.memory_space<hbm>>
      %dma_wait3A_1087 = tpu.memref_slice %arg12[%dma_wait3A_1076] : memref<8x!tpu.dma_semaphore, #tpu.memory_space<semaphore_mem>> -> memref<1x!tpu.dma_semaphore, #tpu.memory_space<semaphore_mem>>
      %dma_wait3A_1088 = tpu.memref_squeeze %dma_wait3A_1087 : memref<1x!tpu.dma_semaphore, #tpu.memory_space<semaphore_mem>> -> memref<!tpu.dma_semaphore, #tpu.memory_space<semaphore_mem>>
      tpu.wait_indirect_dma semaphore(%dma_wait3A_1088 : memref<!tpu.dma_semaphore, #tpu.memory_space<semaphore_mem>>) src(%dma_wait3A_1086 : memref<102400x16xf32, #tpu.memory_space<hbm>>) dst(%dma_wait3A_1080 : memref<640x16xf32, #tpu.memory_space<vmem>>)
      %dma_start3A_1089 = arith.constant 3 : i32
      %dma_start3A_1090 = arith.constant 3 : i32
      %dma_start3A_1091 = arith.constant 0 : i32
      %dma_start3A_1092 = arith.constant 0 : i32
      %dma_start3A_1093 = tpu.memref_slice %arg7[%dma_start3A_1089, %dma_start3A_1091, %dma_start3A_1092] : memref<8x640x16xf32, #tpu.memory_space<vmem>> -> memref<1x640x16xf32, #tpu.memory_space<vmem>>
      %dma_start3A_1094 = tpu.memref_squeeze %dma_start3A_1093 : memref<1x640x16xf32, #tpu.memory_space<vmem>> -> memref<640x16xf32, #tpu.memory_space<vmem>>
      %dma_start3A_1095 = arith.constant 0 : i32
      %dma_start3A_1096 = arith.constant 0 : i32
      %dma_start3A_1097 = tpu.memref_slice %arg11[%dma_start3A_1095, %dma_start3A_1096] : memref<10240x16xf32, #tpu.memory_space<vmem_shared>> -> memref<10240x16xf32, #tpu.memory_space<vmem_shared>>
      %dma_start3A_1098 = tpu.memref_slice %arg13[%dma_start3A_1090] : memref<8x!tpu.dma_semaphore, #tpu.memory_space<semaphore_mem>> -> memref<1x!tpu.dma_semaphore, #tpu.memory_space<semaphore_mem>>
      %dma_start3A_1099 = tpu.memref_squeeze %dma_start3A_1098 : memref<1x!tpu.dma_semaphore, #tpu.memory_space<semaphore_mem>> -> memref<!tpu.dma_semaphore, #tpu.memory_space<semaphore_mem>>
      tpu.enqueue_indirect_dma source(%dma_start3A_1094 : memref<640x16xf32, #tpu.memory_space<vmem>>) target(%dma_start3A_1097 : memref<10240x16xf32, #tpu.memory_space<vmem_shared>>) offsets(%arg9 : memref<640xi32, #tpu.memory_space<vmem>>) semaphore(%dma_start3A_1099 : memref<!tpu.dma_semaphore, #tpu.memory_space<semaphore_mem>>) {add = true}
      %dma_wait3A_1100 = arith.constant 7 : i32
      %dma_wait3A_1101 = arith.constant 7 : i32
      %dma_wait3A_1102 = arith.constant 0 : i32
      %dma_wait3A_1103 = arith.constant 0 : i32
      %dma_wait3A_1104 = tpu.memref_slice %arg7[%dma_wait3A_1100, %dma_wait3A_1102, %dma_wait3A_1103] : memref<8x640x16xf32, #tpu.memory_space<vmem>> -> memref<1x640x16xf32, #tpu.memory_space<vmem>>
      %dma_wait3A_1105 = tpu.memref_squeeze %dma_wait3A_1104 : memref<1x640x16xf32, #tpu.memory_space<vmem>> -> memref<640x16xf32, #tpu.memory_space<vmem>>
      %dma_wait3A_1106 = arith.constant 0 : i32
      %dma_wait3A_1107 = arith.constant 0 : i32
      %dma_wait3A_1108 = tpu.memref_slice %arg11[%dma_wait3A_1106, %dma_wait3A_1107] : memref<10240x16xf32, #tpu.memory_space<vmem_shared>> -> memref<10240x16xf32, #tpu.memory_space<vmem_shared>>
      %dma_wait3A_1109 = tpu.memref_slice %arg13[%dma_wait3A_1101] : memref<8x!tpu.dma_semaphore, #tpu.memory_space<semaphore_mem>> -> memref<1x!tpu.dma_semaphore, #tpu.memory_space<semaphore_mem>>
      %dma_wait3A_1110 = tpu.memref_squeeze %dma_wait3A_1109 : memref<1x!tpu.dma_semaphore, #tpu.memory_space<semaphore_mem>> -> memref<!tpu.dma_semaphore, #tpu.memory_space<semaphore_mem>>
      tpu.wait_indirect_dma semaphore(%dma_wait3A_1110 : memref<!tpu.dma_semaphore, #tpu.memory_space<semaphore_mem>>) src(%dma_wait3A_1105 : memref<640x16xf32, #tpu.memory_space<vmem>>) dst(%dma_wait3A_1108 : memref<10240x16xf32, #tpu.memory_space<vmem_shared>>)
      %add3A_1111 = arith.constant 4 : i32
      %add3A_1112 = arith.addi %add3A_1074, %add3A_1111 : i32
      %dma_start3A_1113 = arith.constant 7 : i32
      %dma_start3A_1114 = arith.constant 7 : i32
      %dma_start3A_1115 = arith.constant 0 : i32
      %dma_start3A_1116 = arith.constant 0 : i32
      %dma_start3A_1117 = tpu.memref_slice %arg7[%dma_start3A_1113, %dma_start3A_1115, %dma_start3A_1116] : memref<8x640x16xf32, #tpu.memory_space<vmem>> -> memref<1x640x16xf32, #tpu.memory_space<vmem>>
      %dma_start3A_1118 = tpu.memref_squeeze %dma_start3A_1117 : memref<1x640x16xf32, #tpu.memory_space<vmem>> -> memref<640x16xf32, #tpu.memory_space<vmem>>
      %dma_start3A_1119 = arith.constant 0 : i32
      %dma_start3A_1120 = tpu.memref_slice %arg6[%add3A_1112, %dma_start3A_1119] : memref<40x640xi32, #tpu.memory_space<vmem>> -> memref<1x640xi32, #tpu.memory_space<vmem>>
      %dma_start3A_1121 = tpu.memref_squeeze %dma_start3A_1120 : memref<1x640xi32, #tpu.memory_space<vmem>> -> memref<640xi32, #tpu.memory_space<vmem>>
      %dma_start3A_1122 = arith.constant 0 : i32
      %dma_start3A_1123 = arith.constant 0 : i32
      %dma_start3A_1124 = tpu.memref_slice %arg3[%dma_start3A_1122, %dma_start3A_1123] : memref<102400x16xf32, #tpu.memory_space<hbm>> -> memref<102400x16xf32, #tpu.memory_space<hbm>>
      %dma_start3A_1125 = tpu.memref_slice %arg12[%dma_start3A_1114] : memref<8x!tpu.dma_semaphore, #tpu.memory_space<semaphore_mem>> -> memref<1x!tpu.dma_semaphore, #tpu.memory_space<semaphore_mem>>
      %dma_start3A_1126 = tpu.memref_squeeze %dma_start3A_1125 : memref<1x!tpu.dma_semaphore, #tpu.memory_space<semaphore_mem>> -> memref<!tpu.dma_semaphore, #tpu.memory_space<semaphore_mem>>
      tpu.enqueue_indirect_dma source(%dma_start3A_1124 : memref<102400x16xf32, #tpu.memory_space<hbm>>) target(%dma_start3A_1118 : memref<640x16xf32, #tpu.memory_space<vmem>>) offsets(%dma_start3A_1121 : memref<640xi32, #tpu.memory_space<vmem>>) semaphore(%dma_start3A_1126 : memref<!tpu.dma_semaphore, #tpu.memory_space<semaphore_mem>>)
      %add3A_1127 = arith.constant 4 : i32
      %add3A_1128 = arith.addi %mul3A_910, %add3A_1127 : i32
      %dma_wait3A_1129 = arith.constant 4 : i32
      %dma_wait3A_1130 = arith.constant 4 : i32
      %dma_wait3A_1131 = arith.constant 0 : i32
      %dma_wait3A_1132 = arith.constant 0 : i32
      %dma_wait3A_1133 = tpu.memref_slice %arg7[%dma_wait3A_1129, %dma_wait3A_1131, %dma_wait3A_1132] : memref<8x640x16xf32, #tpu.memory_space<vmem>> -> memref<1x640x16xf32, #tpu.memory_space<vmem>>
      %dma_wait3A_1134 = tpu.memref_squeeze %dma_wait3A_1133 : memref<1x640x16xf32, #tpu.memory_space<vmem>> -> memref<640x16xf32, #tpu.memory_space<vmem>>
      %dma_wait3A_1135 = arith.constant 0 : i32
      %dma_wait3A_1136 = tpu.memref_slice %arg6[%add3A_1128, %dma_wait3A_1135] : memref<40x640xi32, #tpu.memory_space<vmem>> -> memref<1x640xi32, #tpu.memory_space<vmem>>
      %dma_wait3A_1137 = tpu.memref_squeeze %dma_wait3A_1136 : memref<1x640xi32, #tpu.memory_space<vmem>> -> memref<640xi32, #tpu.memory_space<vmem>>
      %dma_wait3A_1138 = arith.constant 0 : i32
      %dma_wait3A_1139 = arith.constant 0 : i32
      %dma_wait3A_1140 = tpu.memref_slice %arg3[%dma_wait3A_1138, %dma_wait3A_1139] : memref<102400x16xf32, #tpu.memory_space<hbm>> -> memref<102400x16xf32, #tpu.memory_space<hbm>>
      %dma_wait3A_1141 = tpu.memref_slice %arg12[%dma_wait3A_1130] : memref<8x!tpu.dma_semaphore, #tpu.memory_space<semaphore_mem>> -> memref<1x!tpu.dma_semaphore, #tpu.memory_space<semaphore_mem>>
      %dma_wait3A_1142 = tpu.memref_squeeze %dma_wait3A_1141 : memref<1x!tpu.dma_semaphore, #tpu.memory_space<semaphore_mem>> -> memref<!tpu.dma_semaphore, #tpu.memory_space<semaphore_mem>>
      tpu.wait_indirect_dma semaphore(%dma_wait3A_1142 : memref<!tpu.dma_semaphore, #tpu.memory_space<semaphore_mem>>) src(%dma_wait3A_1140 : memref<102400x16xf32, #tpu.memory_space<hbm>>) dst(%dma_wait3A_1134 : memref<640x16xf32, #tpu.memory_space<vmem>>)
      %dma_start3A_1143 = arith.constant 4 : i32
      %dma_start3A_1144 = arith.constant 4 : i32
      %dma_start3A_1145 = arith.constant 0 : i32
      %dma_start3A_1146 = arith.constant 0 : i32
      %dma_start3A_1147 = tpu.memref_slice %arg7[%dma_start3A_1143, %dma_start3A_1145, %dma_start3A_1146] : memref<8x640x16xf32, #tpu.memory_space<vmem>> -> memref<1x640x16xf32, #tpu.memory_space<vmem>>
      %dma_start3A_1148 = tpu.memref_squeeze %dma_start3A_1147 : memref<1x640x16xf32, #tpu.memory_space<vmem>> -> memref<640x16xf32, #tpu.memory_space<vmem>>
      %dma_start3A_1149 = arith.constant 0 : i32
      %dma_start3A_1150 = arith.constant 0 : i32
      %dma_start3A_1151 = tpu.memref_slice %arg11[%dma_start3A_1149, %dma_start3A_1150] : memref<10240x16xf32, #tpu.memory_space<vmem_shared>> -> memref<10240x16xf32, #tpu.memory_space<vmem_shared>>
      %dma_start3A_1152 = tpu.memref_slice %arg13[%dma_start3A_1144] : memref<8x!tpu.dma_semaphore, #tpu.memory_space<semaphore_mem>> -> memref<1x!tpu.dma_semaphore, #tpu.memory_space<semaphore_mem>>
      %dma_start3A_1153 = tpu.memref_squeeze %dma_start3A_1152 : memref<1x!tpu.dma_semaphore, #tpu.memory_space<semaphore_mem>> -> memref<!tpu.dma_semaphore, #tpu.memory_space<semaphore_mem>>
      tpu.enqueue_indirect_dma source(%dma_start3A_1148 : memref<640x16xf32, #tpu.memory_space<vmem>>) target(%dma_start3A_1151 : memref<10240x16xf32, #tpu.memory_space<vmem_shared>>) offsets(%arg9 : memref<640xi32, #tpu.memory_space<vmem>>) semaphore(%dma_start3A_1153 : memref<!tpu.dma_semaphore, #tpu.memory_space<semaphore_mem>>) {add = true}
      %dma_wait3A_1154 = arith.constant 0 : i32
      %dma_wait3A_1155 = arith.constant 0 : i32
      %dma_wait3A_1156 = arith.constant 0 : i32
      %dma_wait3A_1157 = arith.constant 0 : i32
      %dma_wait3A_1158 = tpu.memref_slice %arg7[%dma_wait3A_1154, %dma_wait3A_1156, %dma_wait3A_1157] : memref<8x640x16xf32, #tpu.memory_space<vmem>> -> memref<1x640x16xf32, #tpu.memory_space<vmem>>
      %dma_wait3A_1159 = tpu.memref_squeeze %dma_wait3A_1158 : memref<1x640x16xf32, #tpu.memory_space<vmem>> -> memref<640x16xf32, #tpu.memory_space<vmem>>
      %dma_wait3A_1160 = arith.constant 0 : i32
      %dma_wait3A_1161 = arith.constant 0 : i32
      %dma_wait3A_1162 = tpu.memref_slice %arg11[%dma_wait3A_1160, %dma_wait3A_1161] : memref<10240x16xf32, #tpu.memory_space<vmem_shared>> -> memref<10240x16xf32, #tpu.memory_space<vmem_shared>>
      %dma_wait3A_1163 = tpu.memref_slice %arg13[%dma_wait3A_1155] : memref<8x!tpu.dma_semaphore, #tpu.memory_space<semaphore_mem>> -> memref<1x!tpu.dma_semaphore, #tpu.memory_space<semaphore_mem>>
      %dma_wait3A_1164 = tpu.memref_squeeze %dma_wait3A_1163 : memref<1x!tpu.dma_semaphore, #tpu.memory_space<semaphore_mem>> -> memref<!tpu.dma_semaphore, #tpu.memory_space<semaphore_mem>>
      tpu.wait_indirect_dma semaphore(%dma_wait3A_1164 : memref<!tpu.dma_semaphore, #tpu.memory_space<semaphore_mem>>) src(%dma_wait3A_1159 : memref<640x16xf32, #tpu.memory_space<vmem>>) dst(%dma_wait3A_1162 : memref<10240x16xf32, #tpu.memory_space<vmem_shared>>)
      %add3A_1165 = arith.constant 4 : i32
      %add3A_1166 = arith.addi %add3A_1128, %add3A_1165 : i32
      %dma_start3A_1167 = arith.constant 0 : i32
      %dma_start3A_1168 = arith.constant 0 : i32
      %dma_start3A_1169 = arith.constant 0 : i32
      %dma_start3A_1170 = arith.constant 0 : i32
      %dma_start3A_1171 = tpu.memref_slice %arg7[%dma_start3A_1167, %dma_start3A_1169, %dma_start3A_1170] : memref<8x640x16xf32, #tpu.memory_space<vmem>> -> memref<1x640x16xf32, #tpu.memory_space<vmem>>
      %dma_start3A_1172 = tpu.memref_squeeze %dma_start3A_1171 : memref<1x640x16xf32, #tpu.memory_space<vmem>> -> memref<640x16xf32, #tpu.memory_space<vmem>>
      %dma_start3A_1173 = arith.constant 0 : i32
      %dma_start3A_1174 = tpu.memref_slice %arg6[%add3A_1166, %dma_start3A_1173] : memref<40x640xi32, #tpu.memory_space<vmem>> -> memref<1x640xi32, #tpu.memory_space<vmem>>
      %dma_start3A_1175 = tpu.memref_squeeze %dma_start3A_1174 : memref<1x640xi32, #tpu.memory_space<vmem>> -> memref<640xi32, #tpu.memory_space<vmem>>
      %dma_start3A_1176 = arith.constant 0 : i32
      %dma_start3A_1177 = arith.constant 0 : i32
      %dma_start3A_1178 = tpu.memref_slice %arg3[%dma_start3A_1176, %dma_start3A_1177] : memref<102400x16xf32, #tpu.memory_space<hbm>> -> memref<102400x16xf32, #tpu.memory_space<hbm>>
      %dma_start3A_1179 = tpu.memref_slice %arg12[%dma_start3A_1168] : memref<8x!tpu.dma_semaphore, #tpu.memory_space<semaphore_mem>> -> memref<1x!tpu.dma_semaphore, #tpu.memory_space<semaphore_mem>>
      %dma_start3A_1180 = tpu.memref_squeeze %dma_start3A_1179 : memref<1x!tpu.dma_semaphore, #tpu.memory_space<semaphore_mem>> -> memref<!tpu.dma_semaphore, #tpu.memory_space<semaphore_mem>>
      tpu.enqueue_indirect_dma source(%dma_start3A_1178 : memref<102400x16xf32, #tpu.memory_space<hbm>>) target(%dma_start3A_1172 : memref<640x16xf32, #tpu.memory_space<vmem>>) offsets(%dma_start3A_1175 : memref<640xi32, #tpu.memory_space<vmem>>) semaphore(%dma_start3A_1180 : memref<!tpu.dma_semaphore, #tpu.memory_space<semaphore_mem>>)
      %add3A_1181 = arith.constant 5 : i32
      %add3A_1182 = arith.addi %mul3A_910, %add3A_1181 : i32
      %dma_wait3A_1183 = arith.constant 5 : i32
      %dma_wait3A_1184 = arith.constant 5 : i32
      %dma_wait3A_1185 = arith.constant 0 : i32
      %dma_wait3A_1186 = arith.constant 0 : i32
      %dma_wait3A_1187 = tpu.memref_slice %arg7[%dma_wait3A_1183, %dma_wait3A_1185, %dma_wait3A_1186] : memref<8x640x16xf32, #tpu.memory_space<vmem>> -> memref<1x640x16xf32, #tpu.memory_space<vmem>>
      %dma_wait3A_1188 = tpu.memref_squeeze %dma_wait3A_1187 : memref<1x640x16xf32, #tpu.memory_space<vmem>> -> memref<640x16xf32, #tpu.memory_space<vmem>>
      %dma_wait3A_1189 = arith.constant 0 : i32
      %dma_wait3A_1190 = tpu.memref_slice %arg6[%add3A_1182, %dma_wait3A_1189] : memref<40x640xi32, #tpu.memory_space<vmem>> -> memref<1x640xi32, #tpu.memory_space<vmem>>
      %dma_wait3A_1191 = tpu.memref_squeeze %dma_wait3A_1190 : memref<1x640xi32, #tpu.memory_space<vmem>> -> memref<640xi32, #tpu.memory_space<vmem>>
      %dma_wait3A_1192 = arith.constant 0 : i32
      %dma_wait3A_1193 = arith.constant 0 : i32
      %dma_wait3A_1194 = tpu.memref_slice %arg3[%dma_wait3A_1192, %dma_wait3A_1193] : memref<102400x16xf32, #tpu.memory_space<hbm>> -> memref<102400x16xf32, #tpu.memory_space<hbm>>
      %dma_wait3A_1195 = tpu.memref_slice %arg12[%dma_wait3A_1184] : memref<8x!tpu.dma_semaphore, #tpu.memory_space<semaphore_mem>> -> memref<1x!tpu.dma_semaphore, #tpu.memory_space<semaphore_mem>>
      %dma_wait3A_1196 = tpu.memref_squeeze %dma_wait3A_1195 : memref<1x!tpu.dma_semaphore, #tpu.memory_space<semaphore_mem>> -> memref<!tpu.dma_semaphore, #tpu.memory_space<semaphore_mem>>
      tpu.wait_indirect_dma semaphore(%dma_wait3A_1196 : memref<!tpu.dma_semaphore, #tpu.memory_space<semaphore_mem>>) src(%dma_wait3A_1194 : memref<102400x16xf32, #tpu.memory_space<hbm>>) dst(%dma_wait3A_1188 : memref<640x16xf32, #tpu.memory_space<vmem>>)
      %dma_start3A_1197 = arith.constant 5 : i32
      %dma_start3A_1198 = arith.constant 5 : i32
      %dma_start3A_1199 = arith.constant 0 : i32
      %dma_start3A_1200 = arith.constant 0 : i32
      %dma_start3A_1201 = tpu.memref_slice %arg7[%dma_start3A_1197, %dma_start3A_1199, %dma_start3A_1200] : memref<8x640x16xf32, #tpu.memory_space<vmem>> -> memref<1x640x16xf32, #tpu.memory_space<vmem>>
      %dma_start3A_1202 = tpu.memref_squeeze %dma_start3A_1201 : memref<1x640x16xf32, #tpu.memory_space<vmem>> -> memref<640x16xf32, #tpu.memory_space<vmem>>
      %dma_start3A_1203 = arith.constant 0 : i32
      %dma_start3A_1204 = arith.constant 0 : i32
      %dma_start3A_1205 = tpu.memref_slice %arg11[%dma_start3A_1203, %dma_start3A_1204] : memref<10240x16xf32, #tpu.memory_space<vmem_shared>> -> memref<10240x16xf32, #tpu.memory_space<vmem_shared>>
      %dma_start3A_1206 = tpu.memref_slice %arg13[%dma_start3A_1198] : memref<8x!tpu.dma_semaphore, #tpu.memory_space<semaphore_mem>> -> memref<1x!tpu.dma_semaphore, #tpu.memory_space<semaphore_mem>>
      %dma_start3A_1207 = tpu.memref_squeeze %dma_start3A_1206 : memref<1x!tpu.dma_semaphore, #tpu.memory_space<semaphore_mem>> -> memref<!tpu.dma_semaphore, #tpu.memory_space<semaphore_mem>>
      tpu.enqueue_indirect_dma source(%dma_start3A_1202 : memref<640x16xf32, #tpu.memory_space<vmem>>) target(%dma_start3A_1205 : memref<10240x16xf32, #tpu.memory_space<vmem_shared>>) offsets(%arg9 : memref<640xi32, #tpu.memory_space<vmem>>) semaphore(%dma_start3A_1207 : memref<!tpu.dma_semaphore, #tpu.memory_space<semaphore_mem>>) {add = true}
      %dma_wait3A_1208 = arith.constant 1 : i32
      %dma_wait3A_1209 = arith.constant 1 : i32
      %dma_wait3A_1210 = arith.constant 0 : i32
      %dma_wait3A_1211 = arith.constant 0 : i32
      %dma_wait3A_1212 = tpu.memref_slice %arg7[%dma_wait3A_1208, %dma_wait3A_1210, %dma_wait3A_1211] : memref<8x640x16xf32, #tpu.memory_space<vmem>> -> memref<1x640x16xf32, #tpu.memory_space<vmem>>
      %dma_wait3A_1213 = tpu.memref_squeeze %dma_wait3A_1212 : memref<1x640x16xf32, #tpu.memory_space<vmem>> -> memref<640x16xf32, #tpu.memory_space<vmem>>
      %dma_wait3A_1214 = arith.constant 0 : i32
      %dma_wait3A_1215 = arith.constant 0 : i32
      %dma_wait3A_1216 = tpu.memref_slice %arg11[%dma_wait3A_1214, %dma_wait3A_1215] : memref<10240x16xf32, #tpu.memory_space<vmem_shared>> -> memref<10240x16xf32, #tpu.memory_space<vmem_shared>>
      %dma_wait3A_1217 = tpu.memref_slice %arg13[%dma_wait3A_1209] : memref<8x!tpu.dma_semaphore, #tpu.memory_space<semaphore_mem>> -> memref<1x!tpu.dma_semaphore, #tpu.memory_space<semaphore_mem>>
      %dma_wait3A_1218 = tpu.memref_squeeze %dma_wait3A_1217 : memref<1x!tpu.dma_semaphore, #tpu.memory_space<semaphore_mem>> -> memref<!tpu.dma_semaphore, #tpu.memory_space<semaphore_mem>>
      tpu.wait_indirect_dma semaphore(%dma_wait3A_1218 : memref<!tpu.dma_semaphore, #tpu.memory_space<semaphore_mem>>) src(%dma_wait3A_1213 : memref<640x16xf32, #tpu.memory_space<vmem>>) dst(%dma_wait3A_1216 : memref<10240x16xf32, #tpu.memory_space<vmem_shared>>)
      %add3A_1219 = arith.constant 4 : i32
      %add3A_1220 = arith.addi %add3A_1182, %add3A_1219 : i32
      %dma_start3A_1221 = arith.constant 1 : i32
      %dma_start3A_1222 = arith.constant 1 : i32
      %dma_start3A_1223 = arith.constant 0 : i32
      %dma_start3A_1224 = arith.constant 0 : i32
      %dma_start3A_1225 = tpu.memref_slice %arg7[%dma_start3A_1221, %dma_start3A_1223, %dma_start3A_1224] : memref<8x640x16xf32, #tpu.memory_space<vmem>> -> memref<1x640x16xf32, #tpu.memory_space<vmem>>
      %dma_start3A_1226 = tpu.memref_squeeze %dma_start3A_1225 : memref<1x640x16xf32, #tpu.memory_space<vmem>> -> memref<640x16xf32, #tpu.memory_space<vmem>>
      %dma_start3A_1227 = arith.constant 0 : i32
      %dma_start3A_1228 = tpu.memref_slice %arg6[%add3A_1220, %dma_start3A_1227] : memref<40x640xi32, #tpu.memory_space<vmem>> -> memref<1x640xi32, #tpu.memory_space<vmem>>
      %dma_start3A_1229 = tpu.memref_squeeze %dma_start3A_1228 : memref<1x640xi32, #tpu.memory_space<vmem>> -> memref<640xi32, #tpu.memory_space<vmem>>
      %dma_start3A_1230 = arith.constant 0 : i32
      %dma_start3A_1231 = arith.constant 0 : i32
      %dma_start3A_1232 = tpu.memref_slice %arg3[%dma_start3A_1230, %dma_start3A_1231] : memref<102400x16xf32, #tpu.memory_space<hbm>> -> memref<102400x16xf32, #tpu.memory_space<hbm>>
      %dma_start3A_1233 = tpu.memref_slice %arg12[%dma_start3A_1222] : memref<8x!tpu.dma_semaphore, #tpu.memory_space<semaphore_mem>> -> memref<1x!tpu.dma_semaphore, #tpu.memory_space<semaphore_mem>>
      %dma_start3A_1234 = tpu.memref_squeeze %dma_start3A_1233 : memref<1x!tpu.dma_semaphore, #tpu.memory_space<semaphore_mem>> -> memref<!tpu.dma_semaphore, #tpu.memory_space<semaphore_mem>>
      tpu.enqueue_indirect_dma source(%dma_start3A_1232 : memref<102400x16xf32, #tpu.memory_space<hbm>>) target(%dma_start3A_1226 : memref<640x16xf32, #tpu.memory_space<vmem>>) offsets(%dma_start3A_1229 : memref<640xi32, #tpu.memory_space<vmem>>) semaphore(%dma_start3A_1234 : memref<!tpu.dma_semaphore, #tpu.memory_space<semaphore_mem>>)
      %add3A_1235 = arith.constant 6 : i32
      %add3A_1236 = arith.addi %mul3A_910, %add3A_1235 : i32
      %dma_wait3A_1237 = arith.constant 6 : i32
      %dma_wait3A_1238 = arith.constant 6 : i32
      %dma_wait3A_1239 = arith.constant 0 : i32
      %dma_wait3A_1240 = arith.constant 0 : i32
      %dma_wait3A_1241 = tpu.memref_slice %arg7[%dma_wait3A_1237, %dma_wait3A_1239, %dma_wait3A_1240] : memref<8x640x16xf32, #tpu.memory_space<vmem>> -> memref<1x640x16xf32, #tpu.memory_space<vmem>>
      %dma_wait3A_1242 = tpu.memref_squeeze %dma_wait3A_1241 : memref<1x640x16xf32, #tpu.memory_space<vmem>> -> memref<640x16xf32, #tpu.memory_space<vmem>>
      %dma_wait3A_1243 = arith.constant 0 : i32
      %dma_wait3A_1244 = tpu.memref_slice %arg6[%add3A_1236, %dma_wait3A_1243] : memref<40x640xi32, #tpu.memory_space<vmem>> -> memref<1x640xi32, #tpu.memory_space<vmem>>
      %dma_wait3A_1245 = tpu.memref_squeeze %dma_wait3A_1244 : memref<1x640xi32, #tpu.memory_space<vmem>> -> memref<640xi32, #tpu.memory_space<vmem>>
      %dma_wait3A_1246 = arith.constant 0 : i32
      %dma_wait3A_1247 = arith.constant 0 : i32
      %dma_wait3A_1248 = tpu.memref_slice %arg3[%dma_wait3A_1246, %dma_wait3A_1247] : memref<102400x16xf32, #tpu.memory_space<hbm>> -> memref<102400x16xf32, #tpu.memory_space<hbm>>
      %dma_wait3A_1249 = tpu.memref_slice %arg12[%dma_wait3A_1238] : memref<8x!tpu.dma_semaphore, #tpu.memory_space<semaphore_mem>> -> memref<1x!tpu.dma_semaphore, #tpu.memory_space<semaphore_mem>>
      %dma_wait3A_1250 = tpu.memref_squeeze %dma_wait3A_1249 : memref<1x!tpu.dma_semaphore, #tpu.memory_space<semaphore_mem>> -> memref<!tpu.dma_semaphore, #tpu.memory_space<semaphore_mem>>
      tpu.wait_indirect_dma semaphore(%dma_wait3A_1250 : memref<!tpu.dma_semaphore, #tpu.memory_space<semaphore_mem>>) src(%dma_wait3A_1248 : memref<102400x16xf32, #tpu.memory_space<hbm>>) dst(%dma_wait3A_1242 : memref<640x16xf32, #tpu.memory_space<vmem>>)
      %dma_start3A_1251 = arith.constant 6 : i32
      %dma_start3A_1252 = arith.constant 6 : i32
      %dma_start3A_1253 = arith.constant 0 : i32
      %dma_start3A_1254 = arith.constant 0 : i32
      %dma_start3A_1255 = tpu.memref_slice %arg7[%dma_start3A_1251, %dma_start3A_1253, %dma_start3A_1254] : memref<8x640x16xf32, #tpu.memory_space<vmem>> -> memref<1x640x16xf32, #tpu.memory_space<vmem>>
      %dma_start3A_1256 = tpu.memref_squeeze %dma_start3A_1255 : memref<1x640x16xf32, #tpu.memory_space<vmem>> -> memref<640x16xf32, #tpu.memory_space<vmem>>
      %dma_start3A_1257 = arith.constant 0 : i32
      %dma_start3A_1258 = arith.constant 0 : i32
      %dma_start3A_1259 = tpu.memref_slice %arg11[%dma_start3A_1257, %dma_start3A_1258] : memref<10240x16xf32, #tpu.memory_space<vmem_shared>> -> memref<10240x16xf32, #tpu.memory_space<vmem_shared>>
      %dma_start3A_1260 = tpu.memref_slice %arg13[%dma_start3A_1252] : memref<8x!tpu.dma_semaphore, #tpu.memory_space<semaphore_mem>> -> memref<1x!tpu.dma_semaphore, #tpu.memory_space<semaphore_mem>>
      %dma_start3A_1261 = tpu.memref_squeeze %dma_start3A_1260 : memref<1x!tpu.dma_semaphore, #tpu.memory_space<semaphore_mem>> -> memref<!tpu.dma_semaphore, #tpu.memory_space<semaphore_mem>>
      tpu.enqueue_indirect_dma source(%dma_start3A_1256 : memref<640x16xf32, #tpu.memory_space<vmem>>) target(%dma_start3A_1259 : memref<10240x16xf32, #tpu.memory_space<vmem_shared>>) offsets(%arg9 : memref<640xi32, #tpu.memory_space<vmem>>) semaphore(%dma_start3A_1261 : memref<!tpu.dma_semaphore, #tpu.memory_space<semaphore_mem>>) {add = true}
      %dma_wait3A_1262 = arith.constant 2 : i32
      %dma_wait3A_1263 = arith.constant 2 : i32
      %dma_wait3A_1264 = arith.constant 0 : i32
      %dma_wait3A_1265 = arith.constant 0 : i32
      %dma_wait3A_1266 = tpu.memref_slice %arg7[%dma_wait3A_1262, %dma_wait3A_1264, %dma_wait3A_1265] : memref<8x640x16xf32, #tpu.memory_space<vmem>> -> memref<1x640x16xf32, #tpu.memory_space<vmem>>
      %dma_wait3A_1267 = tpu.memref_squeeze %dma_wait3A_1266 : memref<1x640x16xf32, #tpu.memory_space<vmem>> -> memref<640x16xf32, #tpu.memory_space<vmem>>
      %dma_wait3A_1268 = arith.constant 0 : i32
      %dma_wait3A_1269 = arith.constant 0 : i32
      %dma_wait3A_1270 = tpu.memref_slice %arg11[%dma_wait3A_1268, %dma_wait3A_1269] : memref<10240x16xf32, #tpu.memory_space<vmem_shared>> -> memref<10240x16xf32, #tpu.memory_space<vmem_shared>>
      %dma_wait3A_1271 = tpu.memref_slice %arg13[%dma_wait3A_1263] : memref<8x!tpu.dma_semaphore, #tpu.memory_space<semaphore_mem>> -> memref<1x!tpu.dma_semaphore, #tpu.memory_space<semaphore_mem>>
      %dma_wait3A_1272 = tpu.memref_squeeze %dma_wait3A_1271 : memref<1x!tpu.dma_semaphore, #tpu.memory_space<semaphore_mem>> -> memref<!tpu.dma_semaphore, #tpu.memory_space<semaphore_mem>>
      tpu.wait_indirect_dma semaphore(%dma_wait3A_1272 : memref<!tpu.dma_semaphore, #tpu.memory_space<semaphore_mem>>) src(%dma_wait3A_1267 : memref<640x16xf32, #tpu.memory_space<vmem>>) dst(%dma_wait3A_1270 : memref<10240x16xf32, #tpu.memory_space<vmem_shared>>)
      %add3A_1273 = arith.constant 4 : i32
      %add3A_1274 = arith.addi %add3A_1236, %add3A_1273 : i32
      %dma_start3A_1275 = arith.constant 2 : i32
      %dma_start3A_1276 = arith.constant 2 : i32
      %dma_start3A_1277 = arith.constant 0 : i32
      %dma_start3A_1278 = arith.constant 0 : i32
      %dma_start3A_1279 = tpu.memref_slice %arg7[%dma_start3A_1275, %dma_start3A_1277, %dma_start3A_1278] : memref<8x640x16xf32, #tpu.memory_space<vmem>> -> memref<1x640x16xf32, #tpu.memory_space<vmem>>
      %dma_start3A_1280 = tpu.memref_squeeze %dma_start3A_1279 : memref<1x640x16xf32, #tpu.memory_space<vmem>> -> memref<640x16xf32, #tpu.memory_space<vmem>>
      %dma_start3A_1281 = arith.constant 0 : i32
      %dma_start3A_1282 = tpu.memref_slice %arg6[%add3A_1274, %dma_start3A_1281] : memref<40x640xi32, #tpu.memory_space<vmem>> -> memref<1x640xi32, #tpu.memory_space<vmem>>
      %dma_start3A_1283 = tpu.memref_squeeze %dma_start3A_1282 : memref<1x640xi32, #tpu.memory_space<vmem>> -> memref<640xi32, #tpu.memory_space<vmem>>
      %dma_start3A_1284 = arith.constant 0 : i32
      %dma_start3A_1285 = arith.constant 0 : i32
      %dma_start3A_1286 = tpu.memref_slice %arg3[%dma_start3A_1284, %dma_start3A_1285] : memref<102400x16xf32, #tpu.memory_space<hbm>> -> memref<102400x16xf32, #tpu.memory_space<hbm>>
      %dma_start3A_1287 = tpu.memref_slice %arg12[%dma_start3A_1276] : memref<8x!tpu.dma_semaphore, #tpu.memory_space<semaphore_mem>> -> memref<1x!tpu.dma_semaphore, #tpu.memory_space<semaphore_mem>>
      %dma_start3A_1288 = tpu.memref_squeeze %dma_start3A_1287 : memref<1x!tpu.dma_semaphore, #tpu.memory_space<semaphore_mem>> -> memref<!tpu.dma_semaphore, #tpu.memory_space<semaphore_mem>>
      tpu.enqueue_indirect_dma source(%dma_start3A_1286 : memref<102400x16xf32, #tpu.memory_space<hbm>>) target(%dma_start3A_1280 : memref<640x16xf32, #tpu.memory_space<vmem>>) offsets(%dma_start3A_1283 : memref<640xi32, #tpu.memory_space<vmem>>) semaphore(%dma_start3A_1288 : memref<!tpu.dma_semaphore, #tpu.memory_space<semaphore_mem>>)
      %add3A_1289 = arith.constant 7 : i32
      %add3A_1290 = arith.addi %mul3A_910, %add3A_1289 : i32
      %dma_wait3A_1291 = arith.constant 7 : i32
      %dma_wait3A_1292 = arith.constant 7 : i32
      %dma_wait3A_1293 = arith.constant 0 : i32
      %dma_wait3A_1294 = arith.constant 0 : i32
      %dma_wait3A_1295 = tpu.memref_slice %arg7[%dma_wait3A_1291, %dma_wait3A_1293, %dma_wait3A_1294] : memref<8x640x16xf32, #tpu.memory_space<vmem>> -> memref<1x640x16xf32, #tpu.memory_space<vmem>>
      %dma_wait3A_1296 = tpu.memref_squeeze %dma_wait3A_1295 : memref<1x640x16xf32, #tpu.memory_space<vmem>> -> memref<640x16xf32, #tpu.memory_space<vmem>>
      %dma_wait3A_1297 = arith.constant 0 : i32
      %dma_wait3A_1298 = tpu.memref_slice %arg6[%add3A_1290, %dma_wait3A_1297] : memref<40x640xi32, #tpu.memory_space<vmem>> -> memref<1x640xi32, #tpu.memory_space<vmem>>
      %dma_wait3A_1299 = tpu.memref_squeeze %dma_wait3A_1298 : memref<1x640xi32, #tpu.memory_space<vmem>> -> memref<640xi32, #tpu.memory_space<vmem>>
      %dma_wait3A_1300 = arith.constant 0 : i32
      %dma_wait3A_1301 = arith.constant 0 : i32
      %dma_wait3A_1302 = tpu.memref_slice %arg3[%dma_wait3A_1300, %dma_wait3A_1301] : memref<102400x16xf32, #tpu.memory_space<hbm>> -> memref<102400x16xf32, #tpu.memory_space<hbm>>
      %dma_wait3A_1303 = tpu.memref_slice %arg12[%dma_wait3A_1292] : memref<8x!tpu.dma_semaphore, #tpu.memory_space<semaphore_mem>> -> memref<1x!tpu.dma_semaphore, #tpu.memory_space<semaphore_mem>>
      %dma_wait3A_1304 = tpu.memref_squeeze %dma_wait3A_1303 : memref<1x!tpu.dma_semaphore, #tpu.memory_space<semaphore_mem>> -> memref<!tpu.dma_semaphore, #tpu.memory_space<semaphore_mem>>
      tpu.wait_indirect_dma semaphore(%dma_wait3A_1304 : memref<!tpu.dma_semaphore, #tpu.memory_space<semaphore_mem>>) src(%dma_wait3A_1302 : memref<102400x16xf32, #tpu.memory_space<hbm>>) dst(%dma_wait3A_1296 : memref<640x16xf32, #tpu.memory_space<vmem>>)
      %dma_start3A_1305 = arith.constant 7 : i32
      %dma_start3A_1306 = arith.constant 7 : i32
      %dma_start3A_1307 = arith.constant 0 : i32
      %dma_start3A_1308 = arith.constant 0 : i32
      %dma_start3A_1309 = tpu.memref_slice %arg7[%dma_start3A_1305, %dma_start3A_1307, %dma_start3A_1308] : memref<8x640x16xf32, #tpu.memory_space<vmem>> -> memref<1x640x16xf32, #tpu.memory_space<vmem>>
      %dma_start3A_1310 = tpu.memref_squeeze %dma_start3A_1309 : memref<1x640x16xf32, #tpu.memory_space<vmem>> -> memref<640x16xf32, #tpu.memory_space<vmem>>
      %dma_start3A_1311 = arith.constant 0 : i32
      %dma_start3A_1312 = arith.constant 0 : i32
      %dma_start3A_1313 = tpu.memref_slice %arg11[%dma_start3A_1311, %dma_start3A_1312] : memref<10240x16xf32, #tpu.memory_space<vmem_shared>> -> memref<10240x16xf32, #tpu.memory_space<vmem_shared>>
      %dma_start3A_1314 = tpu.memref_slice %arg13[%dma_start3A_1306] : memref<8x!tpu.dma_semaphore, #tpu.memory_space<semaphore_mem>> -> memref<1x!tpu.dma_semaphore, #tpu.memory_space<semaphore_mem>>
      %dma_start3A_1315 = tpu.memref_squeeze %dma_start3A_1314 : memref<1x!tpu.dma_semaphore, #tpu.memory_space<semaphore_mem>> -> memref<!tpu.dma_semaphore, #tpu.memory_space<semaphore_mem>>
      tpu.enqueue_indirect_dma source(%dma_start3A_1310 : memref<640x16xf32, #tpu.memory_space<vmem>>) target(%dma_start3A_1313 : memref<10240x16xf32, #tpu.memory_space<vmem_shared>>) offsets(%arg9 : memref<640xi32, #tpu.memory_space<vmem>>) semaphore(%dma_start3A_1315 : memref<!tpu.dma_semaphore, #tpu.memory_space<semaphore_mem>>) {add = true}
      %dma_wait3A_1316 = arith.constant 3 : i32
      %dma_wait3A_1317 = arith.constant 3 : i32
      %dma_wait3A_1318 = arith.constant 0 : i32
      %dma_wait3A_1319 = arith.constant 0 : i32
      %dma_wait3A_1320 = tpu.memref_slice %arg7[%dma_wait3A_1316, %dma_wait3A_1318, %dma_wait3A_1319] : memref<8x640x16xf32, #tpu.memory_space<vmem>> -> memref<1x640x16xf32, #tpu.memory_space<vmem>>
      %dma_wait3A_1321 = tpu.memref_squeeze %dma_wait3A_1320 : memref<1x640x16xf32, #tpu.memory_space<vmem>> -> memref<640x16xf32, #tpu.memory_space<vmem>>
      %dma_wait3A_1322 = arith.constant 0 : i32
      %dma_wait3A_1323 = arith.constant 0 : i32
      %dma_wait3A_1324 = tpu.memref_slice %arg11[%dma_wait3A_1322, %dma_wait3A_1323] : memref<10240x16xf32, #tpu.memory_space<vmem_shared>> -> memref<10240x16xf32, #tpu.memory_space<vmem_shared>>
      %dma_wait3A_1325 = tpu.memref_slice %arg13[%dma_wait3A_1317] : memref<8x!tpu.dma_semaphore, #tpu.memory_space<semaphore_mem>> -> memref<1x!tpu.dma_semaphore, #tpu.memory_space<semaphore_mem>>
      %dma_wait3A_1326 = tpu.memref_squeeze %dma_wait3A_1325 : memref<1x!tpu.dma_semaphore, #tpu.memory_space<semaphore_mem>> -> memref<!tpu.dma_semaphore, #tpu.memory_space<semaphore_mem>>
      tpu.wait_indirect_dma semaphore(%dma_wait3A_1326 : memref<!tpu.dma_semaphore, #tpu.memory_space<semaphore_mem>>) src(%dma_wait3A_1321 : memref<640x16xf32, #tpu.memory_space<vmem>>) dst(%dma_wait3A_1324 : memref<10240x16xf32, #tpu.memory_space<vmem_shared>>)
      %add3A_1327 = arith.constant 4 : i32
      %add3A_1328 = arith.addi %add3A_1290, %add3A_1327 : i32
      %dma_start3A_1329 = arith.constant 3 : i32
      %dma_start3A_1330 = arith.constant 3 : i32
      %dma_start3A_1331 = arith.constant 0 : i32
      %dma_start3A_1332 = arith.constant 0 : i32
      %dma_start3A_1333 = tpu.memref_slice %arg7[%dma_start3A_1329, %dma_start3A_1331, %dma_start3A_1332] : memref<8x640x16xf32, #tpu.memory_space<vmem>> -> memref<1x640x16xf32, #tpu.memory_space<vmem>>
      %dma_start3A_1334 = tpu.memref_squeeze %dma_start3A_1333 : memref<1x640x16xf32, #tpu.memory_space<vmem>> -> memref<640x16xf32, #tpu.memory_space<vmem>>
      %dma_start3A_1335 = arith.constant 0 : i32
      %dma_start3A_1336 = tpu.memref_slice %arg6[%add3A_1328, %dma_start3A_1335] : memref<40x640xi32, #tpu.memory_space<vmem>> -> memref<1x640xi32, #tpu.memory_space<vmem>>
      %dma_start3A_1337 = tpu.memref_squeeze %dma_start3A_1336 : memref<1x640xi32, #tpu.memory_space<vmem>> -> memref<640xi32, #tpu.memory_space<vmem>>
      %dma_start3A_1338 = arith.constant 0 : i32
      %dma_start3A_1339 = arith.constant 0 : i32
      %dma_start3A_1340 = tpu.memref_slice %arg3[%dma_start3A_1338, %dma_start3A_1339] : memref<102400x16xf32, #tpu.memory_space<hbm>> -> memref<102400x16xf32, #tpu.memory_space<hbm>>
      %dma_start3A_1341 = tpu.memref_slice %arg12[%dma_start3A_1330] : memref<8x!tpu.dma_semaphore, #tpu.memory_space<semaphore_mem>> -> memref<1x!tpu.dma_semaphore, #tpu.memory_space<semaphore_mem>>
      %dma_start3A_1342 = tpu.memref_squeeze %dma_start3A_1341 : memref<1x!tpu.dma_semaphore, #tpu.memory_space<semaphore_mem>> -> memref<!tpu.dma_semaphore, #tpu.memory_space<semaphore_mem>>
      tpu.enqueue_indirect_dma source(%dma_start3A_1340 : memref<102400x16xf32, #tpu.memory_space<hbm>>) target(%dma_start3A_1334 : memref<640x16xf32, #tpu.memory_space<vmem>>) offsets(%dma_start3A_1337 : memref<640xi32, #tpu.memory_space<vmem>>) semaphore(%dma_start3A_1342 : memref<!tpu.dma_semaphore, #tpu.memory_space<semaphore_mem>>)
      %scan3A_1343 = arith.constant 0 : i32
      scf.yield %scan3A_1343 : i32
    }
    %scan3A_485 = arith.constant 3 : i32
    %dma_wait3A_486 = arith.constant 32 : i32
    %dma_wait3A_487 = arith.constant 0 : i32
    %dma_wait3A_488 = arith.constant 0 : i32
    %dma_wait3A_489 = arith.constant 0 : i32
    %dma_wait3A_490 = arith.constant 0 : i32
    %dma_wait3A_491 = tpu.memref_slice %arg7[%dma_wait3A_487, %dma_wait3A_489, %dma_wait3A_490] : memref<8x640x16xf32, #tpu.memory_space<vmem>> -> memref<1x640x16xf32, #tpu.memory_space<vmem>>
    %dma_wait3A_492 = tpu.memref_squeeze %dma_wait3A_491 : memref<1x640x16xf32, #tpu.memory_space<vmem>> -> memref<640x16xf32, #tpu.memory_space<vmem>>
    %dma_wait3A_493 = arith.constant 0 : i32
    %dma_wait3A_494 = tpu.memref_slice %arg6[%dma_wait3A_486, %dma_wait3A_493] : memref<40x640xi32, #tpu.memory_space<vmem>> -> memref<1x640xi32, #tpu.memory_space<vmem>>
    %dma_wait3A_495 = tpu.memref_squeeze %dma_wait3A_494 : memref<1x640xi32, #tpu.memory_space<vmem>> -> memref<640xi32, #tpu.memory_space<vmem>>
    %dma_wait3A_496 = arith.constant 0 : i32
    %dma_wait3A_497 = arith.constant 0 : i32
    %dma_wait3A_498 = tpu.memref_slice %arg3[%dma_wait3A_496, %dma_wait3A_497] : memref<102400x16xf32, #tpu.memory_space<hbm>> -> memref<102400x16xf32, #tpu.memory_space<hbm>>
    %dma_wait3A_499 = tpu.memref_slice %arg12[%dma_wait3A_488] : memref<8x!tpu.dma_semaphore, #tpu.memory_space<semaphore_mem>> -> memref<1x!tpu.dma_semaphore, #tpu.memory_space<semaphore_mem>>
    %dma_wait3A_500 = tpu.memref_squeeze %dma_wait3A_499 : memref<1x!tpu.dma_semaphore, #tpu.memory_space<semaphore_mem>> -> memref<!tpu.dma_semaphore, #tpu.memory_space<semaphore_mem>>
    tpu.wait_indirect_dma semaphore(%dma_wait3A_500 : memref<!tpu.dma_semaphore, #tpu.memory_space<semaphore_mem>>) src(%dma_wait3A_498 : memref<102400x16xf32, #tpu.memory_space<hbm>>) dst(%dma_wait3A_492 : memref<640x16xf32, #tpu.memory_space<vmem>>)
    %dma_start3A_501 = arith.constant 0 : i32
    %dma_start3A_502 = arith.constant 0 : i32
    %dma_start3A_503 = arith.constant 0 : i32
    %dma_start3A_504 = arith.constant 0 : i32
    %dma_start3A_505 = tpu.memref_slice %arg7[%dma_start3A_501, %dma_start3A_503, %dma_start3A_504] : memref<8x640x16xf32, #tpu.memory_space<vmem>> -> memref<1x640x16xf32, #tpu.memory_space<vmem>>
    %dma_start3A_506 = tpu.memref_squeeze %dma_start3A_505 : memref<1x640x16xf32, #tpu.memory_space<vmem>> -> memref<640x16xf32, #tpu.memory_space<vmem>>
    %dma_start3A_507 = arith.constant 0 : i32
    %dma_start3A_508 = arith.constant 0 : i32
    %dma_start3A_509 = tpu.memref_slice %arg11[%dma_start3A_507, %dma_start3A_508] : memref<10240x16xf32, #tpu.memory_space<vmem_shared>> -> memref<10240x16xf32, #tpu.memory_space<vmem_shared>>
    %dma_start3A_510 = tpu.memref_slice %arg13[%dma_start3A_502] : memref<8x!tpu.dma_semaphore, #tpu.memory_space<semaphore_mem>> -> memref<1x!tpu.dma_semaphore, #tpu.memory_space<semaphore_mem>>
    %dma_start3A_511 = tpu.memref_squeeze %dma_start3A_510 : memref<1x!tpu.dma_semaphore, #tpu.memory_space<semaphore_mem>> -> memref<!tpu.dma_semaphore, #tpu.memory_space<semaphore_mem>>
    tpu.enqueue_indirect_dma source(%dma_start3A_506 : memref<640x16xf32, #tpu.memory_space<vmem>>) target(%dma_start3A_509 : memref<10240x16xf32, #tpu.memory_space<vmem_shared>>) offsets(%arg9 : memref<640xi32, #tpu.memory_space<vmem>>) semaphore(%dma_start3A_511 : memref<!tpu.dma_semaphore, #tpu.memory_space<semaphore_mem>>) {add = true}
    %dma_wait3A_512 = arith.constant 4 : i32
    %dma_wait3A_513 = arith.constant 4 : i32
    %dma_wait3A_514 = arith.constant 0 : i32
    %dma_wait3A_515 = arith.constant 0 : i32
    %dma_wait3A_516 = tpu.memref_slice %arg7[%dma_wait3A_512, %dma_wait3A_514, %dma_wait3A_515] : memref<8x640x16xf32, #tpu.memory_space<vmem>> -> memref<1x640x16xf32, #tpu.memory_space<vmem>>
    %dma_wait3A_517 = tpu.memref_squeeze %dma_wait3A_516 : memref<1x640x16xf32, #tpu.memory_space<vmem>> -> memref<640x16xf32, #tpu.memory_space<vmem>>
    %dma_wait3A_518 = arith.constant 0 : i32
    %dma_wait3A_519 = arith.constant 0 : i32
    %dma_wait3A_520 = tpu.memref_slice %arg11[%dma_wait3A_518, %dma_wait3A_519] : memref<10240x16xf32, #tpu.memory_space<vmem_shared>> -> memref<10240x16xf32, #tpu.memory_space<vmem_shared>>
    %dma_wait3A_521 = tpu.memref_slice %arg13[%dma_wait3A_513] : memref<8x!tpu.dma_semaphore, #tpu.memory_space<semaphore_mem>> -> memref<1x!tpu.dma_semaphore, #tpu.memory_space<semaphore_mem>>
    %dma_wait3A_522 = tpu.memref_squeeze %dma_wait3A_521 : memref<1x!tpu.dma_semaphore, #tpu.memory_space<semaphore_mem>> -> memref<!tpu.dma_semaphore, #tpu.memory_space<semaphore_mem>>
    tpu.wait_indirect_dma semaphore(%dma_wait3A_522 : memref<!tpu.dma_semaphore, #tpu.memory_space<semaphore_mem>>) src(%dma_wait3A_517 : memref<640x16xf32, #tpu.memory_space<vmem>>) dst(%dma_wait3A_520 : memref<10240x16xf32, #tpu.memory_space<vmem_shared>>)
    %dma_start3A_523 = arith.constant 36 : i32
    %dma_start3A_524 = arith.constant 4 : i32
    %dma_start3A_525 = arith.constant 4 : i32
    %dma_start3A_526 = arith.constant 0 : i32
    %dma_start3A_527 = arith.constant 0 : i32
    %dma_start3A_528 = tpu.memref_slice %arg7[%dma_start3A_524, %dma_start3A_526, %dma_start3A_527] : memref<8x640x16xf32, #tpu.memory_space<vmem>> -> memref<1x640x16xf32, #tpu.memory_space<vmem>>
    %dma_start3A_529 = tpu.memref_squeeze %dma_start3A_528 : memref<1x640x16xf32, #tpu.memory_space<vmem>> -> memref<640x16xf32, #tpu.memory_space<vmem>>
    %dma_start3A_530 = arith.constant 0 : i32
    %dma_start3A_531 = tpu.memref_slice %arg6[%dma_start3A_523, %dma_start3A_530] : memref<40x640xi32, #tpu.memory_space<vmem>> -> memref<1x640xi32, #tpu.memory_space<vmem>>
    %dma_start3A_532 = tpu.memref_squeeze %dma_start3A_531 : memref<1x640xi32, #tpu.memory_space<vmem>> -> memref<640xi32, #tpu.memory_space<vmem>>
    %dma_start3A_533 = arith.constant 0 : i32
    %dma_start3A_534 = arith.constant 0 : i32
    %dma_start3A_535 = tpu.memref_slice %arg3[%dma_start3A_533, %dma_start3A_534] : memref<102400x16xf32, #tpu.memory_space<hbm>> -> memref<102400x16xf32, #tpu.memory_space<hbm>>
    %dma_start3A_536 = tpu.memref_slice %arg12[%dma_start3A_525] : memref<8x!tpu.dma_semaphore, #tpu.memory_space<semaphore_mem>> -> memref<1x!tpu.dma_semaphore, #tpu.memory_space<semaphore_mem>>
    %dma_start3A_537 = tpu.memref_squeeze %dma_start3A_536 : memref<1x!tpu.dma_semaphore, #tpu.memory_space<semaphore_mem>> -> memref<!tpu.dma_semaphore, #tpu.memory_space<semaphore_mem>>
    tpu.enqueue_indirect_dma source(%dma_start3A_535 : memref<102400x16xf32, #tpu.memory_space<hbm>>) target(%dma_start3A_529 : memref<640x16xf32, #tpu.memory_space<vmem>>) offsets(%dma_start3A_532 : memref<640xi32, #tpu.memory_space<vmem>>) semaphore(%dma_start3A_537 : memref<!tpu.dma_semaphore, #tpu.memory_space<semaphore_mem>>)
    %dma_wait3A_538 = arith.constant 33 : i32
    %dma_wait3A_539 = arith.constant 1 : i32
    %dma_wait3A_540 = arith.constant 1 : i32
    %dma_wait3A_541 = arith.constant 0 : i32
    %dma_wait3A_542 = arith.constant 0 : i32
    %dma_wait3A_543 = tpu.memref_slice %arg7[%dma_wait3A_539, %dma_wait3A_541, %dma_wait3A_542] : memref<8x640x16xf32, #tpu.memory_space<vmem>> -> memref<1x640x16xf32, #tpu.memory_space<vmem>>
    %dma_wait3A_544 = tpu.memref_squeeze %dma_wait3A_543 : memref<1x640x16xf32, #tpu.memory_space<vmem>> -> memref<640x16xf32, #tpu.memory_space<vmem>>
    %dma_wait3A_545 = arith.constant 0 : i32
    %dma_wait3A_546 = tpu.memref_slice %arg6[%dma_wait3A_538, %dma_wait3A_545] : memref<40x640xi32, #tpu.memory_space<vmem>> -> memref<1x640xi32, #tpu.memory_space<vmem>>
    %dma_wait3A_547 = tpu.memref_squeeze %dma_wait3A_546 : memref<1x640xi32, #tpu.memory_space<vmem>> -> memref<640xi32, #tpu.memory_space<vmem>>
    %dma_wait3A_548 = arith.constant 0 : i32
    %dma_wait3A_549 = arith.constant 0 : i32
    %dma_wait3A_550 = tpu.memref_slice %arg3[%dma_wait3A_548, %dma_wait3A_549] : memref<102400x16xf32, #tpu.memory_space<hbm>> -> memref<102400x16xf32, #tpu.memory_space<hbm>>
    %dma_wait3A_551 = tpu.memref_slice %arg12[%dma_wait3A_540] : memref<8x!tpu.dma_semaphore, #tpu.memory_space<semaphore_mem>> -> memref<1x!tpu.dma_semaphore, #tpu.memory_space<semaphore_mem>>
    %dma_wait3A_552 = tpu.memref_squeeze %dma_wait3A_551 : memref<1x!tpu.dma_semaphore, #tpu.memory_space<semaphore_mem>> -> memref<!tpu.dma_semaphore, #tpu.memory_space<semaphore_mem>>
    tpu.wait_indirect_dma semaphore(%dma_wait3A_552 : memref<!tpu.dma_semaphore, #tpu.memory_space<semaphore_mem>>) src(%dma_wait3A_550 : memref<102400x16xf32, #tpu.memory_space<hbm>>) dst(%dma_wait3A_544 : memref<640x16xf32, #tpu.memory_space<vmem>>)
    %dma_start3A_553 = arith.constant 1 : i32
    %dma_start3A_554 = arith.constant 1 : i32
    %dma_start3A_555 = arith.constant 0 : i32
    %dma_start3A_556 = arith.constant 0 : i32
    %dma_start3A_557 = tpu.memref_slice %arg7[%dma_start3A_553, %dma_start3A_555, %dma_start3A_556] : memref<8x640x16xf32, #tpu.memory_space<vmem>> -> memref<1x640x16xf32, #tpu.memory_space<vmem>>
    %dma_start3A_558 = tpu.memref_squeeze %dma_start3A_557 : memref<1x640x16xf32, #tpu.memory_space<vmem>> -> memref<640x16xf32, #tpu.memory_space<vmem>>
    %dma_start3A_559 = arith.constant 0 : i32
    %dma_start3A_560 = arith.constant 0 : i32
    %dma_start3A_561 = tpu.memref_slice %arg11[%dma_start3A_559, %dma_start3A_560] : memref<10240x16xf32, #tpu.memory_space<vmem_shared>> -> memref<10240x16xf32, #tpu.memory_space<vmem_shared>>
    %dma_start3A_562 = tpu.memref_slice %arg13[%dma_start3A_554] : memref<8x!tpu.dma_semaphore, #tpu.memory_space<semaphore_mem>> -> memref<1x!tpu.dma_semaphore, #tpu.memory_space<semaphore_mem>>
    %dma_start3A_563 = tpu.memref_squeeze %dma_start3A_562 : memref<1x!tpu.dma_semaphore, #tpu.memory_space<semaphore_mem>> -> memref<!tpu.dma_semaphore, #tpu.memory_space<semaphore_mem>>
    tpu.enqueue_indirect_dma source(%dma_start3A_558 : memref<640x16xf32, #tpu.memory_space<vmem>>) target(%dma_start3A_561 : memref<10240x16xf32, #tpu.memory_space<vmem_shared>>) offsets(%arg9 : memref<640xi32, #tpu.memory_space<vmem>>) semaphore(%dma_start3A_563 : memref<!tpu.dma_semaphore, #tpu.memory_space<semaphore_mem>>) {add = true}
    %dma_wait3A_564 = arith.constant 5 : i32
    %dma_wait3A_565 = arith.constant 5 : i32
    %dma_wait3A_566 = arith.constant 0 : i32
    %dma_wait3A_567 = arith.constant 0 : i32
    %dma_wait3A_568 = tpu.memref_slice %arg7[%dma_wait3A_564, %dma_wait3A_566, %dma_wait3A_567] : memref<8x640x16xf32, #tpu.memory_space<vmem>> -> memref<1x640x16xf32, #tpu.memory_space<vmem>>
    %dma_wait3A_569 = tpu.memref_squeeze %dma_wait3A_568 : memref<1x640x16xf32, #tpu.memory_space<vmem>> -> memref<640x16xf32, #tpu.memory_space<vmem>>
    %dma_wait3A_570 = arith.constant 0 : i32
    %dma_wait3A_571 = arith.constant 0 : i32
    %dma_wait3A_572 = tpu.memref_slice %arg11[%dma_wait3A_570, %dma_wait3A_571] : memref<10240x16xf32, #tpu.memory_space<vmem_shared>> -> memref<10240x16xf32, #tpu.memory_space<vmem_shared>>
    %dma_wait3A_573 = tpu.memref_slice %arg13[%dma_wait3A_565] : memref<8x!tpu.dma_semaphore, #tpu.memory_space<semaphore_mem>> -> memref<1x!tpu.dma_semaphore, #tpu.memory_space<semaphore_mem>>
    %dma_wait3A_574 = tpu.memref_squeeze %dma_wait3A_573 : memref<1x!tpu.dma_semaphore, #tpu.memory_space<semaphore_mem>> -> memref<!tpu.dma_semaphore, #tpu.memory_space<semaphore_mem>>
    tpu.wait_indirect_dma semaphore(%dma_wait3A_574 : memref<!tpu.dma_semaphore, #tpu.memory_space<semaphore_mem>>) src(%dma_wait3A_569 : memref<640x16xf32, #tpu.memory_space<vmem>>) dst(%dma_wait3A_572 : memref<10240x16xf32, #tpu.memory_space<vmem_shared>>)
    %dma_start3A_575 = arith.constant 37 : i32
    %dma_start3A_576 = arith.constant 5 : i32
    %dma_start3A_577 = arith.constant 5 : i32
    %dma_start3A_578 = arith.constant 0 : i32
    %dma_start3A_579 = arith.constant 0 : i32
    %dma_start3A_580 = tpu.memref_slice %arg7[%dma_start3A_576, %dma_start3A_578, %dma_start3A_579] : memref<8x640x16xf32, #tpu.memory_space<vmem>> -> memref<1x640x16xf32, #tpu.memory_space<vmem>>
    %dma_start3A_581 = tpu.memref_squeeze %dma_start3A_580 : memref<1x640x16xf32, #tpu.memory_space<vmem>> -> memref<640x16xf32, #tpu.memory_space<vmem>>
    %dma_start3A_582 = arith.constant 0 : i32
    %dma_start3A_583 = tpu.memref_slice %arg6[%dma_start3A_575, %dma_start3A_582] : memref<40x640xi32, #tpu.memory_space<vmem>> -> memref<1x640xi32, #tpu.memory_space<vmem>>
    %dma_start3A_584 = tpu.memref_squeeze %dma_start3A_583 : memref<1x640xi32, #tpu.memory_space<vmem>> -> memref<640xi32, #tpu.memory_space<vmem>>
    %dma_start3A_585 = arith.constant 0 : i32
    %dma_start3A_586 = arith.constant 0 : i32
    %dma_start3A_587 = tpu.memref_slice %arg3[%dma_start3A_585, %dma_start3A_586] : memref<102400x16xf32, #tpu.memory_space<hbm>> -> memref<102400x16xf32, #tpu.memory_space<hbm>>
    %dma_start3A_588 = tpu.memref_slice %arg12[%dma_start3A_577] : memref<8x!tpu.dma_semaphore, #tpu.memory_space<semaphore_mem>> -> memref<1x!tpu.dma_semaphore, #tpu.memory_space<semaphore_mem>>
    %dma_start3A_589 = tpu.memref_squeeze %dma_start3A_588 : memref<1x!tpu.dma_semaphore, #tpu.memory_space<semaphore_mem>> -> memref<!tpu.dma_semaphore, #tpu.memory_space<semaphore_mem>>
    tpu.enqueue_indirect_dma source(%dma_start3A_587 : memref<102400x16xf32, #tpu.memory_space<hbm>>) target(%dma_start3A_581 : memref<640x16xf32, #tpu.memory_space<vmem>>) offsets(%dma_start3A_584 : memref<640xi32, #tpu.memory_space<vmem>>) semaphore(%dma_start3A_589 : memref<!tpu.dma_semaphore, #tpu.memory_space<semaphore_mem>>)
    %dma_wait3A_590 = arith.constant 34 : i32
    %dma_wait3A_591 = arith.constant 2 : i32
    %dma_wait3A_592 = arith.constant 2 : i32
    %dma_wait3A_593 = arith.constant 0 : i32
    %dma_wait3A_594 = arith.constant 0 : i32
    %dma_wait3A_595 = tpu.memref_slice %arg7[%dma_wait3A_591, %dma_wait3A_593, %dma_wait3A_594] : memref<8x640x16xf32, #tpu.memory_space<vmem>> -> memref<1x640x16xf32, #tpu.memory_space<vmem>>
    %dma_wait3A_596 = tpu.memref_squeeze %dma_wait3A_595 : memref<1x640x16xf32, #tpu.memory_space<vmem>> -> memref<640x16xf32, #tpu.memory_space<vmem>>
    %dma_wait3A_597 = arith.constant 0 : i32
    %dma_wait3A_598 = tpu.memref_slice %arg6[%dma_wait3A_590, %dma_wait3A_597] : memref<40x640xi32, #tpu.memory_space<vmem>> -> memref<1x640xi32, #tpu.memory_space<vmem>>
    %dma_wait3A_599 = tpu.memref_squeeze %dma_wait3A_598 : memref<1x640xi32, #tpu.memory_space<vmem>> -> memref<640xi32, #tpu.memory_space<vmem>>
    %dma_wait3A_600 = arith.constant 0 : i32
    %dma_wait3A_601 = arith.constant 0 : i32
    %dma_wait3A_602 = tpu.memref_slice %arg3[%dma_wait3A_600, %dma_wait3A_601] : memref<102400x16xf32, #tpu.memory_space<hbm>> -> memref<102400x16xf32, #tpu.memory_space<hbm>>
    %dma_wait3A_603 = tpu.memref_slice %arg12[%dma_wait3A_592] : memref<8x!tpu.dma_semaphore, #tpu.memory_space<semaphore_mem>> -> memref<1x!tpu.dma_semaphore, #tpu.memory_space<semaphore_mem>>
    %dma_wait3A_604 = tpu.memref_squeeze %dma_wait3A_603 : memref<1x!tpu.dma_semaphore, #tpu.memory_space<semaphore_mem>> -> memref<!tpu.dma_semaphore, #tpu.memory_space<semaphore_mem>>
    tpu.wait_indirect_dma semaphore(%dma_wait3A_604 : memref<!tpu.dma_semaphore, #tpu.memory_space<semaphore_mem>>) src(%dma_wait3A_602 : memref<102400x16xf32, #tpu.memory_space<hbm>>) dst(%dma_wait3A_596 : memref<640x16xf32, #tpu.memory_space<vmem>>)
    %dma_start3A_605 = arith.constant 2 : i32
    %dma_start3A_606 = arith.constant 2 : i32
    %dma_start3A_607 = arith.constant 0 : i32
    %dma_start3A_608 = arith.constant 0 : i32
    %dma_start3A_609 = tpu.memref_slice %arg7[%dma_start3A_605, %dma_start3A_607, %dma_start3A_608] : memref<8x640x16xf32, #tpu.memory_space<vmem>> -> memref<1x640x16xf32, #tpu.memory_space<vmem>>
    %dma_start3A_610 = tpu.memref_squeeze %dma_start3A_609 : memref<1x640x16xf32, #tpu.memory_space<vmem>> -> memref<640x16xf32, #tpu.memory_space<vmem>>
    %dma_start3A_611 = arith.constant 0 : i32
    %dma_start3A_612 = arith.constant 0 : i32
    %dma_start3A_613 = tpu.memref_slice %arg11[%dma_start3A_611, %dma_start3A_612] : memref<10240x16xf32, #tpu.memory_space<vmem_shared>> -> memref<10240x16xf32, #tpu.memory_space<vmem_shared>>
    %dma_start3A_614 = tpu.memref_slice %arg13[%dma_start3A_606] : memref<8x!tpu.dma_semaphore, #tpu.memory_space<semaphore_mem>> -> memref<1x!tpu.dma_semaphore, #tpu.memory_space<semaphore_mem>>
    %dma_start3A_615 = tpu.memref_squeeze %dma_start3A_614 : memref<1x!tpu.dma_semaphore, #tpu.memory_space<semaphore_mem>> -> memref<!tpu.dma_semaphore, #tpu.memory_space<semaphore_mem>>
    tpu.enqueue_indirect_dma source(%dma_start3A_610 : memref<640x16xf32, #tpu.memory_space<vmem>>) target(%dma_start3A_613 : memref<10240x16xf32, #tpu.memory_space<vmem_shared>>) offsets(%arg9 : memref<640xi32, #tpu.memory_space<vmem>>) semaphore(%dma_start3A_615 : memref<!tpu.dma_semaphore, #tpu.memory_space<semaphore_mem>>) {add = true}
    %dma_wait3A_616 = arith.constant 6 : i32
    %dma_wait3A_617 = arith.constant 6 : i32
    %dma_wait3A_618 = arith.constant 0 : i32
    %dma_wait3A_619 = arith.constant 0 : i32
    %dma_wait3A_620 = tpu.memref_slice %arg7[%dma_wait3A_616, %dma_wait3A_618, %dma_wait3A_619] : memref<8x640x16xf32, #tpu.memory_space<vmem>> -> memref<1x640x16xf32, #tpu.memory_space<vmem>>
    %dma_wait3A_621 = tpu.memref_squeeze %dma_wait3A_620 : memref<1x640x16xf32, #tpu.memory_space<vmem>> -> memref<640x16xf32, #tpu.memory_space<vmem>>
    %dma_wait3A_622 = arith.constant 0 : i32
    %dma_wait3A_623 = arith.constant 0 : i32
    %dma_wait3A_624 = tpu.memref_slice %arg11[%dma_wait3A_622, %dma_wait3A_623] : memref<10240x16xf32, #tpu.memory_space<vmem_shared>> -> memref<10240x16xf32, #tpu.memory_space<vmem_shared>>
    %dma_wait3A_625 = tpu.memref_slice %arg13[%dma_wait3A_617] : memref<8x!tpu.dma_semaphore, #tpu.memory_space<semaphore_mem>> -> memref<1x!tpu.dma_semaphore, #tpu.memory_space<semaphore_mem>>
    %dma_wait3A_626 = tpu.memref_squeeze %dma_wait3A_625 : memref<1x!tpu.dma_semaphore, #tpu.memory_space<semaphore_mem>> -> memref<!tpu.dma_semaphore, #tpu.memory_space<semaphore_mem>>
    tpu.wait_indirect_dma semaphore(%dma_wait3A_626 : memref<!tpu.dma_semaphore, #tpu.memory_space<semaphore_mem>>) src(%dma_wait3A_621 : memref<640x16xf32, #tpu.memory_space<vmem>>) dst(%dma_wait3A_624 : memref<10240x16xf32, #tpu.memory_space<vmem_shared>>)
    %dma_start3A_627 = arith.constant 38 : i32
    %dma_start3A_628 = arith.constant 6 : i32
    %dma_start3A_629 = arith.constant 6 : i32
    %dma_start3A_630 = arith.constant 0 : i32
    %dma_start3A_631 = arith.constant 0 : i32
    %dma_start3A_632 = tpu.memref_slice %arg7[%dma_start3A_628, %dma_start3A_630, %dma_start3A_631] : memref<8x640x16xf32, #tpu.memory_space<vmem>> -> memref<1x640x16xf32, #tpu.memory_space<vmem>>
    %dma_start3A_633 = tpu.memref_squeeze %dma_start3A_632 : memref<1x640x16xf32, #tpu.memory_space<vmem>> -> memref<640x16xf32, #tpu.memory_space<vmem>>
    %dma_start3A_634 = arith.constant 0 : i32
    %dma_start3A_635 = tpu.memref_slice %arg6[%dma_start3A_627, %dma_start3A_634] : memref<40x640xi32, #tpu.memory_space<vmem>> -> memref<1x640xi32, #tpu.memory_space<vmem>>
    %dma_start3A_636 = tpu.memref_squeeze %dma_start3A_635 : memref<1x640xi32, #tpu.memory_space<vmem>> -> memref<640xi32, #tpu.memory_space<vmem>>
    %dma_start3A_637 = arith.constant 0 : i32
    %dma_start3A_638 = arith.constant 0 : i32
    %dma_start3A_639 = tpu.memref_slice %arg3[%dma_start3A_637, %dma_start3A_638] : memref<102400x16xf32, #tpu.memory_space<hbm>> -> memref<102400x16xf32, #tpu.memory_space<hbm>>
    %dma_start3A_640 = tpu.memref_slice %arg12[%dma_start3A_629] : memref<8x!tpu.dma_semaphore, #tpu.memory_space<semaphore_mem>> -> memref<1x!tpu.dma_semaphore, #tpu.memory_space<semaphore_mem>>
    %dma_start3A_641 = tpu.memref_squeeze %dma_start3A_640 : memref<1x!tpu.dma_semaphore, #tpu.memory_space<semaphore_mem>> -> memref<!tpu.dma_semaphore, #tpu.memory_space<semaphore_mem>>
    tpu.enqueue_indirect_dma source(%dma_start3A_639 : memref<102400x16xf32, #tpu.memory_space<hbm>>) target(%dma_start3A_633 : memref<640x16xf32, #tpu.memory_space<vmem>>) offsets(%dma_start3A_636 : memref<640xi32, #tpu.memory_space<vmem>>) semaphore(%dma_start3A_641 : memref<!tpu.dma_semaphore, #tpu.memory_space<semaphore_mem>>)
    %dma_wait3A_642 = arith.constant 35 : i32
    %dma_wait3A_643 = arith.constant 3 : i32
    %dma_wait3A_644 = arith.constant 3 : i32
    %dma_wait3A_645 = arith.constant 0 : i32
    %dma_wait3A_646 = arith.constant 0 : i32
    %dma_wait3A_647 = tpu.memref_slice %arg7[%dma_wait3A_643, %dma_wait3A_645, %dma_wait3A_646] : memref<8x640x16xf32, #tpu.memory_space<vmem>> -> memref<1x640x16xf32, #tpu.memory_space<vmem>>
    %dma_wait3A_648 = tpu.memref_squeeze %dma_wait3A_647 : memref<1x640x16xf32, #tpu.memory_space<vmem>> -> memref<640x16xf32, #tpu.memory_space<vmem>>
    %dma_wait3A_649 = arith.constant 0 : i32
    %dma_wait3A_650 = tpu.memref_slice %arg6[%dma_wait3A_642, %dma_wait3A_649] : memref<40x640xi32, #tpu.memory_space<vmem>> -> memref<1x640xi32, #tpu.memory_space<vmem>>
    %dma_wait3A_651 = tpu.memref_squeeze %dma_wait3A_650 : memref<1x640xi32, #tpu.memory_space<vmem>> -> memref<640xi32, #tpu.memory_space<vmem>>
    %dma_wait3A_652 = arith.constant 0 : i32
    %dma_wait3A_653 = arith.constant 0 : i32
    %dma_wait3A_654 = tpu.memref_slice %arg3[%dma_wait3A_652, %dma_wait3A_653] : memref<102400x16xf32, #tpu.memory_space<hbm>> -> memref<102400x16xf32, #tpu.memory_space<hbm>>
    %dma_wait3A_655 = tpu.memref_slice %arg12[%dma_wait3A_644] : memref<8x!tpu.dma_semaphore, #tpu.memory_space<semaphore_mem>> -> memref<1x!tpu.dma_semaphore, #tpu.memory_space<semaphore_mem>>
    %dma_wait3A_656 = tpu.memref_squeeze %dma_wait3A_655 : memref<1x!tpu.dma_semaphore, #tpu.memory_space<semaphore_mem>> -> memref<!tpu.dma_semaphore, #tpu.memory_space<semaphore_mem>>
    tpu.wait_indirect_dma semaphore(%dma_wait3A_656 : memref<!tpu.dma_semaphore, #tpu.memory_space<semaphore_mem>>) src(%dma_wait3A_654 : memref<102400x16xf32, #tpu.memory_space<hbm>>) dst(%dma_wait3A_648 : memref<640x16xf32, #tpu.memory_space<vmem>>)
    %dma_start3A_657 = arith.constant 3 : i32
    %dma_start3A_658 = arith.constant 3 : i32
    %dma_start3A_659 = arith.constant 0 : i32
    %dma_start3A_660 = arith.constant 0 : i32
    %dma_start3A_661 = tpu.memref_slice %arg7[%dma_start3A_657, %dma_start3A_659, %dma_start3A_660] : memref<8x640x16xf32, #tpu.memory_space<vmem>> -> memref<1x640x16xf32, #tpu.memory_space<vmem>>
    %dma_start3A_662 = tpu.memref_squeeze %dma_start3A_661 : memref<1x640x16xf32, #tpu.memory_space<vmem>> -> memref<640x16xf32, #tpu.memory_space<vmem>>
    %dma_start3A_663 = arith.constant 0 : i32
    %dma_start3A_664 = arith.constant 0 : i32
    %dma_start3A_665 = tpu.memref_slice %arg11[%dma_start3A_663, %dma_start3A_664] : memref<10240x16xf32, #tpu.memory_space<vmem_shared>> -> memref<10240x16xf32, #tpu.memory_space<vmem_shared>>
    %dma_start3A_666 = tpu.memref_slice %arg13[%dma_start3A_658] : memref<8x!tpu.dma_semaphore, #tpu.memory_space<semaphore_mem>> -> memref<1x!tpu.dma_semaphore, #tpu.memory_space<semaphore_mem>>
    %dma_start3A_667 = tpu.memref_squeeze %dma_start3A_666 : memref<1x!tpu.dma_semaphore, #tpu.memory_space<semaphore_mem>> -> memref<!tpu.dma_semaphore, #tpu.memory_space<semaphore_mem>>
    tpu.enqueue_indirect_dma source(%dma_start3A_662 : memref<640x16xf32, #tpu.memory_space<vmem>>) target(%dma_start3A_665 : memref<10240x16xf32, #tpu.memory_space<vmem_shared>>) offsets(%arg9 : memref<640xi32, #tpu.memory_space<vmem>>) semaphore(%dma_start3A_667 : memref<!tpu.dma_semaphore, #tpu.memory_space<semaphore_mem>>) {add = true}
    %dma_wait3A_668 = arith.constant 7 : i32
    %dma_wait3A_669 = arith.constant 7 : i32
    %dma_wait3A_670 = arith.constant 0 : i32
    %dma_wait3A_671 = arith.constant 0 : i32
    %dma_wait3A_672 = tpu.memref_slice %arg7[%dma_wait3A_668, %dma_wait3A_670, %dma_wait3A_671] : memref<8x640x16xf32, #tpu.memory_space<vmem>> -> memref<1x640x16xf32, #tpu.memory_space<vmem>>
    %dma_wait3A_673 = tpu.memref_squeeze %dma_wait3A_672 : memref<1x640x16xf32, #tpu.memory_space<vmem>> -> memref<640x16xf32, #tpu.memory_space<vmem>>
    %dma_wait3A_674 = arith.constant 0 : i32
    %dma_wait3A_675 = arith.constant 0 : i32
    %dma_wait3A_676 = tpu.memref_slice %arg11[%dma_wait3A_674, %dma_wait3A_675] : memref<10240x16xf32, #tpu.memory_space<vmem_shared>> -> memref<10240x16xf32, #tpu.memory_space<vmem_shared>>
    %dma_wait3A_677 = tpu.memref_slice %arg13[%dma_wait3A_669] : memref<8x!tpu.dma_semaphore, #tpu.memory_space<semaphore_mem>> -> memref<1x!tpu.dma_semaphore, #tpu.memory_space<semaphore_mem>>
    %dma_wait3A_678 = tpu.memref_squeeze %dma_wait3A_677 : memref<1x!tpu.dma_semaphore, #tpu.memory_space<semaphore_mem>> -> memref<!tpu.dma_semaphore, #tpu.memory_space<semaphore_mem>>
    tpu.wait_indirect_dma semaphore(%dma_wait3A_678 : memref<!tpu.dma_semaphore, #tpu.memory_space<semaphore_mem>>) src(%dma_wait3A_673 : memref<640x16xf32, #tpu.memory_space<vmem>>) dst(%dma_wait3A_676 : memref<10240x16xf32, #tpu.memory_space<vmem_shared>>)
    %dma_start3A_679 = arith.constant 39 : i32
    %dma_start3A_680 = arith.constant 7 : i32
    %dma_start3A_681 = arith.constant 7 : i32
    %dma_start3A_682 = arith.constant 0 : i32
    %dma_start3A_683 = arith.constant 0 : i32
    %dma_start3A_684 = tpu.memref_slice %arg7[%dma_start3A_680, %dma_start3A_682, %dma_start3A_683] : memref<8x640x16xf32, #tpu.memory_space<vmem>> -> memref<1x640x16xf32, #tpu.memory_space<vmem>>
    %dma_start3A_685 = tpu.memref_squeeze %dma_start3A_684 : memref<1x640x16xf32, #tpu.memory_space<vmem>> -> memref<640x16xf32, #tpu.memory_space<vmem>>
    %dma_start3A_686 = arith.constant 0 : i32
    %dma_start3A_687 = tpu.memref_slice %arg6[%dma_start3A_679, %dma_start3A_686] : memref<40x640xi32, #tpu.memory_space<vmem>> -> memref<1x640xi32, #tpu.memory_space<vmem>>
    %dma_start3A_688 = tpu.memref_squeeze %dma_start3A_687 : memref<1x640xi32, #tpu.memory_space<vmem>> -> memref<640xi32, #tpu.memory_space<vmem>>
    %dma_start3A_689 = arith.constant 0 : i32
    %dma_start3A_690 = arith.constant 0 : i32
    %dma_start3A_691 = tpu.memref_slice %arg3[%dma_start3A_689, %dma_start3A_690] : memref<102400x16xf32, #tpu.memory_space<hbm>> -> memref<102400x16xf32, #tpu.memory_space<hbm>>
    %dma_start3A_692 = tpu.memref_slice %arg12[%dma_start3A_681] : memref<8x!tpu.dma_semaphore, #tpu.memory_space<semaphore_mem>> -> memref<1x!tpu.dma_semaphore, #tpu.memory_space<semaphore_mem>>
    %dma_start3A_693 = tpu.memref_squeeze %dma_start3A_692 : memref<1x!tpu.dma_semaphore, #tpu.memory_space<semaphore_mem>> -> memref<!tpu.dma_semaphore, #tpu.memory_space<semaphore_mem>>
    tpu.enqueue_indirect_dma source(%dma_start3A_691 : memref<102400x16xf32, #tpu.memory_space<hbm>>) target(%dma_start3A_685 : memref<640x16xf32, #tpu.memory_space<vmem>>) offsets(%dma_start3A_688 : memref<640xi32, #tpu.memory_space<vmem>>) semaphore(%dma_start3A_693 : memref<!tpu.dma_semaphore, #tpu.memory_space<semaphore_mem>>)
    %dma_wait3A_694 = arith.constant 36 : i32
    %dma_wait3A_695 = arith.constant 4 : i32
    %dma_wait3A_696 = arith.constant 4 : i32
    %dma_wait3A_697 = arith.constant 0 : i32
    %dma_wait3A_698 = arith.constant 0 : i32
    %dma_wait3A_699 = tpu.memref_slice %arg7[%dma_wait3A_695, %dma_wait3A_697, %dma_wait3A_698] : memref<8x640x16xf32, #tpu.memory_space<vmem>> -> memref<1x640x16xf32, #tpu.memory_space<vmem>>
    %dma_wait3A_700 = tpu.memref_squeeze %dma_wait3A_699 : memref<1x640x16xf32, #tpu.memory_space<vmem>> -> memref<640x16xf32, #tpu.memory_space<vmem>>
    %dma_wait3A_701 = arith.constant 0 : i32
    %dma_wait3A_702 = tpu.memref_slice %arg6[%dma_wait3A_694, %dma_wait3A_701] : memref<40x640xi32, #tpu.memory_space<vmem>> -> memref<1x640xi32, #tpu.memory_space<vmem>>
    %dma_wait3A_703 = tpu.memref_squeeze %dma_wait3A_702 : memref<1x640xi32, #tpu.memory_space<vmem>> -> memref<640xi32, #tpu.memory_space<vmem>>
    %dma_wait3A_704 = arith.constant 0 : i32
    %dma_wait3A_705 = arith.constant 0 : i32
    %dma_wait3A_706 = tpu.memref_slice %arg3[%dma_wait3A_704, %dma_wait3A_705] : memref<102400x16xf32, #tpu.memory_space<hbm>> -> memref<102400x16xf32, #tpu.memory_space<hbm>>
    %dma_wait3A_707 = tpu.memref_slice %arg12[%dma_wait3A_696] : memref<8x!tpu.dma_semaphore, #tpu.memory_space<semaphore_mem>> -> memref<1x!tpu.dma_semaphore, #tpu.memory_space<semaphore_mem>>
    %dma_wait3A_708 = tpu.memref_squeeze %dma_wait3A_707 : memref<1x!tpu.dma_semaphore, #tpu.memory_space<semaphore_mem>> -> memref<!tpu.dma_semaphore, #tpu.memory_space<semaphore_mem>>
    tpu.wait_indirect_dma semaphore(%dma_wait3A_708 : memref<!tpu.dma_semaphore, #tpu.memory_space<semaphore_mem>>) src(%dma_wait3A_706 : memref<102400x16xf32, #tpu.memory_space<hbm>>) dst(%dma_wait3A_700 : memref<640x16xf32, #tpu.memory_space<vmem>>)
    %dma_start3A_709 = arith.constant 4 : i32
    %dma_start3A_710 = arith.constant 4 : i32
    %dma_start3A_711 = arith.constant 0 : i32
    %dma_start3A_712 = arith.constant 0 : i32
    %dma_start3A_713 = tpu.memref_slice %arg7[%dma_start3A_709, %dma_start3A_711, %dma_start3A_712] : memref<8x640x16xf32, #tpu.memory_space<vmem>> -> memref<1x640x16xf32, #tpu.memory_space<vmem>>
    %dma_start3A_714 = tpu.memref_squeeze %dma_start3A_713 : memref<1x640x16xf32, #tpu.memory_space<vmem>> -> memref<640x16xf32, #tpu.memory_space<vmem>>
    %dma_start3A_715 = arith.constant 0 : i32
    %dma_start3A_716 = arith.constant 0 : i32
    %dma_start3A_717 = tpu.memref_slice %arg11[%dma_start3A_715, %dma_start3A_716] : memref<10240x16xf32, #tpu.memory_space<vmem_shared>> -> memref<10240x16xf32, #tpu.memory_space<vmem_shared>>
    %dma_start3A_718 = tpu.memref_slice %arg13[%dma_start3A_710] : memref<8x!tpu.dma_semaphore, #tpu.memory_space<semaphore_mem>> -> memref<1x!tpu.dma_semaphore, #tpu.memory_space<semaphore_mem>>
    %dma_start3A_719 = tpu.memref_squeeze %dma_start3A_718 : memref<1x!tpu.dma_semaphore, #tpu.memory_space<semaphore_mem>> -> memref<!tpu.dma_semaphore, #tpu.memory_space<semaphore_mem>>
    tpu.enqueue_indirect_dma source(%dma_start3A_714 : memref<640x16xf32, #tpu.memory_space<vmem>>) target(%dma_start3A_717 : memref<10240x16xf32, #tpu.memory_space<vmem_shared>>) offsets(%arg9 : memref<640xi32, #tpu.memory_space<vmem>>) semaphore(%dma_start3A_719 : memref<!tpu.dma_semaphore, #tpu.memory_space<semaphore_mem>>) {add = true}
    %dma_wait3A_720 = arith.constant 37 : i32
    %dma_wait3A_721 = arith.constant 5 : i32
    %dma_wait3A_722 = arith.constant 5 : i32
    %dma_wait3A_723 = arith.constant 0 : i32
    %dma_wait3A_724 = arith.constant 0 : i32
    %dma_wait3A_725 = tpu.memref_slice %arg7[%dma_wait3A_721, %dma_wait3A_723, %dma_wait3A_724] : memref<8x640x16xf32, #tpu.memory_space<vmem>> -> memref<1x640x16xf32, #tpu.memory_space<vmem>>
    %dma_wait3A_726 = tpu.memref_squeeze %dma_wait3A_725 : memref<1x640x16xf32, #tpu.memory_space<vmem>> -> memref<640x16xf32, #tpu.memory_space<vmem>>
    %dma_wait3A_727 = arith.constant 0 : i32
    %dma_wait3A_728 = tpu.memref_slice %arg6[%dma_wait3A_720, %dma_wait3A_727] : memref<40x640xi32, #tpu.memory_space<vmem>> -> memref<1x640xi32, #tpu.memory_space<vmem>>
    %dma_wait3A_729 = tpu.memref_squeeze %dma_wait3A_728 : memref<1x640xi32, #tpu.memory_space<vmem>> -> memref<640xi32, #tpu.memory_space<vmem>>
    %dma_wait3A_730 = arith.constant 0 : i32
    %dma_wait3A_731 = arith.constant 0 : i32
    %dma_wait3A_732 = tpu.memref_slice %arg3[%dma_wait3A_730, %dma_wait3A_731] : memref<102400x16xf32, #tpu.memory_space<hbm>> -> memref<102400x16xf32, #tpu.memory_space<hbm>>
    %dma_wait3A_733 = tpu.memref_slice %arg12[%dma_wait3A_722] : memref<8x!tpu.dma_semaphore, #tpu.memory_space<semaphore_mem>> -> memref<1x!tpu.dma_semaphore, #tpu.memory_space<semaphore_mem>>
    %dma_wait3A_734 = tpu.memref_squeeze %dma_wait3A_733 : memref<1x!tpu.dma_semaphore, #tpu.memory_space<semaphore_mem>> -> memref<!tpu.dma_semaphore, #tpu.memory_space<semaphore_mem>>
    tpu.wait_indirect_dma semaphore(%dma_wait3A_734 : memref<!tpu.dma_semaphore, #tpu.memory_space<semaphore_mem>>) src(%dma_wait3A_732 : memref<102400x16xf32, #tpu.memory_space<hbm>>) dst(%dma_wait3A_726 : memref<640x16xf32, #tpu.memory_space<vmem>>)
    %dma_start3A_735 = arith.constant 5 : i32
    %dma_start3A_736 = arith.constant 5 : i32
    %dma_start3A_737 = arith.constant 0 : i32
    %dma_start3A_738 = arith.constant 0 : i32
    %dma_start3A_739 = tpu.memref_slice %arg7[%dma_start3A_735, %dma_start3A_737, %dma_start3A_738] : memref<8x640x16xf32, #tpu.memory_space<vmem>> -> memref<1x640x16xf32, #tpu.memory_space<vmem>>
    %dma_start3A_740 = tpu.memref_squeeze %dma_start3A_739 : memref<1x640x16xf32, #tpu.memory_space<vmem>> -> memref<640x16xf32, #tpu.memory_space<vmem>>
    %dma_start3A_741 = arith.constant 0 : i32
    %dma_start3A_742 = arith.constant 0 : i32
    %dma_start3A_743 = tpu.memref_slice %arg11[%dma_start3A_741, %dma_start3A_742] : memref<10240x16xf32, #tpu.memory_space<vmem_shared>> -> memref<10240x16xf32, #tpu.memory_space<vmem_shared>>
    %dma_start3A_744 = tpu.memref_slice %arg13[%dma_start3A_736] : memref<8x!tpu.dma_semaphore, #tpu.memory_space<semaphore_mem>> -> memref<1x!tpu.dma_semaphore, #tpu.memory_space<semaphore_mem>>
    %dma_start3A_745 = tpu.memref_squeeze %dma_start3A_744 : memref<1x!tpu.dma_semaphore, #tpu.memory_space<semaphore_mem>> -> memref<!tpu.dma_semaphore, #tpu.memory_space<semaphore_mem>>
    tpu.enqueue_indirect_dma source(%dma_start3A_740 : memref<640x16xf32, #tpu.memory_space<vmem>>) target(%dma_start3A_743 : memref<10240x16xf32, #tpu.memory_space<vmem_shared>>) offsets(%arg9 : memref<640xi32, #tpu.memory_space<vmem>>) semaphore(%dma_start3A_745 : memref<!tpu.dma_semaphore, #tpu.memory_space<semaphore_mem>>) {add = true}
    %dma_wait3A_746 = arith.constant 38 : i32
    %dma_wait3A_747 = arith.constant 6 : i32
    %dma_wait3A_748 = arith.constant 6 : i32
    %dma_wait3A_749 = arith.constant 0 : i32
    %dma_wait3A_750 = arith.constant 0 : i32
    %dma_wait3A_751 = tpu.memref_slice %arg7[%dma_wait3A_747, %dma_wait3A_749, %dma_wait3A_750] : memref<8x640x16xf32, #tpu.memory_space<vmem>> -> memref<1x640x16xf32, #tpu.memory_space<vmem>>
    %dma_wait3A_752 = tpu.memref_squeeze %dma_wait3A_751 : memref<1x640x16xf32, #tpu.memory_space<vmem>> -> memref<640x16xf32, #tpu.memory_space<vmem>>
    %dma_wait3A_753 = arith.constant 0 : i32
    %dma_wait3A_754 = tpu.memref_slice %arg6[%dma_wait3A_746, %dma_wait3A_753] : memref<40x640xi32, #tpu.memory_space<vmem>> -> memref<1x640xi32, #tpu.memory_space<vmem>>
    %dma_wait3A_755 = tpu.memref_squeeze %dma_wait3A_754 : memref<1x640xi32, #tpu.memory_space<vmem>> -> memref<640xi32, #tpu.memory_space<vmem>>
    %dma_wait3A_756 = arith.constant 0 : i32
    %dma_wait3A_757 = arith.constant 0 : i32
    %dma_wait3A_758 = tpu.memref_slice %arg3[%dma_wait3A_756, %dma_wait3A_757] : memref<102400x16xf32, #tpu.memory_space<hbm>> -> memref<102400x16xf32, #tpu.memory_space<hbm>>
    %dma_wait3A_759 = tpu.memref_slice %arg12[%dma_wait3A_748] : memref<8x!tpu.dma_semaphore, #tpu.memory_space<semaphore_mem>> -> memref<1x!tpu.dma_semaphore, #tpu.memory_space<semaphore_mem>>
    %dma_wait3A_760 = tpu.memref_squeeze %dma_wait3A_759 : memref<1x!tpu.dma_semaphore, #tpu.memory_space<semaphore_mem>> -> memref<!tpu.dma_semaphore, #tpu.memory_space<semaphore_mem>>
    tpu.wait_indirect_dma semaphore(%dma_wait3A_760 : memref<!tpu.dma_semaphore, #tpu.memory_space<semaphore_mem>>) src(%dma_wait3A_758 : memref<102400x16xf32, #tpu.memory_space<hbm>>) dst(%dma_wait3A_752 : memref<640x16xf32, #tpu.memory_space<vmem>>)
    %dma_start3A_761 = arith.constant 6 : i32
    %dma_start3A_762 = arith.constant 6 : i32
    %dma_start3A_763 = arith.constant 0 : i32
    %dma_start3A_764 = arith.constant 0 : i32
    %dma_start3A_765 = tpu.memref_slice %arg7[%dma_start3A_761, %dma_start3A_763, %dma_start3A_764] : memref<8x640x16xf32, #tpu.memory_space<vmem>> -> memref<1x640x16xf32, #tpu.memory_space<vmem>>
    %dma_start3A_766 = tpu.memref_squeeze %dma_start3A_765 : memref<1x640x16xf32, #tpu.memory_space<vmem>> -> memref<640x16xf32, #tpu.memory_space<vmem>>
    %dma_start3A_767 = arith.constant 0 : i32
    %dma_start3A_768 = arith.constant 0 : i32
    %dma_start3A_769 = tpu.memref_slice %arg11[%dma_start3A_767, %dma_start3A_768] : memref<10240x16xf32, #tpu.memory_space<vmem_shared>> -> memref<10240x16xf32, #tpu.memory_space<vmem_shared>>
    %dma_start3A_770 = tpu.memref_slice %arg13[%dma_start3A_762] : memref<8x!tpu.dma_semaphore, #tpu.memory_space<semaphore_mem>> -> memref<1x!tpu.dma_semaphore, #tpu.memory_space<semaphore_mem>>
    %dma_start3A_771 = tpu.memref_squeeze %dma_start3A_770 : memref<1x!tpu.dma_semaphore, #tpu.memory_space<semaphore_mem>> -> memref<!tpu.dma_semaphore, #tpu.memory_space<semaphore_mem>>
    tpu.enqueue_indirect_dma source(%dma_start3A_766 : memref<640x16xf32, #tpu.memory_space<vmem>>) target(%dma_start3A_769 : memref<10240x16xf32, #tpu.memory_space<vmem_shared>>) offsets(%arg9 : memref<640xi32, #tpu.memory_space<vmem>>) semaphore(%dma_start3A_771 : memref<!tpu.dma_semaphore, #tpu.memory_space<semaphore_mem>>) {add = true}
    %dma_wait3A_772 = arith.constant 39 : i32
    %dma_wait3A_773 = arith.constant 7 : i32
    %dma_wait3A_774 = arith.constant 7 : i32
    %dma_wait3A_775 = arith.constant 0 : i32
    %dma_wait3A_776 = arith.constant 0 : i32
    %dma_wait3A_777 = tpu.memref_slice %arg7[%dma_wait3A_773, %dma_wait3A_775, %dma_wait3A_776] : memref<8x640x16xf32, #tpu.memory_space<vmem>> -> memref<1x640x16xf32, #tpu.memory_space<vmem>>
    %dma_wait3A_778 = tpu.memref_squeeze %dma_wait3A_777 : memref<1x640x16xf32, #tpu.memory_space<vmem>> -> memref<640x16xf32, #tpu.memory_space<vmem>>
    %dma_wait3A_779 = arith.constant 0 : i32
    %dma_wait3A_780 = tpu.memref_slice %arg6[%dma_wait3A_772, %dma_wait3A_779] : memref<40x640xi32, #tpu.memory_space<vmem>> -> memref<1x640xi32, #tpu.memory_space<vmem>>
    %dma_wait3A_781 = tpu.memref_squeeze %dma_wait3A_780 : memref<1x640xi32, #tpu.memory_space<vmem>> -> memref<640xi32, #tpu.memory_space<vmem>>
    %dma_wait3A_782 = arith.constant 0 : i32
    %dma_wait3A_783 = arith.constant 0 : i32
    %dma_wait3A_784 = tpu.memref_slice %arg3[%dma_wait3A_782, %dma_wait3A_783] : memref<102400x16xf32, #tpu.memory_space<hbm>> -> memref<102400x16xf32, #tpu.memory_space<hbm>>
    %dma_wait3A_785 = tpu.memref_slice %arg12[%dma_wait3A_774] : memref<8x!tpu.dma_semaphore, #tpu.memory_space<semaphore_mem>> -> memref<1x!tpu.dma_semaphore, #tpu.memory_space<semaphore_mem>>
    %dma_wait3A_786 = tpu.memref_squeeze %dma_wait3A_785 : memref<1x!tpu.dma_semaphore, #tpu.memory_space<semaphore_mem>> -> memref<!tpu.dma_semaphore, #tpu.memory_space<semaphore_mem>>
    tpu.wait_indirect_dma semaphore(%dma_wait3A_786 : memref<!tpu.dma_semaphore, #tpu.memory_space<semaphore_mem>>) src(%dma_wait3A_784 : memref<102400x16xf32, #tpu.memory_space<hbm>>) dst(%dma_wait3A_778 : memref<640x16xf32, #tpu.memory_space<vmem>>)
    %dma_start3A_787 = arith.constant 7 : i32
    %dma_start3A_788 = arith.constant 7 : i32
    %dma_start3A_789 = arith.constant 0 : i32
    %dma_start3A_790 = arith.constant 0 : i32
    %dma_start3A_791 = tpu.memref_slice %arg7[%dma_start3A_787, %dma_start3A_789, %dma_start3A_790] : memref<8x640x16xf32, #tpu.memory_space<vmem>> -> memref<1x640x16xf32, #tpu.memory_space<vmem>>
    %dma_start3A_792 = tpu.memref_squeeze %dma_start3A_791 : memref<1x640x16xf32, #tpu.memory_space<vmem>> -> memref<640x16xf32, #tpu.memory_space<vmem>>
    %dma_start3A_793 = arith.constant 0 : i32
    %dma_start3A_794 = arith.constant 0 : i32
    %dma_start3A_795 = tpu.memref_slice %arg11[%dma_start3A_793, %dma_start3A_794] : memref<10240x16xf32, #tpu.memory_space<vmem_shared>> -> memref<10240x16xf32, #tpu.memory_space<vmem_shared>>
    %dma_start3A_796 = tpu.memref_slice %arg13[%dma_start3A_788] : memref<8x!tpu.dma_semaphore, #tpu.memory_space<semaphore_mem>> -> memref<1x!tpu.dma_semaphore, #tpu.memory_space<semaphore_mem>>
    %dma_start3A_797 = tpu.memref_squeeze %dma_start3A_796 : memref<1x!tpu.dma_semaphore, #tpu.memory_space<semaphore_mem>> -> memref<!tpu.dma_semaphore, #tpu.memory_space<semaphore_mem>>
    tpu.enqueue_indirect_dma source(%dma_start3A_792 : memref<640x16xf32, #tpu.memory_space<vmem>>) target(%dma_start3A_795 : memref<10240x16xf32, #tpu.memory_space<vmem_shared>>) offsets(%arg9 : memref<640xi32, #tpu.memory_space<vmem>>) semaphore(%dma_start3A_797 : memref<!tpu.dma_semaphore, #tpu.memory_space<semaphore_mem>>) {add = true}
    %dma_wait3A_798 = arith.constant 0 : i32
    %dma_wait3A_799 = arith.constant 0 : i32
    %dma_wait3A_800 = arith.constant 0 : i32
    %dma_wait3A_801 = arith.constant 0 : i32
    %dma_wait3A_802 = tpu.memref_slice %arg7[%dma_wait3A_798, %dma_wait3A_800, %dma_wait3A_801] : memref<8x640x16xf32, #tpu.memory_space<vmem>> -> memref<1x640x16xf32, #tpu.memory_space<vmem>>
    %dma_wait3A_803 = tpu.memref_squeeze %dma_wait3A_802 : memref<1x640x16xf32, #tpu.memory_space<vmem>> -> memref<640x16xf32, #tpu.memory_space<vmem>>
    %dma_wait3A_804 = arith.constant 0 : i32
    %dma_wait3A_805 = arith.constant 0 : i32
    %dma_wait3A_806 = tpu.memref_slice %arg11[%dma_wait3A_804, %dma_wait3A_805] : memref<10240x16xf32, #tpu.memory_space<vmem_shared>> -> memref<10240x16xf32, #tpu.memory_space<vmem_shared>>
    %dma_wait3A_807 = tpu.memref_slice %arg13[%dma_wait3A_799] : memref<8x!tpu.dma_semaphore, #tpu.memory_space<semaphore_mem>> -> memref<1x!tpu.dma_semaphore, #tpu.memory_space<semaphore_mem>>
    %dma_wait3A_808 = tpu.memref_squeeze %dma_wait3A_807 : memref<1x!tpu.dma_semaphore, #tpu.memory_space<semaphore_mem>> -> memref<!tpu.dma_semaphore, #tpu.memory_space<semaphore_mem>>
    tpu.wait_indirect_dma semaphore(%dma_wait3A_808 : memref<!tpu.dma_semaphore, #tpu.memory_space<semaphore_mem>>) src(%dma_wait3A_803 : memref<640x16xf32, #tpu.memory_space<vmem>>) dst(%dma_wait3A_806 : memref<10240x16xf32, #tpu.memory_space<vmem_shared>>)
    %dma_wait3A_809 = arith.constant 1 : i32
    %dma_wait3A_810 = arith.constant 1 : i32
    %dma_wait3A_811 = arith.constant 0 : i32
    %dma_wait3A_812 = arith.constant 0 : i32
    %dma_wait3A_813 = tpu.memref_slice %arg7[%dma_wait3A_809, %dma_wait3A_811, %dma_wait3A_812] : memref<8x640x16xf32, #tpu.memory_space<vmem>> -> memref<1x640x16xf32, #tpu.memory_space<vmem>>
    %dma_wait3A_814 = tpu.memref_squeeze %dma_wait3A_813 : memref<1x640x16xf32, #tpu.memory_space<vmem>> -> memref<640x16xf32, #tpu.memory_space<vmem>>
    %dma_wait3A_815 = arith.constant 0 : i32
    %dma_wait3A_816 = arith.constant 0 : i32
    %dma_wait3A_817 = tpu.memref_slice %arg11[%dma_wait3A_815, %dma_wait3A_816] : memref<10240x16xf32, #tpu.memory_space<vmem_shared>> -> memref<10240x16xf32, #tpu.memory_space<vmem_shared>>
    %dma_wait3A_818 = tpu.memref_slice %arg13[%dma_wait3A_810] : memref<8x!tpu.dma_semaphore, #tpu.memory_space<semaphore_mem>> -> memref<1x!tpu.dma_semaphore, #tpu.memory_space<semaphore_mem>>
    %dma_wait3A_819 = tpu.memref_squeeze %dma_wait3A_818 : memref<1x!tpu.dma_semaphore, #tpu.memory_space<semaphore_mem>> -> memref<!tpu.dma_semaphore, #tpu.memory_space<semaphore_mem>>
    tpu.wait_indirect_dma semaphore(%dma_wait3A_819 : memref<!tpu.dma_semaphore, #tpu.memory_space<semaphore_mem>>) src(%dma_wait3A_814 : memref<640x16xf32, #tpu.memory_space<vmem>>) dst(%dma_wait3A_817 : memref<10240x16xf32, #tpu.memory_space<vmem_shared>>)
    %dma_wait3A_820 = arith.constant 2 : i32
    %dma_wait3A_821 = arith.constant 2 : i32
    %dma_wait3A_822 = arith.constant 0 : i32
    %dma_wait3A_823 = arith.constant 0 : i32
    %dma_wait3A_824 = tpu.memref_slice %arg7[%dma_wait3A_820, %dma_wait3A_822, %dma_wait3A_823] : memref<8x640x16xf32, #tpu.memory_space<vmem>> -> memref<1x640x16xf32, #tpu.memory_space<vmem>>
    %dma_wait3A_825 = tpu.memref_squeeze %dma_wait3A_824 : memref<1x640x16xf32, #tpu.memory_space<vmem>> -> memref<640x16xf32, #tpu.memory_space<vmem>>
    %dma_wait3A_826 = arith.constant 0 : i32
    %dma_wait3A_827 = arith.constant 0 : i32
    %dma_wait3A_828 = tpu.memref_slice %arg11[%dma_wait3A_826, %dma_wait3A_827] : memref<10240x16xf32, #tpu.memory_space<vmem_shared>> -> memref<10240x16xf32, #tpu.memory_space<vmem_shared>>
    %dma_wait3A_829 = tpu.memref_slice %arg13[%dma_wait3A_821] : memref<8x!tpu.dma_semaphore, #tpu.memory_space<semaphore_mem>> -> memref<1x!tpu.dma_semaphore, #tpu.memory_space<semaphore_mem>>
    %dma_wait3A_830 = tpu.memref_squeeze %dma_wait3A_829 : memref<1x!tpu.dma_semaphore, #tpu.memory_space<semaphore_mem>> -> memref<!tpu.dma_semaphore, #tpu.memory_space<semaphore_mem>>
    tpu.wait_indirect_dma semaphore(%dma_wait3A_830 : memref<!tpu.dma_semaphore, #tpu.memory_space<semaphore_mem>>) src(%dma_wait3A_825 : memref<640x16xf32, #tpu.memory_space<vmem>>) dst(%dma_wait3A_828 : memref<10240x16xf32, #tpu.memory_space<vmem_shared>>)
    %dma_wait3A_831 = arith.constant 3 : i32
    %dma_wait3A_832 = arith.constant 3 : i32
    %dma_wait3A_833 = arith.constant 0 : i32
    %dma_wait3A_834 = arith.constant 0 : i32
    %dma_wait3A_835 = tpu.memref_slice %arg7[%dma_wait3A_831, %dma_wait3A_833, %dma_wait3A_834] : memref<8x640x16xf32, #tpu.memory_space<vmem>> -> memref<1x640x16xf32, #tpu.memory_space<vmem>>
    %dma_wait3A_836 = tpu.memref_squeeze %dma_wait3A_835 : memref<1x640x16xf32, #tpu.memory_space<vmem>> -> memref<640x16xf32, #tpu.memory_space<vmem>>
    %dma_wait3A_837 = arith.constant 0 : i32
    %dma_wait3A_838 = arith.constant 0 : i32
    %dma_wait3A_839 = tpu.memref_slice %arg11[%dma_wait3A_837, %dma_wait3A_838] : memref<10240x16xf32, #tpu.memory_space<vmem_shared>> -> memref<10240x16xf32, #tpu.memory_space<vmem_shared>>
    %dma_wait3A_840 = tpu.memref_slice %arg13[%dma_wait3A_832] : memref<8x!tpu.dma_semaphore, #tpu.memory_space<semaphore_mem>> -> memref<1x!tpu.dma_semaphore, #tpu.memory_space<semaphore_mem>>
    %dma_wait3A_841 = tpu.memref_squeeze %dma_wait3A_840 : memref<1x!tpu.dma_semaphore, #tpu.memory_space<semaphore_mem>> -> memref<!tpu.dma_semaphore, #tpu.memory_space<semaphore_mem>>
    tpu.wait_indirect_dma semaphore(%dma_wait3A_841 : memref<!tpu.dma_semaphore, #tpu.memory_space<semaphore_mem>>) src(%dma_wait3A_836 : memref<640x16xf32, #tpu.memory_space<vmem>>) dst(%dma_wait3A_839 : memref<10240x16xf32, #tpu.memory_space<vmem_shared>>)
    %dma_wait3A_842 = arith.constant 4 : i32
    %dma_wait3A_843 = arith.constant 4 : i32
    %dma_wait3A_844 = arith.constant 0 : i32
    %dma_wait3A_845 = arith.constant 0 : i32
    %dma_wait3A_846 = tpu.memref_slice %arg7[%dma_wait3A_842, %dma_wait3A_844, %dma_wait3A_845] : memref<8x640x16xf32, #tpu.memory_space<vmem>> -> memref<1x640x16xf32, #tpu.memory_space<vmem>>
    %dma_wait3A_847 = tpu.memref_squeeze %dma_wait3A_846 : memref<1x640x16xf32, #tpu.memory_space<vmem>> -> memref<640x16xf32, #tpu.memory_space<vmem>>
    %dma_wait3A_848 = arith.constant 0 : i32
    %dma_wait3A_849 = arith.constant 0 : i32
    %dma_wait3A_850 = tpu.memref_slice %arg11[%dma_wait3A_848, %dma_wait3A_849] : memref<10240x16xf32, #tpu.memory_space<vmem_shared>> -> memref<10240x16xf32, #tpu.memory_space<vmem_shared>>
    %dma_wait3A_851 = tpu.memref_slice %arg13[%dma_wait3A_843] : memref<8x!tpu.dma_semaphore, #tpu.memory_space<semaphore_mem>> -> memref<1x!tpu.dma_semaphore, #tpu.memory_space<semaphore_mem>>
    %dma_wait3A_852 = tpu.memref_squeeze %dma_wait3A_851 : memref<1x!tpu.dma_semaphore, #tpu.memory_space<semaphore_mem>> -> memref<!tpu.dma_semaphore, #tpu.memory_space<semaphore_mem>>
    tpu.wait_indirect_dma semaphore(%dma_wait3A_852 : memref<!tpu.dma_semaphore, #tpu.memory_space<semaphore_mem>>) src(%dma_wait3A_847 : memref<640x16xf32, #tpu.memory_space<vmem>>) dst(%dma_wait3A_850 : memref<10240x16xf32, #tpu.memory_space<vmem_shared>>)
    %dma_wait3A_853 = arith.constant 5 : i32
    %dma_wait3A_854 = arith.constant 5 : i32
    %dma_wait3A_855 = arith.constant 0 : i32
    %dma_wait3A_856 = arith.constant 0 : i32
    %dma_wait3A_857 = tpu.memref_slice %arg7[%dma_wait3A_853, %dma_wait3A_855, %dma_wait3A_856] : memref<8x640x16xf32, #tpu.memory_space<vmem>> -> memref<1x640x16xf32, #tpu.memory_space<vmem>>
    %dma_wait3A_858 = tpu.memref_squeeze %dma_wait3A_857 : memref<1x640x16xf32, #tpu.memory_space<vmem>> -> memref<640x16xf32, #tpu.memory_space<vmem>>
    %dma_wait3A_859 = arith.constant 0 : i32
    %dma_wait3A_860 = arith.constant 0 : i32
    %dma_wait3A_861 = tpu.memref_slice %arg11[%dma_wait3A_859, %dma_wait3A_860] : memref<10240x16xf32, #tpu.memory_space<vmem_shared>> -> memref<10240x16xf32, #tpu.memory_space<vmem_shared>>
    %dma_wait3A_862 = tpu.memref_slice %arg13[%dma_wait3A_854] : memref<8x!tpu.dma_semaphore, #tpu.memory_space<semaphore_mem>> -> memref<1x!tpu.dma_semaphore, #tpu.memory_space<semaphore_mem>>
    %dma_wait3A_863 = tpu.memref_squeeze %dma_wait3A_862 : memref<1x!tpu.dma_semaphore, #tpu.memory_space<semaphore_mem>> -> memref<!tpu.dma_semaphore, #tpu.memory_space<semaphore_mem>>
    tpu.wait_indirect_dma semaphore(%dma_wait3A_863 : memref<!tpu.dma_semaphore, #tpu.memory_space<semaphore_mem>>) src(%dma_wait3A_858 : memref<640x16xf32, #tpu.memory_space<vmem>>) dst(%dma_wait3A_861 : memref<10240x16xf32, #tpu.memory_space<vmem_shared>>)
    %dma_wait3A_864 = arith.constant 6 : i32
    %dma_wait3A_865 = arith.constant 6 : i32
    %dma_wait3A_866 = arith.constant 0 : i32
    %dma_wait3A_867 = arith.constant 0 : i32
    %dma_wait3A_868 = tpu.memref_slice %arg7[%dma_wait3A_864, %dma_wait3A_866, %dma_wait3A_867] : memref<8x640x16xf32, #tpu.memory_space<vmem>> -> memref<1x640x16xf32, #tpu.memory_space<vmem>>
    %dma_wait3A_869 = tpu.memref_squeeze %dma_wait3A_868 : memref<1x640x16xf32, #tpu.memory_space<vmem>> -> memref<640x16xf32, #tpu.memory_space<vmem>>
    %dma_wait3A_870 = arith.constant 0 : i32
    %dma_wait3A_871 = arith.constant 0 : i32
    %dma_wait3A_872 = tpu.memref_slice %arg11[%dma_wait3A_870, %dma_wait3A_871] : memref<10240x16xf32, #tpu.memory_space<vmem_shared>> -> memref<10240x16xf32, #tpu.memory_space<vmem_shared>>
    %dma_wait3A_873 = tpu.memref_slice %arg13[%dma_wait3A_865] : memref<8x!tpu.dma_semaphore, #tpu.memory_space<semaphore_mem>> -> memref<1x!tpu.dma_semaphore, #tpu.memory_space<semaphore_mem>>
    %dma_wait3A_874 = tpu.memref_squeeze %dma_wait3A_873 : memref<1x!tpu.dma_semaphore, #tpu.memory_space<semaphore_mem>> -> memref<!tpu.dma_semaphore, #tpu.memory_space<semaphore_mem>>
    tpu.wait_indirect_dma semaphore(%dma_wait3A_874 : memref<!tpu.dma_semaphore, #tpu.memory_space<semaphore_mem>>) src(%dma_wait3A_869 : memref<640x16xf32, #tpu.memory_space<vmem>>) dst(%dma_wait3A_872 : memref<10240x16xf32, #tpu.memory_space<vmem_shared>>)
    %dma_wait3A_875 = arith.constant 7 : i32
    %dma_wait3A_876 = arith.constant 7 : i32
    %dma_wait3A_877 = arith.constant 0 : i32
    %dma_wait3A_878 = arith.constant 0 : i32
    %dma_wait3A_879 = tpu.memref_slice %arg7[%dma_wait3A_875, %dma_wait3A_877, %dma_wait3A_878] : memref<8x640x16xf32, #tpu.memory_space<vmem>> -> memref<1x640x16xf32, #tpu.memory_space<vmem>>
    %dma_wait3A_880 = tpu.memref_squeeze %dma_wait3A_879 : memref<1x640x16xf32, #tpu.memory_space<vmem>> -> memref<640x16xf32, #tpu.memory_space<vmem>>
    %dma_wait3A_881 = arith.constant 0 : i32
    %dma_wait3A_882 = arith.constant 0 : i32
    %dma_wait3A_883 = tpu.memref_slice %arg11[%dma_wait3A_881, %dma_wait3A_882] : memref<10240x16xf32, #tpu.memory_space<vmem_shared>> -> memref<10240x16xf32, #tpu.memory_space<vmem_shared>>
    %dma_wait3A_884 = tpu.memref_slice %arg13[%dma_wait3A_876] : memref<8x!tpu.dma_semaphore, #tpu.memory_space<semaphore_mem>> -> memref<1x!tpu.dma_semaphore, #tpu.memory_space<semaphore_mem>>
    %dma_wait3A_885 = tpu.memref_squeeze %dma_wait3A_884 : memref<1x!tpu.dma_semaphore, #tpu.memory_space<semaphore_mem>> -> memref<!tpu.dma_semaphore, #tpu.memory_space<semaphore_mem>>
    tpu.wait_indirect_dma semaphore(%dma_wait3A_885 : memref<!tpu.dma_semaphore, #tpu.memory_space<semaphore_mem>>) src(%dma_wait3A_880 : memref<640x16xf32, #tpu.memory_space<vmem>>) dst(%dma_wait3A_883 : memref<10240x16xf32, #tpu.memory_space<vmem_shared>>)
    %add3A_886 = arith.constant 0 : i32
    %add3A_887 = arith.addi %add3A_886, %mul3A_4 : i32
    %run_scoped3A = arith.constant 0 : i32
    "tpu.region"() ({
      %run_scoped3A_907 = tpu.sem_alloc : memref<!tpu.dma_semaphore, #tpu.memory_space<semaphore_mem>>
      %dma_start3A_908 = arith.constant 0 : i32
      %dma_start3A_909 = arith.constant 0 : i32
      %dma_start3A_910 = tpu.memref_slice %arg7[%run_scoped3A, %dma_start3A_908, %dma_start3A_909] : memref<8x640x16xf32, #tpu.memory_space<vmem>> -> memref<1x128x16xf32, #tpu.memory_space<vmem>>
      %dma_start3A_911 = tpu.memref_squeeze %dma_start3A_910 : memref<1x128x16xf32, #tpu.memory_space<vmem>> -> memref<128x16xf32, #tpu.memory_space<vmem>>
      %dma_start3A_912 = arith.constant 0 : i32
      %dma_start3A_913 = tpu.memref_slice %arg11[%add3A_887, %dma_start3A_912] : memref<10240x16xf32, #tpu.memory_space<vmem_shared>> -> memref<128x16xf32, #tpu.memory_space<vmem_shared>>
      %dma_start3A_914 = arith.constant 0 : i32
      %dma_start3A_915 = arith.constant 0 : i32
      %dma_start3A_916 = tpu.memref_slice %arg7[%run_scoped3A, %dma_start3A_914, %dma_start3A_915] : memref<8x640x16xf32, #tpu.memory_space<vmem>> -> memref<1x128x16xf32, #tpu.memory_space<vmem>>
      %dma_start3A_917 = tpu.memref_squeeze %dma_start3A_916 : memref<1x128x16xf32, #tpu.memory_space<vmem>> -> memref<128x16xf32, #tpu.memory_space<vmem>>
      %dma_start3A_918 = arith.constant 0 : i32
      %dma_start3A_919 = tpu.memref_slice %arg11[%add3A_887, %dma_start3A_918] : memref<10240x16xf32, #tpu.memory_space<vmem_shared>> -> memref<128x16xf32, #tpu.memory_space<vmem_shared>>
      tpu.enqueue_dma source(%dma_start3A_919 : memref<128x16xf32, #tpu.memory_space<vmem_shared>>) target(%dma_start3A_917 : memref<128x16xf32, #tpu.memory_space<vmem>>) target_semaphore(%run_scoped3A_907 : memref<!tpu.dma_semaphore, #tpu.memory_space<semaphore_mem>>)
      %dma_wait3A_920 = arith.constant 0 : i32
      %dma_wait3A_921 = arith.constant 0 : i32
      %dma_wait3A_922 = tpu.memref_slice %arg7[%run_scoped3A, %dma_wait3A_920, %dma_wait3A_921] : memref<8x640x16xf32, #tpu.memory_space<vmem>> -> memref<1x128x16xf32, #tpu.memory_space<vmem>>
      %dma_wait3A_923 = tpu.memref_squeeze %dma_wait3A_922 : memref<1x128x16xf32, #tpu.memory_space<vmem>> -> memref<128x16xf32, #tpu.memory_space<vmem>>
      %dma_wait3A_924 = arith.constant 0 : i32
      %dma_wait3A_925 = tpu.memref_slice %arg11[%add3A_887, %dma_wait3A_924] : memref<10240x16xf32, #tpu.memory_space<vmem_shared>> -> memref<128x16xf32, #tpu.memory_space<vmem_shared>>
      %dma_wait3A_926 = arith.constant 0 : i32
      %dma_wait3A_927 = arith.constant 0 : i32
      %dma_wait3A_928 = tpu.memref_slice %arg7[%run_scoped3A, %dma_wait3A_926, %dma_wait3A_927] : memref<8x640x16xf32, #tpu.memory_space<vmem>> -> memref<1x128x16xf32, #tpu.memory_space<vmem>>
      %dma_wait3A_929 = tpu.memref_squeeze %dma_wait3A_928 : memref<1x128x16xf32, #tpu.memory_space<vmem>> -> memref<128x16xf32, #tpu.memory_space<vmem>>
      %dma_wait3A_930 = arith.constant 0 : i32
      %dma_wait3A_931 = tpu.memref_slice %arg11[%add3A_887, %dma_wait3A_930] : memref<10240x16xf32, #tpu.memory_space<vmem_shared>> -> memref<128x16xf32, #tpu.memory_space<vmem_shared>>
      tpu.wait_dma2 semaphore(%run_scoped3A_907 : memref<!tpu.dma_semaphore, #tpu.memory_space<semaphore_mem>>) src(%dma_wait3A_931 : memref<128x16xf32, #tpu.memory_space<vmem_shared>>) dst(%dma_wait3A_929 : memref<128x16xf32, #tpu.memory_space<vmem>>)
      tpu.yield
    }) : () -> ()
    %add3A_888 = arith.constant 2048 : i32
    %add3A_889 = arith.addi %add3A_888, %mul3A_4 : i32
    %run_scoped3A_890 = arith.constant 0 : i32
    "tpu.region"() ({
      %run_scoped3A_907 = tpu.sem_alloc : memref<!tpu.dma_semaphore, #tpu.memory_space<semaphore_mem>>
      %dma_start3A_908 = arith.constant 128 : i32
      %dma_start3A_909 = arith.constant 0 : i32
      %dma_start3A_910 = tpu.memref_slice %arg7[%run_scoped3A_890, %dma_start3A_908, %dma_start3A_909] : memref<8x640x16xf32, #tpu.memory_space<vmem>> -> memref<1x128x16xf32, #tpu.memory_space<vmem>>
      %dma_start3A_911 = tpu.memref_squeeze %dma_start3A_910 : memref<1x128x16xf32, #tpu.memory_space<vmem>> -> memref<128x16xf32, #tpu.memory_space<vmem>>
      %dma_start3A_912 = arith.constant 0 : i32
      %dma_start3A_913 = tpu.memref_slice %arg11[%add3A_889, %dma_start3A_912] : memref<10240x16xf32, #tpu.memory_space<vmem_shared>> -> memref<128x16xf32, #tpu.memory_space<vmem_shared>>
      %dma_start3A_914 = arith.constant 128 : i32
      %dma_start3A_915 = arith.constant 0 : i32
      %dma_start3A_916 = tpu.memref_slice %arg7[%run_scoped3A_890, %dma_start3A_914, %dma_start3A_915] : memref<8x640x16xf32, #tpu.memory_space<vmem>> -> memref<1x128x16xf32, #tpu.memory_space<vmem>>
      %dma_start3A_917 = tpu.memref_squeeze %dma_start3A_916 : memref<1x128x16xf32, #tpu.memory_space<vmem>> -> memref<128x16xf32, #tpu.memory_space<vmem>>
      %dma_start3A_918 = arith.constant 0 : i32
      %dma_start3A_919 = tpu.memref_slice %arg11[%add3A_889, %dma_start3A_918] : memref<10240x16xf32, #tpu.memory_space<vmem_shared>> -> memref<128x16xf32, #tpu.memory_space<vmem_shared>>
      tpu.enqueue_dma source(%dma_start3A_919 : memref<128x16xf32, #tpu.memory_space<vmem_shared>>) target(%dma_start3A_917 : memref<128x16xf32, #tpu.memory_space<vmem>>) target_semaphore(%run_scoped3A_907 : memref<!tpu.dma_semaphore, #tpu.memory_space<semaphore_mem>>)
      %dma_wait3A_920 = arith.constant 128 : i32
      %dma_wait3A_921 = arith.constant 0 : i32
      %dma_wait3A_922 = tpu.memref_slice %arg7[%run_scoped3A_890, %dma_wait3A_920, %dma_wait3A_921] : memref<8x640x16xf32, #tpu.memory_space<vmem>> -> memref<1x128x16xf32, #tpu.memory_space<vmem>>
      %dma_wait3A_923 = tpu.memref_squeeze %dma_wait3A_922 : memref<1x128x16xf32, #tpu.memory_space<vmem>> -> memref<128x16xf32, #tpu.memory_space<vmem>>
      %dma_wait3A_924 = arith.constant 0 : i32
      %dma_wait3A_925 = tpu.memref_slice %arg11[%add3A_889, %dma_wait3A_924] : memref<10240x16xf32, #tpu.memory_space<vmem_shared>> -> memref<128x16xf32, #tpu.memory_space<vmem_shared>>
      %dma_wait3A_926 = arith.constant 128 : i32
      %dma_wait3A_927 = arith.constant 0 : i32
      %dma_wait3A_928 = tpu.memref_slice %arg7[%run_scoped3A_890, %dma_wait3A_926, %dma_wait3A_927] : memref<8x640x16xf32, #tpu.memory_space<vmem>> -> memref<1x128x16xf32, #tpu.memory_space<vmem>>
      %dma_wait3A_929 = tpu.memref_squeeze %dma_wait3A_928 : memref<1x128x16xf32, #tpu.memory_space<vmem>> -> memref<128x16xf32, #tpu.memory_space<vmem>>
      %dma_wait3A_930 = arith.constant 0 : i32
      %dma_wait3A_931 = tpu.memref_slice %arg11[%add3A_889, %dma_wait3A_930] : memref<10240x16xf32, #tpu.memory_space<vmem_shared>> -> memref<128x16xf32, #tpu.memory_space<vmem_shared>>
      tpu.wait_dma2 semaphore(%run_scoped3A_907 : memref<!tpu.dma_semaphore, #tpu.memory_space<semaphore_mem>>) src(%dma_wait3A_931 : memref<128x16xf32, #tpu.memory_space<vmem_shared>>) dst(%dma_wait3A_929 : memref<128x16xf32, #tpu.memory_space<vmem>>)
      tpu.yield
    }) : () -> ()
    %add3A_891 = arith.constant 4096 : i32
    %add3A_892 = arith.addi %add3A_891, %mul3A_4 : i32
    %run_scoped3A_893 = arith.constant 0 : i32
    "tpu.region"() ({
      %run_scoped3A_907 = tpu.sem_alloc : memref<!tpu.dma_semaphore, #tpu.memory_space<semaphore_mem>>
      %dma_start3A_908 = arith.constant 256 : i32
      %dma_start3A_909 = arith.constant 0 : i32
      %dma_start3A_910 = tpu.memref_slice %arg7[%run_scoped3A_893, %dma_start3A_908, %dma_start3A_909] : memref<8x640x16xf32, #tpu.memory_space<vmem>> -> memref<1x128x16xf32, #tpu.memory_space<vmem>>
      %dma_start3A_911 = tpu.memref_squeeze %dma_start3A_910 : memref<1x128x16xf32, #tpu.memory_space<vmem>> -> memref<128x16xf32, #tpu.memory_space<vmem>>
      %dma_start3A_912 = arith.constant 0 : i32
      %dma_start3A_913 = tpu.memref_slice %arg11[%add3A_892, %dma_start3A_912] : memref<10240x16xf32, #tpu.memory_space<vmem_shared>> -> memref<128x16xf32, #tpu.memory_space<vmem_shared>>
      %dma_start3A_914 = arith.constant 256 : i32
      %dma_start3A_915 = arith.constant 0 : i32
      %dma_start3A_916 = tpu.memref_slice %arg7[%run_scoped3A_893, %dma_start3A_914, %dma_start3A_915] : memref<8x640x16xf32, #tpu.memory_space<vmem>> -> memref<1x128x16xf32, #tpu.memory_space<vmem>>
      %dma_start3A_917 = tpu.memref_squeeze %dma_start3A_916 : memref<1x128x16xf32, #tpu.memory_space<vmem>> -> memref<128x16xf32, #tpu.memory_space<vmem>>
      %dma_start3A_918 = arith.constant 0 : i32
      %dma_start3A_919 = tpu.memref_slice %arg11[%add3A_892, %dma_start3A_918] : memref<10240x16xf32, #tpu.memory_space<vmem_shared>> -> memref<128x16xf32, #tpu.memory_space<vmem_shared>>
      tpu.enqueue_dma source(%dma_start3A_919 : memref<128x16xf32, #tpu.memory_space<vmem_shared>>) target(%dma_start3A_917 : memref<128x16xf32, #tpu.memory_space<vmem>>) target_semaphore(%run_scoped3A_907 : memref<!tpu.dma_semaphore, #tpu.memory_space<semaphore_mem>>)
      %dma_wait3A_920 = arith.constant 256 : i32
      %dma_wait3A_921 = arith.constant 0 : i32
      %dma_wait3A_922 = tpu.memref_slice %arg7[%run_scoped3A_893, %dma_wait3A_920, %dma_wait3A_921] : memref<8x640x16xf32, #tpu.memory_space<vmem>> -> memref<1x128x16xf32, #tpu.memory_space<vmem>>
      %dma_wait3A_923 = tpu.memref_squeeze %dma_wait3A_922 : memref<1x128x16xf32, #tpu.memory_space<vmem>> -> memref<128x16xf32, #tpu.memory_space<vmem>>
      %dma_wait3A_924 = arith.constant 0 : i32
      %dma_wait3A_925 = tpu.memref_slice %arg11[%add3A_892, %dma_wait3A_924] : memref<10240x16xf32, #tpu.memory_space<vmem_shared>> -> memref<128x16xf32, #tpu.memory_space<vmem_shared>>
      %dma_wait3A_926 = arith.constant 256 : i32
      %dma_wait3A_927 = arith.constant 0 : i32
      %dma_wait3A_928 = tpu.memref_slice %arg7[%run_scoped3A_893, %dma_wait3A_926, %dma_wait3A_927] : memref<8x640x16xf32, #tpu.memory_space<vmem>> -> memref<1x128x16xf32, #tpu.memory_space<vmem>>
      %dma_wait3A_929 = tpu.memref_squeeze %dma_wait3A_928 : memref<1x128x16xf32, #tpu.memory_space<vmem>> -> memref<128x16xf32, #tpu.memory_space<vmem>>
      %dma_wait3A_930 = arith.constant 0 : i32
      %dma_wait3A_931 = tpu.memref_slice %arg11[%add3A_892, %dma_wait3A_930] : memref<10240x16xf32, #tpu.memory_space<vmem_shared>> -> memref<128x16xf32, #tpu.memory_space<vmem_shared>>
      tpu.wait_dma2 semaphore(%run_scoped3A_907 : memref<!tpu.dma_semaphore, #tpu.memory_space<semaphore_mem>>) src(%dma_wait3A_931 : memref<128x16xf32, #tpu.memory_space<vmem_shared>>) dst(%dma_wait3A_929 : memref<128x16xf32, #tpu.memory_space<vmem>>)
      tpu.yield
    }) : () -> ()
    %add3A_894 = arith.constant 6144 : i32
    %add3A_895 = arith.addi %add3A_894, %mul3A_4 : i32
    %run_scoped3A_896 = arith.constant 0 : i32
    "tpu.region"() ({
      %run_scoped3A_907 = tpu.sem_alloc : memref<!tpu.dma_semaphore, #tpu.memory_space<semaphore_mem>>
      %dma_start3A_908 = arith.constant 384 : i32
      %dma_start3A_909 = arith.constant 0 : i32
      %dma_start3A_910 = tpu.memref_slice %arg7[%run_scoped3A_896, %dma_start3A_908, %dma_start3A_909] : memref<8x640x16xf32, #tpu.memory_space<vmem>> -> memref<1x128x16xf32, #tpu.memory_space<vmem>>
      %dma_start3A_911 = tpu.memref_squeeze %dma_start3A_910 : memref<1x128x16xf32, #tpu.memory_space<vmem>> -> memref<128x16xf32, #tpu.memory_space<vmem>>
      %dma_start3A_912 = arith.constant 0 : i32
      %dma_start3A_913 = tpu.memref_slice %arg11[%add3A_895, %dma_start3A_912] : memref<10240x16xf32, #tpu.memory_space<vmem_shared>> -> memref<128x16xf32, #tpu.memory_space<vmem_shared>>
      %dma_start3A_914 = arith.constant 384 : i32
      %dma_start3A_915 = arith.constant 0 : i32
      %dma_start3A_916 = tpu.memref_slice %arg7[%run_scoped3A_896, %dma_start3A_914, %dma_start3A_915] : memref<8x640x16xf32, #tpu.memory_space<vmem>> -> memref<1x128x16xf32, #tpu.memory_space<vmem>>
      %dma_start3A_917 = tpu.memref_squeeze %dma_start3A_916 : memref<1x128x16xf32, #tpu.memory_space<vmem>> -> memref<128x16xf32, #tpu.memory_space<vmem>>
      %dma_start3A_918 = arith.constant 0 : i32
      %dma_start3A_919 = tpu.memref_slice %arg11[%add3A_895, %dma_start3A_918] : memref<10240x16xf32, #tpu.memory_space<vmem_shared>> -> memref<128x16xf32, #tpu.memory_space<vmem_shared>>
      tpu.enqueue_dma source(%dma_start3A_919 : memref<128x16xf32, #tpu.memory_space<vmem_shared>>) target(%dma_start3A_917 : memref<128x16xf32, #tpu.memory_space<vmem>>) target_semaphore(%run_scoped3A_907 : memref<!tpu.dma_semaphore, #tpu.memory_space<semaphore_mem>>)
      %dma_wait3A_920 = arith.constant 384 : i32
      %dma_wait3A_921 = arith.constant 0 : i32
      %dma_wait3A_922 = tpu.memref_slice %arg7[%run_scoped3A_896, %dma_wait3A_920, %dma_wait3A_921] : memref<8x640x16xf32, #tpu.memory_space<vmem>> -> memref<1x128x16xf32, #tpu.memory_space<vmem>>
      %dma_wait3A_923 = tpu.memref_squeeze %dma_wait3A_922 : memref<1x128x16xf32, #tpu.memory_space<vmem>> -> memref<128x16xf32, #tpu.memory_space<vmem>>
      %dma_wait3A_924 = arith.constant 0 : i32
      %dma_wait3A_925 = tpu.memref_slice %arg11[%add3A_895, %dma_wait3A_924] : memref<10240x16xf32, #tpu.memory_space<vmem_shared>> -> memref<128x16xf32, #tpu.memory_space<vmem_shared>>
      %dma_wait3A_926 = arith.constant 384 : i32
      %dma_wait3A_927 = arith.constant 0 : i32
      %dma_wait3A_928 = tpu.memref_slice %arg7[%run_scoped3A_896, %dma_wait3A_926, %dma_wait3A_927] : memref<8x640x16xf32, #tpu.memory_space<vmem>> -> memref<1x128x16xf32, #tpu.memory_space<vmem>>
      %dma_wait3A_929 = tpu.memref_squeeze %dma_wait3A_928 : memref<1x128x16xf32, #tpu.memory_space<vmem>> -> memref<128x16xf32, #tpu.memory_space<vmem>>
      %dma_wait3A_930 = arith.constant 0 : i32
      %dma_wait3A_931 = tpu.memref_slice %arg11[%add3A_895, %dma_wait3A_930] : memref<10240x16xf32, #tpu.memory_space<vmem_shared>> -> memref<128x16xf32, #tpu.memory_space<vmem_shared>>
      tpu.wait_dma2 semaphore(%run_scoped3A_907 : memref<!tpu.dma_semaphore, #tpu.memory_space<semaphore_mem>>) src(%dma_wait3A_931 : memref<128x16xf32, #tpu.memory_space<vmem_shared>>) dst(%dma_wait3A_929 : memref<128x16xf32, #tpu.memory_space<vmem>>)
      tpu.yield
    }) : () -> ()
    %add3A_897 = arith.constant 8192 : i32
    %add3A_898 = arith.addi %add3A_897, %mul3A_4 : i32
    %run_scoped3A_899 = arith.constant 0 : i32
    "tpu.region"() ({
      %run_scoped3A_907 = tpu.sem_alloc : memref<!tpu.dma_semaphore, #tpu.memory_space<semaphore_mem>>
      %dma_start3A_908 = arith.constant 512 : i32
      %dma_start3A_909 = arith.constant 0 : i32
      %dma_start3A_910 = tpu.memref_slice %arg7[%run_scoped3A_899, %dma_start3A_908, %dma_start3A_909] : memref<8x640x16xf32, #tpu.memory_space<vmem>> -> memref<1x128x16xf32, #tpu.memory_space<vmem>>
      %dma_start3A_911 = tpu.memref_squeeze %dma_start3A_910 : memref<1x128x16xf32, #tpu.memory_space<vmem>> -> memref<128x16xf32, #tpu.memory_space<vmem>>
      %dma_start3A_912 = arith.constant 0 : i32
      %dma_start3A_913 = tpu.memref_slice %arg11[%add3A_898, %dma_start3A_912] : memref<10240x16xf32, #tpu.memory_space<vmem_shared>> -> memref<128x16xf32, #tpu.memory_space<vmem_shared>>
      %dma_start3A_914 = arith.constant 512 : i32
      %dma_start3A_915 = arith.constant 0 : i32
      %dma_start3A_916 = tpu.memref_slice %arg7[%run_scoped3A_899, %dma_start3A_914, %dma_start3A_915] : memref<8x640x16xf32, #tpu.memory_space<vmem>> -> memref<1x128x16xf32, #tpu.memory_space<vmem>>
      %dma_start3A_917 = tpu.memref_squeeze %dma_start3A_916 : memref<1x128x16xf32, #tpu.memory_space<vmem>> -> memref<128x16xf32, #tpu.memory_space<vmem>>
      %dma_start3A_918 = arith.constant 0 : i32
      %dma_start3A_919 = tpu.memref_slice %arg11[%add3A_898, %dma_start3A_918] : memref<10240x16xf32, #tpu.memory_space<vmem_shared>> -> memref<128x16xf32, #tpu.memory_space<vmem_shared>>
      tpu.enqueue_dma source(%dma_start3A_919 : memref<128x16xf32, #tpu.memory_space<vmem_shared>>) target(%dma_start3A_917 : memref<128x16xf32, #tpu.memory_space<vmem>>) target_semaphore(%run_scoped3A_907 : memref<!tpu.dma_semaphore, #tpu.memory_space<semaphore_mem>>)
      %dma_wait3A_920 = arith.constant 512 : i32
      %dma_wait3A_921 = arith.constant 0 : i32
      %dma_wait3A_922 = tpu.memref_slice %arg7[%run_scoped3A_899, %dma_wait3A_920, %dma_wait3A_921] : memref<8x640x16xf32, #tpu.memory_space<vmem>> -> memref<1x128x16xf32, #tpu.memory_space<vmem>>
      %dma_wait3A_923 = tpu.memref_squeeze %dma_wait3A_922 : memref<1x128x16xf32, #tpu.memory_space<vmem>> -> memref<128x16xf32, #tpu.memory_space<vmem>>
      %dma_wait3A_924 = arith.constant 0 : i32
      %dma_wait3A_925 = tpu.memref_slice %arg11[%add3A_898, %dma_wait3A_924] : memref<10240x16xf32, #tpu.memory_space<vmem_shared>> -> memref<128x16xf32, #tpu.memory_space<vmem_shared>>
      %dma_wait3A_926 = arith.constant 512 : i32
      %dma_wait3A_927 = arith.constant 0 : i32
      %dma_wait3A_928 = tpu.memref_slice %arg7[%run_scoped3A_899, %dma_wait3A_926, %dma_wait3A_927] : memref<8x640x16xf32, #tpu.memory_space<vmem>> -> memref<1x128x16xf32, #tpu.memory_space<vmem>>
      %dma_wait3A_929 = tpu.memref_squeeze %dma_wait3A_928 : memref<1x128x16xf32, #tpu.memory_space<vmem>> -> memref<128x16xf32, #tpu.memory_space<vmem>>
      %dma_wait3A_930 = arith.constant 0 : i32
      %dma_wait3A_931 = tpu.memref_slice %arg11[%add3A_898, %dma_wait3A_930] : memref<10240x16xf32, #tpu.memory_space<vmem_shared>> -> memref<128x16xf32, #tpu.memory_space<vmem_shared>>
      tpu.wait_dma2 semaphore(%run_scoped3A_907 : memref<!tpu.dma_semaphore, #tpu.memory_space<semaphore_mem>>) src(%dma_wait3A_931 : memref<128x16xf32, #tpu.memory_space<vmem_shared>>) dst(%dma_wait3A_929 : memref<128x16xf32, #tpu.memory_space<vmem>>)
      tpu.yield
    }) : () -> ()
    %scan3A_900 = arith.constant 0 : i32
    %scan3A_901 = arith.constant 0 : i32
    %scan3A_902 = arith.constant 128 : i32
    %scan3A_903 = arith.addi %scan3A_901, %scan3A_902 : i32
    %scan3A_904 = arith.constant 1 : i32
    %scan3A_905 = scf.for %scan3A_907 = %scan3A_901 to %scan3A_903 step %scan3A_904 iter_args(%scan3A_908 = %scan3A_900) -> (i32)  : i32 {
      %get3A_909 = arith.constant 0 : i32
      %get3A_910 = arith.index_cast %get3A_909 : i32 to index
      %get3A_911 = arith.index_cast %scan3A_907 : i32 to index
      %get3A_912 = arith.constant 0 : index
      %get3A_913 = tpu.vector_load %arg7[%get3A_910, %get3A_911, %get3A_912] {strides = array<i32>} : memref<8x640x16xf32, #tpu.memory_space<vmem>>, vector<1x1x16xf32>,
      %get3A_914 = vector.shape_cast %get3A_913 : vector<1x1x16xf32> to vector<16xf32>
      %add3A_915 = arith.constant 128 : i32
      %add3A_916 = arith.addi %add3A_915, %scan3A_907 : i32
      %get3A_917 = arith.constant 0 : i32
      %get3A_918 = arith.index_cast %get3A_917 : i32 to index
      %get3A_919 = arith.index_cast %add3A_916 : i32 to index
      %get3A_920 = arith.constant 0 : index
      %get3A_921 = tpu.vector_load %arg7[%get3A_918, %get3A_919, %get3A_920] {strides = array<i32>} : memref<8x640x16xf32, #tpu.memory_space<vmem>>, vector<1x1x16xf32>,
      %get3A_922 = vector.shape_cast %get3A_921 : vector<1x1x16xf32> to vector<16xf32>
      %add3A_923 = arith.addf %get3A_914, %get3A_922 : vector<16xf32>
      %add3A_924 = arith.constant 256 : i32
      %add3A_925 = arith.addi %add3A_924, %scan3A_907 : i32
      %get3A_926 = arith.constant 0 : i32
      %get3A_927 = arith.index_cast %get3A_926 : i32 to index
      %get3A_928 = arith.index_cast %add3A_925 : i32 to index
      %get3A_929 = arith.constant 0 : index
      %get3A_930 = tpu.vector_load %arg7[%get3A_927, %get3A_928, %get3A_929] {strides = array<i32>} : memref<8x640x16xf32, #tpu.memory_space<vmem>>, vector<1x1x16xf32>,
      %get3A_931 = vector.shape_cast %get3A_930 : vector<1x1x16xf32> to vector<16xf32>
      %add3A_932 = arith.addf %add3A_923, %get3A_931 : vector<16xf32>
      %add3A_933 = arith.constant 384 : i32
      %add3A_934 = arith.addi %add3A_933, %scan3A_907 : i32
      %get3A_935 = arith.constant 0 : i32
      %get3A_936 = arith.index_cast %get3A_935 : i32 to index
      %get3A_937 = arith.index_cast %add3A_934 : i32 to index
      %get3A_938 = arith.constant 0 : index
      %get3A_939 = tpu.vector_load %arg7[%get3A_936, %get3A_937, %get3A_938] {strides = array<i32>} : memref<8x640x16xf32, #tpu.memory_space<vmem>>, vector<1x1x16xf32>,
      %get3A_940 = vector.shape_cast %get3A_939 : vector<1x1x16xf32> to vector<16xf32>
      %add3A_941 = arith.addf %add3A_932, %get3A_940 : vector<16xf32>
      %add3A_942 = arith.constant 512 : i32
      %add3A_943 = arith.addi %add3A_942, %scan3A_907 : i32
      %get3A_944 = arith.constant 0 : i32
      %get3A_945 = arith.index_cast %get3A_944 : i32 to index
      %get3A_946 = arith.index_cast %add3A_943 : i32 to index
      %get3A_947 = arith.constant 0 : index
      %get3A_948 = tpu.vector_load %arg7[%get3A_945, %get3A_946, %get3A_947] {strides = array<i32>} : memref<8x640x16xf32, #tpu.memory_space<vmem>>, vector<1x1x16xf32>,
      %get3A_949 = vector.shape_cast %get3A_948 : vector<1x1x16xf32> to vector<16xf32>
      %add3A_950 = arith.addf %add3A_941, %get3A_949 : vector<16xf32>
      %swap3A = arith.index_cast %scan3A_907 : i32 to index
      %swap3A_951 = arith.constant 0 : index
      %swap3A_952 = tpu.vector_load %arg8[%swap3A, %swap3A_951] {strides = array<i32>} : memref<128x16xf32, #tpu.memory_space<vmem>>, vector<1x16xf32>,
      %swap3A_953 = vector.shape_cast %swap3A_952 : vector<1x16xf32> to vector<16xf32>
      %swap3A_954 = vector.shape_cast %add3A_950 : vector<16xf32> to vector<1x16xf32>
      tpu.vector_store %arg8[%swap3A, %swap3A_951], %swap3A_954 {strides = array<i32>} : memref<128x16xf32, #tpu.memory_space<vmem>>, vector<1x16xf32>,
      %scan3A_955 = arith.constant 0 : i32
      scf.yield %scan3A_955 : i32
    }
    %scan3A_906 = arith.constant 128 : i32
    "tpu.region"() ({
      %run_scoped3A_907 = tpu.sem_alloc : memref<!tpu.dma_semaphore, #tpu.memory_space<semaphore_mem>>
      %dma_start3A_908 = arith.constant 0 : i32
      %dma_start3A_909 = tpu.memref_slice %arg5[%mul3A_2, %dma_start3A_908] : memref<4096x16xf32, #tpu.memory_space<hbm>> -> memref<128x16xf32, #tpu.memory_space<hbm>>
      %dma_start3A_910 = arith.constant 0 : i32
      %dma_start3A_911 = tpu.memref_slice %arg5[%mul3A_2, %dma_start3A_910] : memref<4096x16xf32, #tpu.memory_space<hbm>> -> memref<128x16xf32, #tpu.memory_space<hbm>>
      tpu.enqueue_dma source(%arg8 : memref<128x16xf32, #tpu.memory_space<vmem>>) target(%dma_start3A_911 : memref<128x16xf32, #tpu.memory_space<hbm>>) target_semaphore(%run_scoped3A_907 : memref<!tpu.dma_semaphore, #tpu.memory_space<semaphore_mem>>)
      %dma_wait3A_912 = arith.constant 0 : i32
      %dma_wait3A_913 = tpu.memref_slice %arg5[%mul3A_2, %dma_wait3A_912] : memref<4096x16xf32, #tpu.memory_space<hbm>> -> memref<128x16xf32, #tpu.memory_space<hbm>>
      %dma_wait3A_914 = arith.constant 0 : i32
      %dma_wait3A_915 = tpu.memref_slice %arg5[%mul3A_2, %dma_wait3A_914] : memref<4096x16xf32, #tpu.memory_space<hbm>> -> memref<128x16xf32, #tpu.memory_space<hbm>>
      tpu.wait_dma2 semaphore(%run_scoped3A_907 : memref<!tpu.dma_semaphore, #tpu.memory_space<semaphore_mem>>) src(%arg8 : memref<128x16xf32, #tpu.memory_space<vmem>>) dst(%dma_wait3A_915 : memref<128x16xf32, #tpu.memory_space<hbm>>)
      tpu.yield
    }) : () -> ()
    return
  }
}

module attributes {stable_mosaic.version = 14 : i64} {
  func.func @body(%arg0: i32, %arg1: memref<16x64xf32, #tpu.memory_space<vmem>>, %arg2: memref<64x4096xf32, #tpu.memory_space<vmem>>, %arg3: memref<512x128xf32, #tpu.memory_space<vmem>>) attributes {dimension_semantics = [#tpu.dimension_semantics<arbitrary>], iteration_bounds = array<i64: 25>, scalar_prefetch = 0 : i64, scratch_operands = 0 : i64, tpu.core_type = #tpu.core_type<tc>, window_params = [{pipeline_mode = #tpu.pipeline_mode<synchronous>, transform_indices = @transform_0, window_bounds = array<i64: 16, 64>}, {transform_indices = @transform_1, window_bounds = array<i64: 64, 4096>}, {transform_indices = @transform_2, window_bounds = array<i64: 512, 128>}]} {
    %get3A = arith.constant 0 : index
    %get3A_0 = arith.constant 0 : index
    %get3A_1 = vector.load %arg2[%get3A, %get3A_0] : memref<64x4096xf32, #tpu.memory_space<vmem>>, vector<64x512xf32>
    %get3A_2 = arith.constant 0 : index
    %get3A_3 = arith.constant 0 : index
    %get3A_4 = vector.load %arg1[%get3A_2, %get3A_3] : memref<16x64xf32, #tpu.memory_space<vmem>>, vector<16x64xf32>
    %dot_general3A = arith.constant dense<0.000000e+00> : vector<512x16xf32>
    %dot_general3A_5 = tpu.matmul %get3A_1, %get3A_4, %dot_general3A {dimension_numbers = #tpu.dot_dimension_numbers<[0], [1], [1], [0], [0, 1, 1, 0], [], []>, transpose_lhs_hint = false} : vector<64x512xf32>, vector<16x64xf32>, vector<512x16xf32> -> vector<512x16xf32>
    %mul3A = arith.constant 5.000000e-03 : f32
    %mul3A_6 = vector.broadcast %mul3A : f32 to vector<512x16xf32>
    %mul3A_7 = arith.mulf %dot_general3A_5, %mul3A_6 : vector<512x16xf32>
    %get3A_8 = arith.constant 0 : index
    %get3A_9 = arith.constant 512 : index
    %get3A_10 = vector.load %arg2[%get3A_8, %get3A_9] : memref<64x4096xf32, #tpu.memory_space<vmem>>, vector<64x512xf32>
    %get3A_11 = arith.constant 0 : index
    %get3A_12 = arith.constant 0 : index
    %get3A_13 = vector.load %arg1[%get3A_11, %get3A_12] : memref<16x64xf32, #tpu.memory_space<vmem>>, vector<16x64xf32>
    %dot_general3A_14 = arith.constant dense<0.000000e+00> : vector<512x16xf32>
    %dot_general3A_15 = tpu.matmul %get3A_10, %get3A_13, %dot_general3A_14 {dimension_numbers = #tpu.dot_dimension_numbers<[0], [1], [1], [0], [0, 1, 1, 0], [], []>, transpose_lhs_hint = false} : vector<64x512xf32>, vector<16x64xf32>, vector<512x16xf32> -> vector<512x16xf32>
    %mul3A_16 = arith.constant 5.000000e-03 : f32
    %mul3A_17 = vector.broadcast %mul3A_16 : f32 to vector<512x16xf32>
    %mul3A_18 = arith.mulf %dot_general3A_15, %mul3A_17 : vector<512x16xf32>
    %get3A_19 = arith.constant 0 : index
    %get3A_20 = arith.constant 1024 : index
    %get3A_21 = vector.load %arg2[%get3A_19, %get3A_20] : memref<64x4096xf32, #tpu.memory_space<vmem>>, vector<64x512xf32>
    %get3A_22 = arith.constant 0 : index
    %get3A_23 = arith.constant 0 : index
    %get3A_24 = vector.load %arg1[%get3A_22, %get3A_23] : memref<16x64xf32, #tpu.memory_space<vmem>>, vector<16x64xf32>
    %dot_general3A_25 = arith.constant dense<0.000000e+00> : vector<512x16xf32>
    %dot_general3A_26 = tpu.matmul %get3A_21, %get3A_24, %dot_general3A_25 {dimension_numbers = #tpu.dot_dimension_numbers<[0], [1], [1], [0], [0, 1, 1, 0], [], []>, transpose_lhs_hint = false} : vector<64x512xf32>, vector<16x64xf32>, vector<512x16xf32> -> vector<512x16xf32>
    %mul3A_27 = arith.constant 5.000000e-03 : f32
    %mul3A_28 = vector.broadcast %mul3A_27 : f32 to vector<512x16xf32>
    %mul3A_29 = arith.mulf %dot_general3A_26, %mul3A_28 : vector<512x16xf32>
    %get3A_30 = arith.constant 0 : index
    %get3A_31 = arith.constant 1536 : index
    %get3A_32 = vector.load %arg2[%get3A_30, %get3A_31] : memref<64x4096xf32, #tpu.memory_space<vmem>>, vector<64x512xf32>
    %get3A_33 = arith.constant 0 : index
    %get3A_34 = arith.constant 0 : index
    %get3A_35 = vector.load %arg1[%get3A_33, %get3A_34] : memref<16x64xf32, #tpu.memory_space<vmem>>, vector<16x64xf32>
    %dot_general3A_36 = arith.constant dense<0.000000e+00> : vector<512x16xf32>
    %dot_general3A_37 = tpu.matmul %get3A_32, %get3A_35, %dot_general3A_36 {dimension_numbers = #tpu.dot_dimension_numbers<[0], [1], [1], [0], [0, 1, 1, 0], [], []>, transpose_lhs_hint = false} : vector<64x512xf32>, vector<16x64xf32>, vector<512x16xf32> -> vector<512x16xf32>
    %mul3A_38 = arith.constant 5.000000e-03 : f32
    %mul3A_39 = vector.broadcast %mul3A_38 : f32 to vector<512x16xf32>
    %mul3A_40 = arith.mulf %dot_general3A_37, %mul3A_39 : vector<512x16xf32>
    %get3A_41 = arith.constant 0 : index
    %get3A_42 = arith.constant 2048 : index
    %get3A_43 = vector.load %arg2[%get3A_41, %get3A_42] : memref<64x4096xf32, #tpu.memory_space<vmem>>, vector<64x512xf32>
    %get3A_44 = arith.constant 0 : index
    %get3A_45 = arith.constant 0 : index
    %get3A_46 = vector.load %arg1[%get3A_44, %get3A_45] : memref<16x64xf32, #tpu.memory_space<vmem>>, vector<16x64xf32>
    %dot_general3A_47 = arith.constant dense<0.000000e+00> : vector<512x16xf32>
    %dot_general3A_48 = tpu.matmul %get3A_43, %get3A_46, %dot_general3A_47 {dimension_numbers = #tpu.dot_dimension_numbers<[0], [1], [1], [0], [0, 1, 1, 0], [], []>, transpose_lhs_hint = false} : vector<64x512xf32>, vector<16x64xf32>, vector<512x16xf32> -> vector<512x16xf32>
    %mul3A_49 = arith.constant 5.000000e-03 : f32
    %mul3A_50 = vector.broadcast %mul3A_49 : f32 to vector<512x16xf32>
    %mul3A_51 = arith.mulf %dot_general3A_48, %mul3A_50 : vector<512x16xf32>
    %get3A_52 = arith.constant 0 : index
    %get3A_53 = arith.constant 2560 : index
    %get3A_54 = vector.load %arg2[%get3A_52, %get3A_53] : memref<64x4096xf32, #tpu.memory_space<vmem>>, vector<64x512xf32>
    %get3A_55 = arith.constant 0 : index
    %get3A_56 = arith.constant 0 : index
    %get3A_57 = vector.load %arg1[%get3A_55, %get3A_56] : memref<16x64xf32, #tpu.memory_space<vmem>>, vector<16x64xf32>
    %dot_general3A_58 = arith.constant dense<0.000000e+00> : vector<512x16xf32>
    %dot_general3A_59 = tpu.matmul %get3A_54, %get3A_57, %dot_general3A_58 {dimension_numbers = #tpu.dot_dimension_numbers<[0], [1], [1], [0], [0, 1, 1, 0], [], []>, transpose_lhs_hint = false} : vector<64x512xf32>, vector<16x64xf32>, vector<512x16xf32> -> vector<512x16xf32>
    %mul3A_60 = arith.constant 5.000000e-03 : f32
    %mul3A_61 = vector.broadcast %mul3A_60 : f32 to vector<512x16xf32>
    %mul3A_62 = arith.mulf %dot_general3A_59, %mul3A_61 : vector<512x16xf32>
    %get3A_63 = arith.constant 0 : index
    %get3A_64 = arith.constant 3072 : index
    %get3A_65 = vector.load %arg2[%get3A_63, %get3A_64] : memref<64x4096xf32, #tpu.memory_space<vmem>>, vector<64x512xf32>
    %get3A_66 = arith.constant 0 : index
    %get3A_67 = arith.constant 0 : index
    %get3A_68 = vector.load %arg1[%get3A_66, %get3A_67] : memref<16x64xf32, #tpu.memory_space<vmem>>, vector<16x64xf32>
    %dot_general3A_69 = arith.constant dense<0.000000e+00> : vector<512x16xf32>
    %dot_general3A_70 = tpu.matmul %get3A_65, %get3A_68, %dot_general3A_69 {dimension_numbers = #tpu.dot_dimension_numbers<[0], [1], [1], [0], [0, 1, 1, 0], [], []>, transpose_lhs_hint = false} : vector<64x512xf32>, vector<16x64xf32>, vector<512x16xf32> -> vector<512x16xf32>
    %mul3A_71 = arith.constant 5.000000e-03 : f32
    %mul3A_72 = vector.broadcast %mul3A_71 : f32 to vector<512x16xf32>
    %mul3A_73 = arith.mulf %dot_general3A_70, %mul3A_72 : vector<512x16xf32>
    %get3A_74 = arith.constant 0 : index
    %get3A_75 = arith.constant 3584 : index
    %get3A_76 = vector.load %arg2[%get3A_74, %get3A_75] : memref<64x4096xf32, #tpu.memory_space<vmem>>, vector<64x512xf32>
    %get3A_77 = arith.constant 0 : index
    %get3A_78 = arith.constant 0 : index
    %get3A_79 = vector.load %arg1[%get3A_77, %get3A_78] : memref<16x64xf32, #tpu.memory_space<vmem>>, vector<16x64xf32>
    %dot_general3A_80 = arith.constant dense<0.000000e+00> : vector<512x16xf32>
    %dot_general3A_81 = tpu.matmul %get3A_76, %get3A_79, %dot_general3A_80 {dimension_numbers = #tpu.dot_dimension_numbers<[0], [1], [1], [0], [0, 1, 1, 0], [], []>, transpose_lhs_hint = false} : vector<64x512xf32>, vector<16x64xf32>, vector<512x16xf32> -> vector<512x16xf32>
    %mul3A_82 = arith.constant 5.000000e-03 : f32
    %mul3A_83 = vector.broadcast %mul3A_82 : f32 to vector<512x16xf32>
    %mul3A_84 = arith.mulf %dot_general3A_81, %mul3A_83 : vector<512x16xf32>
    %concatenate3A = tpu.concatenate %mul3A_7, %mul3A_18, %mul3A_29, %mul3A_40, %mul3A_51, %mul3A_62, %mul3A_73, %mul3A_84 in 1 : vector<512x16xf32>, vector<512x16xf32>, vector<512x16xf32>, vector<512x16xf32>, vector<512x16xf32>, vector<512x16xf32>, vector<512x16xf32>, vector<512x16xf32> -> vector<512x128xf32>
    %swap3A = arith.constant 0 : index
    %swap3A_85 = arith.constant 0 : index
    %swap3A_86 = vector.load %arg3[%swap3A, %swap3A_85] : memref<512x128xf32, #tpu.memory_space<vmem>>, vector<512x128xf32>
    tpu.vector_store %arg3[%swap3A, %swap3A_85], %concatenate3A {strides = array<i32>} : memref<512x128xf32, #tpu.memory_space<vmem>>, vector<512x128xf32>,
    return
  }
  func.func @transform_0(%arg0: i32) -> (i32, i32) {
    %c0_i32 = arith.constant 0 : i32
    %c0_i32_0 = arith.constant 0 : i32
    %c0_i32_1 = arith.constant 0 : i32
    return %c0_i32, %c0_i32_0 : i32, i32
  }
  func.func @transform_1(%arg0: i32) -> (i32, i32) {
    %c0_i32 = arith.constant 0 : i32
    %c0_i32_0 = arith.constant 0 : i32
    return %c0_i32, %arg0 : i32, i32
  }
  func.func @transform_2(%arg0: i32) -> (i32, i32) {
    %c0_i32 = arith.constant 0 : i32
    %c0_i32_0 = arith.constant 0 : i32
    return %arg0, %c0_i32 : i32, i32
  }
}

</mosaic_0001>

<sc_bundles>
// kernel: kernel.4.cloned.1.call-start
scs
__scs_entry_jumppad:
0x0: {  	(pc) =	sbr.rel $0x88, $3  }
0x1: {  	(tag) =	ssettag $0x0;
	lr =	simm.s32 $0x1  }
0x2: {  	[smem:$0x3F9D] =	sst lr;
	_ =	strace $0xD0000000  }
0x3: {  	_ = 	snop  }
0x4: {  	_ = 	snop  }
0x5: {  	_ = 	snop  }
0x6: {  	_ = 	snop  }
0x7: {  	_ = 	snop  }
__scs_overlays_trampoline_lowered:
0x8: {  	[smem:$0x3FAC] =	sst s0  }
0x9: {  	[smem:$0x3FAD] =	sst s1  }
0xa: {  	[smem:$0x3FAE] =	sst s2  }
0xb: {  	[smem:$0x3FAF] =	sst s3  }
0xc: {  	[smem:$0x3FB0] =	sst s4  }
0xd: {  	[smem:$0x3FB1] =	sst s5  }
0xe: {  	[smem:$0x3FB2] =	sst s6  }
0xf: {  	[smem:$0x3FB3] =	sst s7  }
0x10: {  	[smem:$0x3FB4] =	sst s8  }
0x11: {  	[smem:$0x3FB5] =	sst s9;
	s0 =	simm.s32 @!p0 $0x0  }
0x12: {  	s1 =	sld [smem:$0x3F9B];
	s0 =	simm.s32 @p0 $0x1  }
0x13: {  	[smem:$0x3FB6] =	sst s0;
	s0 =	simm.s32 @!p1 $0x0  }
0x14: {  	s2 =	sld [smem:$0x3F9A];
	s0 =	simm.s32 @p1 $0x1  }
0x15: {  	[smem:$0x3FB7] =	sst s0;
	s0 =	simm.s32 @!p2 $0x0  }
0x16: {  	s3 =	sld [smem:$0x3FDB];
	s0 =	simm.s32 @p2 $0x1  }
0x17: {  	s4 =	simm.s32 $0x1BF5;
	[smem:$0x3FB9] =	sst s0  }
0x18: {  	s0 =	sld [smem:$0x3F9C];
	_ =	swait.ge [sflag:s4], $0x0  }
0x19: {  	s7 =	sld [smem:$0x3F9D]  }
0x1a: {  	s8 =	sadd.s32 $0xFFFFE003, lr  }
0x1b: {  	s9 =	sadd.s32 $0xFFFFFEF7, lr;
	s5 =	simm.s32 $0xFFFFFFFF;
	p2 =	slt.u32 s8, $0xFFFFF086  }
0x1c: {  	p1 =	slt.u32 s9, $0xF7A;
	s5 =	simm.s32 @!p2 $0x0  }
0x1d: {  	s5 =	simm.s32 @p1 $0x1;
	p0 =	seq.s32 s7, s2  }
0x1e: {  	s7 =	smul.u32 @!p0 $0xF7A, s2;
	p2 =	seq.s32 @!p0 s5, $0x0  }
0x1f: {  	s9 =	smul.u32 $0xF7A, s1;
	s8 =	simm.s32 @!p0 $0x1BF5;
	p2 =	por !p2, p0  }
0x20: {  	[sflag:s8] =	ssyncset.s32 @!p0 $0xFFFFF086;
	s6 =	sadd.s32 @!p0 s3, s7;
	s7 =	simm.s32 @!p0 $0x108  }
0x21: {  	s3 =	sadd.s32 s3, s9;
	s6 =	sadd.s32 @!p0 $0x88, s6;
	s7 =	simm.s32 @p2 $0x1082  }
0x22: {  	[simem:s7], [sflag:s8] =	dma.local @!p0 [hbm:s6], $0xF7A  }
0x23: {  	s9 =	sor.u32 $0xD0000000, s2;
	s6 =	simm.s32 $0x108;
	_ =	swait.ge @!p0 [sflag:s8], $0x0  }
0x24: {  	s3 =	sadd.s32 $0x88, s3;
	s6 =	simm.s32 @!p1 $0x1082;
	[sflag:s4] =	ssyncset.s32 $0xFFFFF086  }
0x25: {  	[simem:s6], [sflag:s4] =	dma.local [hbm:s3], $0xF7A  }
0x26: {  	[smem:$0x3F9D] =	sst s1;
	(tag) =	ssettag s2;
	_ =	strace s9  }
0x27: {  	s1 =	sld [smem:$0x3FAD]  }
0x28: {  	s2 =	sld [smem:$0x3FAE]  }
0x29: {  	s4 =	sld [smem:$0x3FB0]  }
0x2a: {  	p0 =	seq.s32 s5, $0x0;
	s5 =	sld [smem:$0x3FB1]  }
0x2b: {  	s6 =	sld [smem:$0x3FB2]  }
0x2c: {  	s7 =	sld [smem:$0x3FB3]  }
0x2d: {  	s3 =	simm.s32 $0x108;
	s8 =	sld [smem:$0x3FB4]  }
0x2e: {  	s3 =	simm.s32 @!p0 $0x1082;
	s9 =	sld [smem:$0x3FB5]  }
0x2f: {  	lr =	sadd.s32 s0, s3;
	s0 =	sld [smem:$0x3FAC]  }
0x30: {  	s3 =	sld [smem:$0x3FAF]  }
0x31: {  	[smem:$0x3FB8] =	sst s10  }
0x32: {  	s10 =	sld [smem:$0x3FB6];
	_ =	sdelay $0x3  }
0x33: {  	p0 =	seq.s32 s10, $0x1;
	s10 =	sld [smem:$0x3FB8];
	_ =	sdelay $0x3  }
0x34: {  	[smem:$0x3FB8] =	sst s10  }
0x35: {  	s10 =	sld [smem:$0x3FB7];
	_ =	sdelay $0x3  }
0x36: {  	p1 =	seq.s32 s10, $0x1;
	s10 =	sld [smem:$0x3FB8];
	_ =	sdelay $0x3  }
0x37: {  	[smem:$0x3FB8] =	sst s10  }
0x38: {  	s10 =	sld [smem:$0x3FB9]  }
0x39: {  	_ = 	snop;
	(pc) =	sbr.ind lr, $3  }
0x3a: {  	_ = 	snop  }
0x3b: {  	_ = 	snop  }
0x3c: {  	p2 =	seq.s32 s10, $0x1;
	s10 =	sld [smem:$0x3FB8]  }
0x3d: {  	_ =	shalt  }
0x3e: {  	_ =	shalt  }
0x3f: {  	_ =	shalt  }
0x40: {  	_ =	shalt  }
0x41: {  	_ =	shalt  }
0x42: {  	_ =	shalt  }
0x43: {  	_ =	shalt  }
0x44: {  	_ =	shalt  }
0x45: {  	_ =	shalt  }
0x46: {  	_ =	shalt  }
0x47: {  	_ =	shalt  }
0x48: {  	_ =	shalt  }
0x49: {  	_ =	shalt  }
0x4a: {  	_ =	shalt  }
0x4b: {  	_ =	shalt  }
0x4c: {  	_ =	shalt  }
0x4d: {  	_ =	shalt  }
0x4e: {  	_ =	shalt  }
0x4f: {  	_ =	shalt  }
0x50: {  	_ =	shalt  }
0x51: {  	_ =	shalt  }
0x52: {  	_ =	shalt  }
0x53: {  	_ =	shalt  }
0x54: {  	_ =	shalt  }
0x55: {  	_ =	shalt  }
0x56: {  	_ =	shalt  }
0x57: {  	_ =	shalt  }
0x58: {  	_ =	shalt  }
0x59: {  	_ =	shalt  }
0x5a: {  	_ =	shalt  }
0x5b: {  	_ =	shalt  }
0x5c: {  	_ =	shalt  }
0x5d: {  	_ =	shalt  }
0x5e: {  	_ =	shalt  }
0x5f: {  	_ =	shalt  }
0x60: {  	_ =	shalt  }
0x61: {  	_ =	shalt  }
0x62: {  	_ =	shalt  }
0x63: {  	_ =	shalt  }
0x64: {  	_ =	shalt  }
0x65: {  	_ =	shalt  }
0x66: {  	_ =	shalt  }
0x67: {  	_ =	shalt  }
0x68: {  	_ =	shalt  }
0x69: {  	_ =	shalt  }
0x6a: {  	_ =	shalt  }
0x6b: {  	_ =	shalt  }
0x6c: {  	_ =	shalt  }
0x6d: {  	_ =	shalt  }
0x6e: {  	_ =	shalt  }
0x6f: {  	_ =	shalt  }
0x70: {  	_ =	shalt  }
0x71: {  	_ =	shalt  }
0x72: {  	_ =	shalt  }
0x73: {  	_ =	shalt  }
0x74: {  	_ =	shalt  }
0x75: {  	_ =	shalt  }
0x76: {  	_ =	shalt  }
0x77: {  	_ =	shalt  }
0x78: {  	_ =	shalt  }
0x79: {  	_ =	shalt  }
0x7a: {  	_ =	shalt  }
0x7b: {  	_ =	shalt  }
0x7c: {  	_ =	shalt  }
0x7d: {  	_ =	shalt  }
0x7e: {  	_ =	shalt  }
0x7f: {  	_ =	shalt  }
0x80: {  	_ =	shalt  }
0x81: {  	_ =	shalt  }
0x82: {  	_ =	shalt  }
0x83: {  	_ =	shalt  }
0x84: {  	_ =	shalt  }
0x85: {  	_ =	shalt  }
0x86: {  	_ =	shalt  }
0x87: {  	_ =	shalt  }
.Lfunc_end0:
.L_simem_size_0:
called_computation_lowered:
.L_overlay_start_0:
0x88: {  	s2 =	sld [smem:$0x3FD9]  }
0x89: {  	s3 =	sld [smem:$0x3FFE];
	_ =	sdelay $0x1  }
0x8a: {  	s1 =	srdreg.scid  }
0x8b: {  	s0 =	sand.u32 $0x1, s1  }
0x8c: {  	s17 =	sshll.u32 s0, $0xA;
	s2 =	sadd.s32 s3, s2  }
0x8d: {  	s2 =	sadd.s32 s2, s17  }
0x8e: {  	[smem:$0x3FC4] =	sst s2  }
0x8f: {  	_ = 	snop  }
0x90: {  	s2 =	sld [smem:$0x3FC6]  }
0x91: {  	s18 =	sld [smem:$0x3FD0];
	(tm) =	ssettm $0x1  }
0x92: {  	s4 =	sld [smem:$0x3FFB];
	_ =	sdelay $0x3  }
0x93: {  	_ =	strace s4  }
0x94: {  	s4 =	sld [smem:$0x3FFC];
	_ =	sdelay $0x3  }
0x95: {  	_ =	strace s4  }
0x96: {  	s4 =	sld [smem:$0x3FFD];
	_ =	sdelay $0x3  }
0x97: {  	_ =	strace s4  }
0x98: {  	_ =	strace $0x8FFFFFFF  }
0x99: {  	s19 =	sld [smem:$0x3FDB];
	_ =	sdelay $0x1  }
0x9a: {  	s5 =	simm.s32 $_scs_section_size  }
0x9b: {  	s6 =	simm.s32 $_size__tile_overlayer_lowered;
	s7 =	simm.s32 $_tile_overlayer_lowered  }
0x9c: {  	s22 =	simm.s32 $0x1BFF;
	s21 =	sshll.u32 s7, $0x1;
	s4 =	sadd.s32 s5, s19  }
0x9d: {  	s8 =	simm.s32 $0x0;
	s20 =	sshll.u32 s6, $0x1;
	s6 =	sadd.s32 s21, s4  }
0x9e: {  	[timem:s8], [sflag:s22] =	dma.local [hbm:s6], s20  }
0x9f: {  	_ =	swait.ge [sflag:s22], s20  }
0xa0: {  	s5 =	ssub.s32 $0x0, s20;
	[sflag:s22] =	ssyncset.done $0x0  }
0xa1: {  	[sflag:s22] =	ssyncadd.s32 s5;
	_ =	sdelay $0x1  }
0xa2: {  	s23 =	simm.s32 $0x1B8B  }
0xa3: {  	_ =	swait.ge [sflag:s23], $0x1  }
0xa4: {  	[sflag:s23] =	ssyncset.done $0x0  }
0xa5: {  	s25 =	simm.s32 $0x1B8E;
	s24 =	sld [smem:$0x3FFE];
	[sflag:s23] =	ssyncadd.s32 $0xFFFFFFFF  }
0xa6: {  	s26 =	simm.s32 $execute0_lowered;
	[smem:$0x3FD2] =	sst s25  }
0xa7: {  	s6 =	sshll.u32 s26, $0x1;
	_ =	strace $0x80000046;
	[dreg:$0x1] =	wrdreg $0xFFFFFFFF  }
0xa8: {  	s28 =	simm.s32 $_size_execute0_lowered;
	s4 =	sadd.s32 s4, s6;
	[dreg:$0x0] =	wrdreg $0x0  }
0xa9: {  	s6 =	sshll.u32 s28, $0x1;
	[dreg:$0x2] =	wrdreg s4  }
0xaa: {  	[dreg:$0x3] =	wrdreg s6  }
0xab: {  	[dreg:$0x4] =	wrdreg $0xC0  }
0xac: {  	_ =	task [dreg:s8], $0x5FFFF  }
0xad: {  	[dreg:$0x1] =	wrdreg $0xFFFFFFFF  }
0xae: {  	[dreg:$0x0] =	wrdreg $0x60  }
0xaf: {  	[dreg:$0x2] =	wrdreg s24  }
0xb0: {  	[dreg:$0x3] =	wrdreg s2  }
0xb1: {  	[dreg:$0x4] =	wrdreg s18  }
0xb2: {  	[dreg:$0x5] =	wrdreg $0x1AE900  }
0xb3: {  	[dreg:$0x6] =	wrdreg $0x9  }
0xb4: {  	_ =	task.clear_ibuf [dreg:s8], $0x7FFFF;
	_ =	strace $0x90000046  }
0xb5: {  	s29 =	simm.s32 $0x9;
	_ =	strace $0x80000048  }
0xb6: {  	_ =	swait.ge [sflag:s29], $0x1  }
0xb7: {  	[sflag:s29] =	ssyncadd.s32 $0xFFFFFFFF  }
0xb8: {  	_ =	strace $0x90000048  }
0xb9: {  	_ =	sfence  }
0xba: {  	s30 =	sld [smem:$0x0];
	_ =	sdelay $0x2  }
0xbb: {  	s31 =	sshll.u32 s1, $0xD;
	s1 =	sshrl.u32 s1, $0x2  }
0xbc: {  	s3 =	sand.u32 $0x4000, s31;
	s1 =	sadd.s32 s1, s30  }
0xbd: {  	s0 =	sor.u32 s3, s0;
	s1 =	sshll.u32 s1, $0x11  }
0xbe: {  	s0 =	sor.u32 s1, s0  }
0xbf: {  	s0 =	sadd.s32 $0x8F2B, s0  }
0xc0: {  	[sflag:s0] =	ssyncadd.remote.s32 $0x1  }
0xc1: {  	_ =	sfence.sel $0xFFFF  }
0xc2: {  	[dreg:$0x0] =	wrdreg $0xFFFFFFFF;
	(pc) =	sbr.abs _section_cstart, $3  }
0xc3: {  	[dreg:$0x1] =	wrdreg $0xFFFFFFFF  }
0xc4: {  	_ =	task.clear_ibuf [dreg:s8], $0x2FFFF;
	_ =	strace $0x9FFFFFFF  }
0xc5: {  	(tm) =	ssettm $0x7FFFFFFF  }
tec
execute0_lowered:
.L_overlay_start_1:
0x0: {  	(tag) =	ssettag $0x1  }
0x1: {  	s0 =	rddreg [dreg:$0x0]  }
0x2: {  	s1 =	srdreg.scid;
	s2 =	rddreg [dreg:$0x2]  }
0x3: {  	s8 =	stileid.u32;
	s3 =	rddreg [dreg:$0x3]  }
0x4: {  	s25 =	simm.s32 $0x0;
	s28 =	simm.s32 $0x1AC00;
	s31 =	simm.s32 $0x2  }
0x5: {  	s15 =	simm.s32 $0x5;
	s29 =	simm.s32 $0x9;
	s12 =	simm.s32 $0x6  }
0x6: {  	s13 =	simm.s32 $0xA;
	s9 =	simm.s32 $0xB;
	s10 =	simm.s32 $0x8  }
0x7: {  	s11 =	simm.s32 $0xC;
	s14 =	simm.s32 $0xD;
	s16 =	simm.s32 $0x10  }
0x8: {  	s1 =	sand.u32 $0x1, s1;
	s4 =	sshll.u32 s8, $0x8;
	[smem:$0x7FF] =	sst s25  }
0x9: {  	s7 =	sshll.u32 s8, $0xB;
	s23 =	sshll.u32 s8, $0x7;
	s8 =	simm.s32 $0x7  }
0xa: {  	s5 =	sshll.u32 s1, $0x7;
	_ =	strace $0x80000047;
	s1 =	ssub.s32 $0x2, s1  }
0xb: {  	s30 =	sadd.s32 s7, s3;
	s7 =	simm.s32 $0xE;
	[dreg:$0x5] =	wrdreg s23  }
0xc: {  	s4 =	sor.u32 s5, s4;
	s19 =	sadd.s32 $0x8000, s30;
	[dreg:$0x6] =	wrdreg s30  }
0xd: {  	s18 =	sshrl.u32 s1, $0x1;
	s20 =	sadd.s32 $0x10000, s30;
	[dreg:$0x7] =	wrdreg s19  }
0xe: {  	s22 =	sadd.s32 $0x18000, s30;
	s24 =	sadd.s32 $0x20000, s30;
	[dreg:$0x8] =	wrdreg s20  }
0xf: {  	s5 =	sshrl.u32 s4, $0x3;
	s21 =	sshll.u32 s4, $0x1;
	[dreg:$0x9] =	wrdreg s22  }
0x10: {  	[dreg:$0xa] =	wrdreg s24;
	s19 =	simm.s32 $0x280;
	s22 =	simm.s32 $0x15400  }
0x11: {  	s24 =	simm.s32 $0x4;
	s4 =	simm.s32 $0x0;
	s6 =	sadd.s32 s5, s0  }
0x12: {  	s5 =	sadd.s32 $0x19800, s0;
	s0 =	ssub.s32 s1, s18;
	s1 =	sadd.s32 s2, s21  }
0x13: {  	s2 =	simm.s32 $0x17C00;
	[dreg:$0xb] =	wrdreg s1;
	s0 =	smax.u32 s0, $0x1  }
0x14: {  	s18 =	simm.s32 $0xF;
	s26 =	sadd.s32 $0x800, s6;
	[dreg:$0xc] =	wrdreg s0  }
0x15: {  	v0 =	vimm.f32 $0.0e+00;
	v1 =	vlaneseq.u32;
	s1 =	simm.s32 $0x3;
	[dreg:$0xd] =	wrdreg s26;
	s26 =	simm.s32 $0x1  }
.LBB2_1:
0x16: {  	s23 =	smul.u32 $0xCD, s25;
	_ =	sdelay $0x1  }
0x17: {  	[dreg:$0xe] =	wrdreg s4;
	s6 =	simm.s32 $0x1;
	s4 =	sshrl.u32 s23, $0xA  }
0x18: {  	s6 =	smul.u32 $0xCD, s6;
	s4 =	sand.u32 $0x3F, s4  }
0x19: {  	s17 =	smul.u32 $0x5, s4;
	_ =	sdelay $0x1  }
0x1a: {  	s6 =	sshrl.u32 s6, $0xA;
	s4 =	smul.u32 $0xA00, s4;
	s17 =	ssub.s32 $0x0, s17  }
0x1b: {  	s20 =	sand.u32 $0x3F, s6;
	s17 =	sand.u32 $0xFF, s17  }
0x1c: {  	s23 =	smul.u32 $0x5, s20;
	s30 =	sshrl.u32 s4, $0x2;
	s17 =	sshll.u32 s17, $0x7  }
0x1d: {  	s4 =	simm.s32 $0x2;
	s6 =	sadd.s32 s17, s30;
	s17 =	rddreg [dreg:$0xd]  }
0x1e: {  	[tilespmem:s6], [sflag:$0x11] =	stream.linear.gather [hbm4b:s17+s25], $0x80, $0x38;
	[tilespmem:$0x1D690] =	vst v63  }
0x1f: {  	s0 =	simm.s32 $0x0;
	s6 =	smul.u32 $0xCD, s4  }
0x20: {  	s21 =	smul.u32 $0xA00, s20;
	s20 =	simm.s32 $0x3;
	s23 =	ssub.s32 $0x1, s23  }
.LBB2_2:
0x21: {  	s25 =	sshrl.u32 s6, $0xA;
	s6 =	smul.u32 $0xCD, s20  }
0x22: {  	s23 =	sand.u32 $0xFF, s23;
	s21 =	sshrl.u32 s21, $0x2;
	p0 =	sne.s32 s20, $0xC7  }
.Ltmp0:
0x23: {  	s25 =	sand.u32 $0x3F, s25;
	s23 =	sshll.u32 s23, $0x7;
	(pc) =	sbr.rel @p0 .LBB2_2-.Ltmp0, $4  }
0x24: {  	s17 =	sadd.s32 $0x200, s17;
	s30 =	smul.u32 $0x5, s25;
	s21 =	sadd.s32 s23, s21  }
0x25: {  	[tilespmem:s21], [sflag:$0x11] =	stream.linear.gather [hbm4b:s17+s0], $0x80, $0x38;
	[tilespmem:$0x1D690] =	vst v63  }
0x26: {  	s23 =	smov.u32 s4;
	s4 =	smov.u32 s20;
	s21 =	smul.u32 $0xA00, s25  }
0x27: {  	s20 =	sadd.s32 $0x1, s20;
	s23 =	ssub.s32 s23, s30  }
0x28: {  	s6 =	sshrl.u32 s6, $0xA;
	s20 =	sand.u32 $0xFF, s23  }
0x29: {  	s21 =	sshrl.u32 s21, $0x2;
	s6 =	sand.u32 $0x3F, s6;
	s20 =	sshll.u32 s20, $0x7  }
0x2a: {  	s17 =	sadd.s32 $0x200, s17;
	s30 =	smul.u32 $0x5, s6;
	s20 =	sadd.s32 s20, s21  }
0x2b: {  	[tilespmem:s20], [sflag:$0x11] =	stream.linear.gather [hbm4b:s17+s0], $0x80, $0x38;
	[tilespmem:$0x1D690] =	vst v63  }
0x2c: {  	s6 =	smul.u32 $0xA00, s6;
	s4 =	ssub.s32 s4, s30  }
0x2d: {  	s4 =	sand.u32 $0xFF, s4  }
0x2e: {  	s6 =	sshrl.u32 s6, $0x2;
	s4 =	sshll.u32 s4, $0x7  }
0x2f: {  	s23 =	sadd.s32 $0x200, s17;
	s4 =	sadd.s32 s4, s6  }
0x30: {  	[tilespmem:s4], [sflag:$0x11] =	stream.linear.gather [hbm4b:s23+s0], $0x80, $0x38;
	[tilespmem:$0x1D690] =	vst v63  }
0x31: {  	s25 =	rddreg [dreg:$0x1];
	s17 =	simm.s32 $0x12;
	s30 =	simm.s32 $0x1AE80  }
0x32: {  	[tilespmem:s30], [sflag:$0x12] =	stream.linear.gather [hbm4b:s25+s0], $0x10, $0x38;
	[tilespmem:$0x1D690] =	vst v63  }
0x33: {  	_ =	swait.ge [sflag:s17], $0x10  }
0x34: {  	[sflag:s17] =	ssyncset.done $0x0  }
0x35: {  	[sflag:s17] =	ssyncadd.s32 $0xFFFFFFF0  }
0x36: {  	v2 =	vld [tilespmem:$0x1AE80];
	_ =	sdelay $0x3  }
0x37: {  	s4 =	simm.s32 $0xC8;
	s0 =	simm.s32 $0x11  }
.LBB2_4:
0x38: {  	p0 =	sne.s32 s4, $0x1  }
.Ltmp1:
0x39: {  	_ = 	snop;
	(pc) =	sbr.rel @p0 .LBB2_4-.Ltmp1, $4  }
0x3a: {  	_ = 	snop  }
0x3b: {  	_ =	swait.ge [sflag:s0], $0x80  }
0x3c: {  	[sflag:s0] =	ssyncset.done $0x0  }
0x3d: {  	s4 =	sadd.s32 $0xFFFFFFFF, s4;
	[sflag:s0] =	ssyncadd.s32 $0xFFFFFF80  }
0x3e: {  	s23 =	rddreg [dreg:$0x5]  }
0x3f: {  	s4 =	simm.s32 $0x40;
	s6 =	simm.s32 $0x0;
	s20 =	rddreg [dreg:$0x6]  }
.LBB2_6:
0x40: {  	p0 =	sne.s32 s4, $0x1FC0;
	[tilespmem:s6+$0x1A400] =	vst v2;
	s6 =	smov.u32 s4;
	s4 =	sadd.s32 $0x40, s4  }
.Ltmp2:
0x41: {  	(pc) =	sbr.rel @p0 .LBB2_6-.Ltmp2, $2  }
0x42: {  	_ =	sdelay $0x2  }
0x43: {  	s6 =	sshra.s32 s6, $0x2  }
0x44: {  	[tilespmem:s6+$0x1A400] =	vst v2;
	s0 =	simm.s32 $0x1A400  }
0x45: {  	[spmem:s20] =	stream.linear.scatter [tilespmem:s0], [sflag:$0x12], $0x800, $0x38;
	[tilespmem:$0x1D690] =	vst v63  }
0x46: {  	_ =	swait.ge [sflag:s17], $0x800  }
0x47: {  	s4 =	simm.s32 $0x40;
	s6 =	simm.s32 $0x0;
	[sflag:s17] =	ssyncset.done $0x0  }
0x48: {  	s25 =	simm.s32 $0x10400;
	s30 =	simm.s32 $0x12C00;
	[sflag:s17] =	ssyncadd.s32 $0xFFFFF800  }
.LBB2_8:
0x49: {  	p0 =	sne.s32 s4, $0x1FC0;
	[tilespmem:s6+$0x1A400] =	vst v0;
	s6 =	smov.u32 s4;
	s4 =	sadd.s32 $0x40, s4  }
.Ltmp3:
0x4a: {  	(pc) =	sbr.rel @p0 .LBB2_8-.Ltmp3, $2  }
0x4b: {  	_ =	sdelay $0x2  }
0x4c: {  	s6 =	sshra.s32 s6, $0x2  }
0x4d: {  	[tilespmem:s6+$0x1A400] =	vst v0;
	s0 =	rddreg [dreg:$0x7];
	s4 =	simm.s32 $0x1A400  }
0x4e: {  	[spmem:s0] =	stream.linear.scatter [tilespmem:s4], [sflag:$0x12], $0x800, $0x38;
	[tilespmem:$0x1D690] =	vst v63  }
0x4f: {  	_ =	swait.ge [sflag:s17], $0x800  }
0x50: {  	[sflag:s17] =	ssyncset.done $0x0  }
0x51: {  	s20 =	rddreg [dreg:$0x8];
	[sflag:s17] =	ssyncadd.s32 $0xFFFFF800  }
0x52: {  	[spmem:s20] =	stream.linear.scatter [tilespmem:s4], [sflag:$0x12], $0x800, $0x38;
	[tilespmem:$0x1D690] =	vst v63  }
0x53: {  	_ =	swait.ge [sflag:s17], $0x800  }
0x54: {  	[sflag:s17] =	ssyncset.done $0x0  }
0x55: {  	s21 =	rddreg [dreg:$0x9];
	[sflag:s17] =	ssyncadd.s32 $0xFFFFF800  }
0x56: {  	[spmem:s21] =	stream.linear.scatter [tilespmem:s4], [sflag:$0x12], $0x800, $0x38;
	[tilespmem:$0x1D690] =	vst v63  }
0x57: {  	_ =	swait.ge [sflag:s17], $0x800  }
0x58: {  	s20 =	simm.s32 $0x0;
	[sflag:s17] =	ssyncset.done $0x0  }
0x59: {  	s21 =	sand.u32 $0x3800, s20;
	s6 =	rddreg [dreg:$0xa];
	[sflag:s17] =	ssyncadd.s32 $0xFFFFF800  }
0x5a: {  	[spmem:s6] =	stream.linear.scatter [tilespmem:s4], [sflag:$0x12], $0x800, $0x38;
	[tilespmem:$0x1D690] =	vst v63  }
0x5b: {  	s6 =	sor.u32 s23, s21;
	s4 =	sand.u32 $0x70, s20;
	_ =	swait.ge [sflag:s17], $0x800  }
0x5c: {  	s6 =	sor.u32 s4, s6;
	[sflag:s17] =	ssyncset.done $0x0  }
0x5d: {  	s4 =	simm.s32 $0x1AC00;
	v2 =	vor.u32 s6, v1;
	[sflag:s17] =	ssyncadd.s32 $0xFFFFF800  }
0x5e: {  	s6 =	simm.s32 $0x10;
	s17 =	simm.s32 $0x100;
	[tilespmem:s4+$0x0] =	vst v2  }
.LBB2_10:
0x5f: {  	s20 =	sand.u32 $0x3800, s17  }
0x60: {  	p0 =	sne.s32 s6, $0x270;
	s21 =	smov.u32 s6;
	s6 =	sadd.s32 $0x10, s6  }
.Ltmp4:
0x61: {  	s20 =	sor.u32 s23, s20;
	s21 =	sand.u32 $0x70, s21;
	(pc) =	sbr.rel @p0 .LBB2_10-.Ltmp4, $4  }
0x62: {  	s20 =	sor.u32 s21, s20  }
0x63: {  	s4 =	sadd.s32 $0x10, s4;
	v2 =	vor.u32 s20, v1  }
0x64: {  	[tilespmem:s4+$0x0] =	vst v2  }
0x65: {  	s17 =	sadd.s32 $0x100, s17  }
0x66: {  	s4 =	simm.s32 $0x0;
	s0 =	simm.s32 $0x6400  }
0x67: {  	[tilespmem:s0], [sflag:$0x1] =	stream.indirect.gather [hbm4b:s5+s19], $0x10, s4, s19, $0xb8;
	[tilespmem:$0x1D690] =	vst v63  }
0x68: {  	s20 =	simm.s32 $0x8C00  }
0x69: {  	[tilespmem:s20], [sflag:$0x2] =	stream.indirect.gather [hbm4b:s5+s19], $0x10, s19, s19, $0xb8;
	[tilespmem:$0x1D690] =	vst v63  }
0x6a: {  	s6 =	simm.s32 $0x500;
	s21 =	simm.s32 $0xB400  }
0x6b: {  	[tilespmem:s21], [sflag:$0x3] =	stream.indirect.gather [hbm4b:s5+s19], $0x10, s6, s19, $0xb8;
	[tilespmem:$0x1D690] =	vst v63  }
0x6c: {  	s17 =	simm.s32 $0x780;
	s6 =	simm.s32 $0xDC00  }
0x6d: {  	[tilespmem:s6], [sflag:$0x4] =	stream.indirect.gather [hbm4b:s5+s19], $0x10, s17, s19, $0xb8;
	[tilespmem:$0x1D690] =	vst v63  }
0x6e: {  	_ =	swait.ge [sflag:s26], $0x2800  }
0x6f: {  	[sflag:s26] =	ssyncset.done $0x0  }
0x70: {  	[sflag:s26] =	ssyncadd.s32 $0xFFFFD800  }
0x71: {  	[spmem:s3] =	stream.indirect.scatter.add.f32 [tilespmem:s0], [sflag:$0x9], $0x10, s28, s19, $0xb8;
	[tilespmem:$0x1D690] =	vst v63  }
0x72: {  	s23 =	simm.s32 $0xA00  }
0x73: {  	[tilespmem:s25], [sflag:$0x5] =	stream.indirect.gather [hbm4b:s5+s19], $0x10, s23, s19, $0xb8;
	[tilespmem:$0x1D690] =	vst v63  }
0x74: {  	_ =	swait.ge [sflag:s31], $0x2800  }
0x75: {  	[sflag:s31] =	ssyncset.done $0x0  }
0x76: {  	[sflag:s31] =	ssyncadd.s32 $0xFFFFD800  }
0x77: {  	[spmem:s3] =	stream.indirect.scatter.add.f32 [tilespmem:s20], [sflag:$0xA], $0x10, s28, s19, $0xb8;
	[tilespmem:$0x1D690] =	vst v63  }
0x78: {  	s17 =	simm.s32 $0xC80  }
0x79: {  	[tilespmem:s30], [sflag:$0x6] =	stream.indirect.gather [hbm4b:s5+s19], $0x10, s17, s19, $0xb8;
	[tilespmem:$0x1D690] =	vst v63  }
0x7a: {  	_ =	swait.ge [sflag:s1], $0x2800  }
0x7b: {  	[sflag:s1] =	ssyncset.done $0x0  }
0x7c: {  	[sflag:s1] =	ssyncadd.s32 $0xFFFFD800  }
0x7d: {  	[spmem:s3] =	stream.indirect.scatter.add.f32 [tilespmem:s21], [sflag:$0xB], $0x10, s28, s19, $0xb8;
	[tilespmem:$0x1D690] =	vst v63  }
0x7e: {  	s23 =	simm.s32 $0xF00  }
0x7f: {  	[tilespmem:s22], [sflag:$0x7] =	stream.indirect.gather [hbm4b:s5+s19], $0x10, s23, s19, $0xb8;
	[tilespmem:$0x1D690] =	vst v63  }
0x80: {  	_ =	swait.ge [sflag:s24], $0x2800  }
0x81: {  	[sflag:s24] =	ssyncset.done $0x0  }
0x82: {  	[sflag:s24] =	ssyncadd.s32 $0xFFFFD800  }
0x83: {  	[spmem:s3] =	stream.indirect.scatter.add.f32 [tilespmem:s6], [sflag:$0xC], $0x10, s28, s19, $0xb8;
	[tilespmem:$0x1D690] =	vst v63  }
0x84: {  	s17 =	simm.s32 $0x1180  }
0x85: {  	[tilespmem:s2], [sflag:$0x8] =	stream.indirect.gather [hbm4b:s5+s19], $0x10, s17, s19, $0xb8;
	[tilespmem:$0x1D690] =	vst v63  }
0x86: {  	_ =	swait.ge [sflag:s15], $0x2800  }
0x87: {  	[sflag:s15] =	ssyncset.done $0x0  }
0x88: {  	[sflag:s15] =	ssyncadd.s32 $0xFFFFD800  }
0x89: {  	[spmem:s3] =	stream.indirect.scatter.add.f32 [tilespmem:s25], [sflag:$0xD], $0x10, s28, s19, $0xb8;
	[tilespmem:$0x1D690] =	vst v63  }
0x8a: {  	_ =	swait.ge [sflag:s29], $0x2800  }
0x8b: {  	[sflag:s29] =	ssyncset.done $0x0  }
0x8c: {  	s23 =	simm.s32 $0x1400;
	[sflag:s29] =	ssyncadd.s32 $0xFFFFD800  }
0x8d: {  	[tilespmem:s0], [sflag:$0x1] =	stream.indirect.gather [hbm4b:s5+s19], $0x10, s23, s19, $0xb8;
	[tilespmem:$0x1D690] =	vst v63  }
0x8e: {  	_ =	swait.ge [sflag:s12], $0x2800  }
0x8f: {  	[sflag:s12] =	ssyncset.done $0x0  }
0x90: {  	[sflag:s12] =	ssyncadd.s32 $0xFFFFD800  }
0x91: {  	[spmem:s3] =	stream.indirect.scatter.add.f32 [tilespmem:s30], [sflag:$0xE], $0x10, s28, s19, $0xb8;
	[tilespmem:$0x1D690] =	vst v63  }
0x92: {  	_ =	swait.ge [sflag:s13], $0x2800  }
0x93: {  	[sflag:s13] =	ssyncset.done $0x0  }
0x94: {  	s17 =	simm.s32 $0x1680;
	[sflag:s13] =	ssyncadd.s32 $0xFFFFD800  }
0x95: {  	[tilespmem:s20], [sflag:$0x2] =	stream.indirect.gather [hbm4b:s5+s19], $0x10, s17, s19, $0xb8;
	[tilespmem:$0x1D690] =	vst v63  }
0x96: {  	_ =	swait.ge [sflag:s8], $0x2800  }
0x97: {  	[sflag:s8] =	ssyncset.done $0x0  }
0x98: {  	[sflag:s8] =	ssyncadd.s32 $0xFFFFD800  }
0x99: {  	[spmem:s3] =	stream.indirect.scatter.add.f32 [tilespmem:s22], [sflag:$0xF], $0x10, s28, s19, $0xb8;
	[tilespmem:$0x1D690] =	vst v63  }
0x9a: {  	_ =	swait.ge [sflag:s9], $0x2800  }
0x9b: {  	[sflag:s9] =	ssyncset.done $0x0  }
0x9c: {  	s23 =	simm.s32 $0x1900;
	[sflag:s9] =	ssyncadd.s32 $0xFFFFD800  }
0x9d: {  	[tilespmem:s21], [sflag:$0x3] =	stream.indirect.gather [hbm4b:s5+s19], $0x10, s23, s19, $0xb8;
	[tilespmem:$0x1D690] =	vst v63  }
0x9e: {  	_ =	swait.ge [sflag:s10], $0x2800  }
0x9f: {  	[sflag:s10] =	ssyncset.done $0x0  }
0xa0: {  	[sflag:s10] =	ssyncadd.s32 $0xFFFFD800  }
0xa1: {  	[spmem:s3] =	stream.indirect.scatter.add.f32 [tilespmem:s2], [sflag:$0x10], $0x10, s28, s19, $0xb8;
	[tilespmem:$0x1D690] =	vst v63  }
0xa2: {  	_ =	swait.ge [sflag:s11], $0x2800  }
0xa3: {  	[sflag:s11] =	ssyncset.done $0x0  }
0xa4: {  	s17 =	simm.s32 $0x1B80;
	[sflag:s11] =	ssyncadd.s32 $0xFFFFD800  }
0xa5: {  	[tilespmem:s6], [sflag:$0x4] =	stream.indirect.gather [hbm4b:s5+s19], $0x10, s17, s19, $0xb8;
	[tilespmem:$0x1D690] =	vst v63  }
0xa6: {  	_ =	swait.ge [sflag:s26], $0x2800  }
0xa7: {  	[sflag:s26] =	ssyncset.done $0x0  }
0xa8: {  	[sflag:s26] =	ssyncadd.s32 $0xFFFFD800  }
0xa9: {  	[spmem:s3] =	stream.indirect.scatter.add.f32 [tilespmem:s0], [sflag:$0x9], $0x10, s28, s19, $0xb8;
	[tilespmem:$0x1D690] =	vst v63  }
0xaa: {  	_ =	swait.ge [sflag:s14], $0x2800  }
0xab: {  	[sflag:s14] =	ssyncset.done $0x0  }
0xac: {  	s23 =	simm.s32 $0x1E00;
	[sflag:s14] =	ssyncadd.s32 $0xFFFFD800  }
0xad: {  	[tilespmem:s25], [sflag:$0x5] =	stream.indirect.gather [hbm4b:s5+s19], $0x10, s23, s19, $0xb8;
	[tilespmem:$0x1D690] =	vst v63  }
0xae: {  	_ =	swait.ge [sflag:s31], $0x2800  }
0xaf: {  	[sflag:s31] =	ssyncset.done $0x0  }
0xb0: {  	[sflag:s31] =	ssyncadd.s32 $0xFFFFD800  }
0xb1: {  	[spmem:s3] =	stream.indirect.scatter.add.f32 [tilespmem:s20], [sflag:$0xA], $0x10, s28, s19, $0xb8;
	[tilespmem:$0x1D690] =	vst v63  }
0xb2: {  	_ =	swait.ge [sflag:s7], $0x2800  }
0xb3: {  	[sflag:s7] =	ssyncset.done $0x0  }
0xb4: {  	s17 =	simm.s32 $0x2080;
	[sflag:s7] =	ssyncadd.s32 $0xFFFFD800  }
0xb5: {  	[tilespmem:s30], [sflag:$0x6] =	stream.indirect.gather [hbm4b:s5+s19], $0x10, s17, s19, $0xb8;
	[tilespmem:$0x1D690] =	vst v63  }
0xb6: {  	_ =	swait.ge [sflag:s1], $0x2800  }
0xb7: {  	[sflag:s1] =	ssyncset.done $0x0  }
0xb8: {  	[sflag:s1] =	ssyncadd.s32 $0xFFFFD800  }
0xb9: {  	[spmem:s3] =	stream.indirect.scatter.add.f32 [tilespmem:s21], [sflag:$0xB], $0x10, s28, s19, $0xb8;
	[tilespmem:$0x1D690] =	vst v63  }
0xba: {  	_ =	swait.ge [sflag:s18], $0x2800  }
0xbb: {  	[sflag:s18] =	ssyncset.done $0x0  }
0xbc: {  	s23 =	simm.s32 $0x2300;
	[sflag:s18] =	ssyncadd.s32 $0xFFFFD800  }
0xbd: {  	[tilespmem:s22], [sflag:$0x7] =	stream.indirect.gather [hbm4b:s5+s19], $0x10, s23, s19, $0xb8;
	[tilespmem:$0x1D690] =	vst v63  }
0xbe: {  	_ =	swait.ge [sflag:s24], $0x2800  }
0xbf: {  	[sflag:s24] =	ssyncset.done $0x0  }
0xc0: {  	[sflag:s24] =	ssyncadd.s32 $0xFFFFD800  }
0xc1: {  	[spmem:s3] =	stream.indirect.scatter.add.f32 [tilespmem:s6], [sflag:$0xC], $0x10, s28, s19, $0xb8;
	[tilespmem:$0x1D690] =	vst v63  }
0xc2: {  	_ =	swait.ge [sflag:s16], $0x2800  }
0xc3: {  	[sflag:s16] =	ssyncset.done $0x0  }
0xc4: {  	s17 =	simm.s32 $0x2580;
	[sflag:s16] =	ssyncadd.s32 $0xFFFFD800  }
0xc5: {  	[tilespmem:s2], [sflag:$0x8] =	stream.indirect.gather [hbm4b:s5+s19], $0x10, s17, s19, $0xb8;
	[tilespmem:$0x1D690] =	vst v63  }
0xc6: {  	_ =	swait.ge [sflag:s15], $0x2800  }
0xc7: {  	[sflag:s15] =	ssyncset.done $0x0  }
0xc8: {  	[sflag:s15] =	ssyncadd.s32 $0xFFFFD800  }
0xc9: {  	[spmem:s3] =	stream.indirect.scatter.add.f32 [tilespmem:s25], [sflag:$0xD], $0x10, s28, s19, $0xb8;
	[tilespmem:$0x1D690] =	vst v63  }
0xca: {  	_ =	swait.ge [sflag:s29], $0x2800  }
0xcb: {  	[sflag:s29] =	ssyncset.done $0x0  }
0xcc: {  	s23 =	simm.s32 $0x2800;
	[sflag:s29] =	ssyncadd.s32 $0xFFFFD800  }
0xcd: {  	[tilespmem:s0], [sflag:$0x1] =	stream.indirect.gather [hbm4b:s5+s19], $0x10, s23, s19, $0xb8;
	[tilespmem:$0x1D690] =	vst v63  }
0xce: {  	_ =	swait.ge [sflag:s12], $0x2800  }
0xcf: {  	[sflag:s12] =	ssyncset.done $0x0  }
0xd0: {  	[sflag:s12] =	ssyncadd.s32 $0xFFFFD800  }
0xd1: {  	[spmem:s3] =	stream.indirect.scatter.add.f32 [tilespmem:s30], [sflag:$0xE], $0x10, s28, s19, $0xb8;
	[tilespmem:$0x1D690] =	vst v63  }
0xd2: {  	_ =	swait.ge [sflag:s13], $0x2800  }
0xd3: {  	[sflag:s13] =	ssyncset.done $0x0  }
0xd4: {  	s25 =	simm.s32 $0x2A80;
	[sflag:s13] =	ssyncadd.s32 $0xFFFFD800  }
0xd5: {  	[tilespmem:s20], [sflag:$0x2] =	stream.indirect.gather [hbm4b:s5+s19], $0x10, s25, s19, $0xb8;
	[tilespmem:$0x1D690] =	vst v63  }
0xd6: {  	_ =	swait.ge [sflag:s8], $0x2800  }
0xd7: {  	[sflag:s8] =	ssyncset.done $0x0  }
0xd8: {  	[sflag:s8] =	ssyncadd.s32 $0xFFFFD800  }
0xd9: {  	[spmem:s3] =	stream.indirect.scatter.add.f32 [tilespmem:s22], [sflag:$0xF], $0x10, s28, s19, $0xb8;
	[tilespmem:$0x1D690] =	vst v63  }
0xda: {  	_ =	swait.ge [sflag:s9], $0x2800  }
0xdb: {  	[sflag:s9] =	ssyncset.done $0x0  }
0xdc: {  	s30 =	simm.s32 $0x2D00;
	[sflag:s9] =	ssyncadd.s32 $0xFFFFD800  }
0xdd: {  	[tilespmem:s21], [sflag:$0x3] =	stream.indirect.gather [hbm4b:s5+s19], $0x10, s30, s19, $0xb8;
	[tilespmem:$0x1D690] =	vst v63  }
0xde: {  	_ =	swait.ge [sflag:s10], $0x2800  }
0xdf: {  	[sflag:s10] =	ssyncset.done $0x0  }
0xe0: {  	[sflag:s10] =	ssyncadd.s32 $0xFFFFD800  }
0xe1: {  	[spmem:s3] =	stream.indirect.scatter.add.f32 [tilespmem:s2], [sflag:$0x10], $0x10, s28, s19, $0xb8;
	[tilespmem:$0x1D690] =	vst v63  }
0xe2: {  	_ =	swait.ge [sflag:s11], $0x2800  }
0xe3: {  	[sflag:s11] =	ssyncset.done $0x0  }
0xe4: {  	s4 =	simm.s32 $0x2F80;
	s17 =	simm.s32 $0x5000;
	[sflag:s11] =	ssyncadd.s32 $0xFFFFD800  }
.LBB2_12:
0xe5: {  	[tilespmem:s6], [sflag:$0x4] =	stream.indirect.gather [hbm4b:s5+s19], $0x10, s4, s19, $0xb8;
	[tilespmem:$0x1D690] =	vst v63  }
0xe6: {  	s4 =	smov.u32 s17  }
0xe7: {  	p0 =	sne.s32 s17, $0xA000;
	s17 =	sadd.s32 $0x5000, s17;
	_ =	swait.ge [sflag:s26], $0x2800  }
0xe8: {  	[sflag:s26] =	ssyncset.done $0x0  }
0xe9: {  	[sflag:s26] =	ssyncadd.s32 $0xFFFFD800  }
0xea: {  	[spmem:s3] =	stream.indirect.scatter.add.f32 [tilespmem:s0], [sflag:$0x9], $0x10, s28, s19, $0xb8;
	[tilespmem:$0x1D690] =	vst v63  }
0xeb: {  	_ =	swait.ge [sflag:s14], $0x2800  }
0xec: {  	s30 =	simm.s32 $0x10400;
	s4 =	sshra.s32 s4, $0x2;
	[sflag:s14] =	ssyncset.done $0x0  }
0xed: {  	s25 =	simm.s32 $0xDC00;
	s6 =	sadd.s32 $0x1E00, s4;
	[sflag:s14] =	ssyncadd.s32 $0xFFFFD800  }
0xee: {  	[tilespmem:s30], [sflag:$0x5] =	stream.indirect.gather [hbm4b:s5+s19], $0x10, s6, s19, $0xb8;
	[tilespmem:$0x1D690] =	vst v63  }
0xef: {  	s30 =	simm.s32 $0x12C00  }
0xf0: {  	_ =	swait.ge [sflag:s31], $0x2800  }
0xf1: {  	[sflag:s31] =	ssyncset.done $0x0  }
0xf2: {  	[sflag:s31] =	ssyncadd.s32 $0xFFFFD800  }
0xf3: {  	[spmem:s3] =	stream.indirect.scatter.add.f32 [tilespmem:s20], [sflag:$0xA], $0x10, s28, s19, $0xb8;
	[tilespmem:$0x1D690] =	vst v63  }
0xf4: {  	_ =	swait.ge [sflag:s7], $0x2800  }
0xf5: {  	[sflag:s7] =	ssyncset.done $0x0  }
0xf6: {  	s6 =	sadd.s32 $0x2080, s4;
	[sflag:s7] =	ssyncadd.s32 $0xFFFFD800  }
0xf7: {  	[tilespmem:s30], [sflag:$0x6] =	stream.indirect.gather [hbm4b:s5+s19], $0x10, s6, s19, $0xb8;
	[tilespmem:$0x1D690] =	vst v63  }
0xf8: {  	_ =	swait.ge [sflag:s1], $0x2800  }
0xf9: {  	[sflag:s1] =	ssyncset.done $0x0  }
0xfa: {  	[sflag:s1] =	ssyncadd.s32 $0xFFFFD800  }
0xfb: {  	[spmem:s3] =	stream.indirect.scatter.add.f32 [tilespmem:s21], [sflag:$0xB], $0x10, s28, s19, $0xb8;
	[tilespmem:$0x1D690] =	vst v63  }
0xfc: {  	_ =	swait.ge [sflag:s18], $0x2800  }
0xfd: {  	[sflag:s18] =	ssyncset.done $0x0  }
0xfe: {  	s6 =	sadd.s32 $0x2300, s4;
	[sflag:s18] =	ssyncadd.s32 $0xFFFFD800  }
0xff: {  	[tilespmem:s22], [sflag:$0x7] =	stream.indirect.gather [hbm4b:s5+s19], $0x10, s6, s19, $0xb8;
	[tilespmem:$0x1D690] =	vst v63  }
0x100: {  	_ =	swait.ge [sflag:s24], $0x2800  }
0x101: {  	[sflag:s24] =	ssyncset.done $0x0  }
0x102: {  	[sflag:s24] =	ssyncadd.s32 $0xFFFFD800  }
0x103: {  	[spmem:s3] =	stream.indirect.scatter.add.f32 [tilespmem:s25], [sflag:$0xC], $0x10, s28, s19, $0xb8;
	[tilespmem:$0x1D690] =	vst v63  }
0x104: {  	s25 =	simm.s32 $0x10400  }
0x105: {  	_ =	swait.ge [sflag:s16], $0x2800  }
0x106: {  	[sflag:s16] =	ssyncset.done $0x0  }
0x107: {  	s6 =	sadd.s32 $0x2580, s4;
	[sflag:s16] =	ssyncadd.s32 $0xFFFFD800  }
0x108: {  	[tilespmem:s2], [sflag:$0x8] =	stream.indirect.gather [hbm4b:s5+s19], $0x10, s6, s19, $0xb8;
	[tilespmem:$0x1D690] =	vst v63  }
0x109: {  	_ =	swait.ge [sflag:s15], $0x2800  }
0x10a: {  	[sflag:s15] =	ssyncset.done $0x0  }
0x10b: {  	[sflag:s15] =	ssyncadd.s32 $0xFFFFD800  }
0x10c: {  	[spmem:s3] =	stream.indirect.scatter.add.f32 [tilespmem:s25], [sflag:$0xD], $0x10, s28, s19, $0xb8;
	[tilespmem:$0x1D690] =	vst v63  }
0x10d: {  	_ =	swait.ge [sflag:s29], $0x2800  }
0x10e: {  	[sflag:s29] =	ssyncset.done $0x0  }
0x10f: {  	s6 =	sadd.s32 $0x2800, s4;
	[sflag:s29] =	ssyncadd.s32 $0xFFFFD800  }
0x110: {  	[tilespmem:s0], [sflag:$0x1] =	stream.indirect.gather [hbm4b:s5+s19], $0x10, s6, s19, $0xb8;
	[tilespmem:$0x1D690] =	vst v63  }
0x111: {  	_ =	swait.ge [sflag:s12], $0x2800  }
0x112: {  	[sflag:s12] =	ssyncset.done $0x0  }
0x113: {  	[sflag:s12] =	ssyncadd.s32 $0xFFFFD800  }
0x114: {  	[spmem:s3] =	stream.indirect.scatter.add.f32 [tilespmem:s30], [sflag:$0xE], $0x10, s28, s19, $0xb8;
	[tilespmem:$0x1D690] =	vst v63  }
0x115: {  	_ =	swait.ge [sflag:s13], $0x2800  }
0x116: {  	[sflag:s13] =	ssyncset.done $0x0  }
0x117: {  	s6 =	sadd.s32 $0x2A80, s4;
	[sflag:s13] =	ssyncadd.s32 $0xFFFFD800  }
0x118: {  	[tilespmem:s20], [sflag:$0x2] =	stream.indirect.gather [hbm4b:s5+s19], $0x10, s6, s19, $0xb8;
	[tilespmem:$0x1D690] =	vst v63  }
0x119: {  	_ =	swait.ge [sflag:s8], $0x2800  }
0x11a: {  	[sflag:s8] =	ssyncset.done $0x0  }
0x11b: {  	[sflag:s8] =	ssyncadd.s32 $0xFFFFD800  }
0x11c: {  	[spmem:s3] =	stream.indirect.scatter.add.f32 [tilespmem:s22], [sflag:$0xF], $0x10, s28, s19, $0xb8;
	[tilespmem:$0x1D690] =	vst v63  }
0x11d: {  	_ =	swait.ge [sflag:s9], $0x2800  }
0x11e: {  	[sflag:s9] =	ssyncset.done $0x0  }
0x11f: {  	s6 =	sadd.s32 $0x2D00, s4;
	[sflag:s9] =	ssyncadd.s32 $0xFFFFD800  }
0x120: {  	[tilespmem:s21], [sflag:$0x3] =	stream.indirect.gather [hbm4b:s5+s19], $0x10, s6, s19, $0xb8;
	[tilespmem:$0x1D690] =	vst v63  }
0x121: {  	s6 =	simm.s32 $0xDC00  }
0x122: {  	_ =	swait.ge [sflag:s10], $0x2800  }
0x123: {  	[sflag:s10] =	ssyncset.done $0x0  }
.Ltmp5:
0x124: {  	[sflag:s10] =	ssyncadd.s32 $0xFFFFD800;
	(pc) =	sbr.rel @p0 .LBB2_12-.Ltmp5, $4  }
0x125: {  	[spmem:s3] =	stream.indirect.scatter.add.f32 [tilespmem:s2], [sflag:$0x10], $0x10, s28, s19, $0xb8;
	[tilespmem:$0x1D690] =	vst v63  }
0x126: {  	_ =	swait.ge [sflag:s11], $0x2800  }
0x127: {  	[sflag:s11] =	ssyncset.done $0x0  }
0x128: {  	s4 =	sadd.s32 $0x2F80, s4;
	[sflag:s11] =	ssyncadd.s32 $0xFFFFD800  }
0x129: {  	[tilespmem:s6], [sflag:$0x4] =	stream.indirect.gather [hbm4b:s5+s19], $0x10, s4, s19, $0xb8;
	[tilespmem:$0x1D690] =	vst v63  }
0x12a: {  	_ =	swait.ge [sflag:s26], $0x2800  }
0x12b: {  	[sflag:s26] =	ssyncset.done $0x0  }
0x12c: {  	[sflag:s26] =	ssyncadd.s32 $0xFFFFD800  }
0x12d: {  	[spmem:s3] =	stream.indirect.scatter.add.f32 [tilespmem:s0], [sflag:$0x9], $0x10, s28, s19, $0xb8;
	[tilespmem:$0x1D690] =	vst v63  }
0x12e: {  	_ =	swait.ge [sflag:s14], $0x2800  }
0x12f: {  	[sflag:s14] =	ssyncset.done $0x0  }
0x130: {  	s23 =	simm.s32 $0x5A00;
	[sflag:s14] =	ssyncadd.s32 $0xFFFFD800  }
0x131: {  	[tilespmem:s25], [sflag:$0x5] =	stream.indirect.gather [hbm4b:s5+s19], $0x10, s23, s19, $0xb8;
	[tilespmem:$0x1D690] =	vst v63  }
0x132: {  	_ =	swait.ge [sflag:s31], $0x2800  }
0x133: {  	[sflag:s31] =	ssyncset.done $0x0  }
0x134: {  	[sflag:s31] =	ssyncadd.s32 $0xFFFFD800  }
0x135: {  	[spmem:s3] =	stream.indirect.scatter.add.f32 [tilespmem:s20], [sflag:$0xA], $0x10, s28, s19, $0xb8;
	[tilespmem:$0x1D690] =	vst v63  }
0x136: {  	_ =	swait.ge [sflag:s7], $0x2800  }
0x137: {  	[sflag:s7] =	ssyncset.done $0x0  }
0x138: {  	s17 =	simm.s32 $0x5C80;
	[sflag:s7] =	ssyncadd.s32 $0xFFFFD800  }
0x139: {  	[tilespmem:s30], [sflag:$0x6] =	stream.indirect.gather [hbm4b:s5+s19], $0x10, s17, s19, $0xb8;
	[tilespmem:$0x1D690] =	vst v63  }
0x13a: {  	_ =	swait.ge [sflag:s1], $0x2800  }
0x13b: {  	[sflag:s1] =	ssyncset.done $0x0  }
0x13c: {  	[sflag:s1] =	ssyncadd.s32 $0xFFFFD800  }
0x13d: {  	[spmem:s3] =	stream.indirect.scatter.add.f32 [tilespmem:s21], [sflag:$0xB], $0x10, s28, s19, $0xb8;
	[tilespmem:$0x1D690] =	vst v63  }
0x13e: {  	_ =	swait.ge [sflag:s18], $0x2800  }
0x13f: {  	[sflag:s18] =	ssyncset.done $0x0  }
0x140: {  	s20 =	simm.s32 $0x5F00;
	[sflag:s18] =	ssyncadd.s32 $0xFFFFD800  }
0x141: {  	[tilespmem:s22], [sflag:$0x7] =	stream.indirect.gather [hbm4b:s5+s19], $0x10, s20, s19, $0xb8;
	[tilespmem:$0x1D690] =	vst v63  }
0x142: {  	_ =	swait.ge [sflag:s24], $0x2800  }
0x143: {  	[sflag:s24] =	ssyncset.done $0x0  }
0x144: {  	[sflag:s24] =	ssyncadd.s32 $0xFFFFD800  }
0x145: {  	[spmem:s3] =	stream.indirect.scatter.add.f32 [tilespmem:s6], [sflag:$0xC], $0x10, s28, s19, $0xb8;
	[tilespmem:$0x1D690] =	vst v63  }
0x146: {  	_ =	swait.ge [sflag:s16], $0x2800  }
0x147: {  	[sflag:s16] =	ssyncset.done $0x0  }
0x148: {  	s21 =	simm.s32 $0x6180;
	[sflag:s16] =	ssyncadd.s32 $0xFFFFD800  }
0x149: {  	[tilespmem:s2], [sflag:$0x8] =	stream.indirect.gather [hbm4b:s5+s19], $0x10, s21, s19, $0xb8;
	[tilespmem:$0x1D690] =	vst v63  }
0x14a: {  	_ =	swait.ge [sflag:s15], $0x2800  }
0x14b: {  	[sflag:s15] =	ssyncset.done $0x0  }
0x14c: {  	[sflag:s15] =	ssyncadd.s32 $0xFFFFD800  }
0x14d: {  	[spmem:s3] =	stream.indirect.scatter.add.f32 [tilespmem:s25], [sflag:$0xD], $0x10, s28, s19, $0xb8;
	[tilespmem:$0x1D690] =	vst v63  }
0x14e: {  	_ =	swait.ge [sflag:s12], $0x2800  }
0x14f: {  	[sflag:s12] =	ssyncset.done $0x0  }
0x150: {  	[sflag:s12] =	ssyncadd.s32 $0xFFFFD800  }
0x151: {  	[spmem:s3] =	stream.indirect.scatter.add.f32 [tilespmem:s30], [sflag:$0xE], $0x10, s28, s19, $0xb8;
	[tilespmem:$0x1D690] =	vst v63  }
0x152: {  	_ =	swait.ge [sflag:s8], $0x2800  }
0x153: {  	[sflag:s8] =	ssyncset.done $0x0  }
0x154: {  	[sflag:s8] =	ssyncadd.s32 $0xFFFFD800  }
0x155: {  	[spmem:s3] =	stream.indirect.scatter.add.f32 [tilespmem:s22], [sflag:$0xF], $0x10, s28, s19, $0xb8;
	[tilespmem:$0x1D690] =	vst v63  }
0x156: {  	_ =	swait.ge [sflag:s10], $0x2800  }
0x157: {  	[sflag:s10] =	ssyncset.done $0x0  }
0x158: {  	[sflag:s10] =	ssyncadd.s32 $0xFFFFD800  }
0x159: {  	[spmem:s3] =	stream.indirect.scatter.add.f32 [tilespmem:s2], [sflag:$0x10], $0x10, s28, s19, $0xb8;
	[tilespmem:$0x1D690] =	vst v63  }
0x15a: {  	_ =	swait.ge [sflag:s29], $0x2800  }
0x15b: {  	[sflag:s29] =	ssyncset.done $0x0  }
0x15c: {  	[sflag:s29] =	ssyncadd.s32 $0xFFFFD800  }
0x15d: {  	_ =	swait.ge [sflag:s13], $0x2800  }
0x15e: {  	[sflag:s13] =	ssyncset.done $0x0  }
0x15f: {  	[sflag:s13] =	ssyncadd.s32 $0xFFFFD800  }
0x160: {  	_ =	swait.ge [sflag:s9], $0x2800  }
0x161: {  	[sflag:s9] =	ssyncset.done $0x0  }
0x162: {  	[sflag:s9] =	ssyncadd.s32 $0xFFFFD800  }
0x163: {  	_ =	swait.ge [sflag:s11], $0x2800  }
0x164: {  	[sflag:s11] =	ssyncset.done $0x0  }
0x165: {  	[sflag:s11] =	ssyncadd.s32 $0xFFFFD800  }
0x166: {  	_ =	swait.ge [sflag:s14], $0x2800  }
0x167: {  	[sflag:s14] =	ssyncset.done $0x0  }
0x168: {  	[sflag:s14] =	ssyncadd.s32 $0xFFFFD800  }
0x169: {  	_ =	swait.ge [sflag:s7], $0x2800  }
0x16a: {  	[sflag:s7] =	ssyncset.done $0x0  }
0x16b: {  	[sflag:s7] =	ssyncadd.s32 $0xFFFFD800  }
0x16c: {  	_ =	swait.ge [sflag:s18], $0x2800  }
0x16d: {  	[sflag:s18] =	ssyncset.done $0x0  }
0x16e: {  	[sflag:s18] =	ssyncadd.s32 $0xFFFFD800  }
0x16f: {  	_ =	swait.ge [sflag:s16], $0x2800  }
0x170: {  	[sflag:s16] =	ssyncset.done $0x0  }
0x171: {  	s21 =	simm.s32 $0x12;
	s23 =	rddreg [dreg:$0x6];
	[sflag:s16] =	ssyncadd.s32 $0xFFFFD800  }
0x172: {  	[tilespmem:s0], [sflag:$0x12] =	stream.linear.gather [spmem:s23], $0x800, $0x38;
	[tilespmem:$0x1D690] =	vst v63  }
0x173: {  	_ =	swait.ge [sflag:s21], $0x800  }
0x174: {  	[sflag:s21] =	ssyncset.done $0x0  }
0x175: {  	s30 =	simm.s32 $0x6C00;
	s25 =	rddreg [dreg:$0x7];
	[sflag:s21] =	ssyncadd.s32 $0xFFFFF800  }
0x176: {  	[tilespmem:s30], [sflag:$0x12] =	stream.linear.gather [spmem:s25], $0x800, $0x38;
	[tilespmem:$0x1D690] =	vst v63  }
0x177: {  	_ =	swait.ge [sflag:s21], $0x800  }
0x178: {  	[sflag:s21] =	ssyncset.done $0x0  }
0x179: {  	s17 =	simm.s32 $0x7400;
	s6 =	rddreg [dreg:$0x8];
	[sflag:s21] =	ssyncadd.s32 $0xFFFFF800  }
0x17a: {  	[tilespmem:s17], [sflag:$0x12] =	stream.linear.gather [spmem:s6], $0x800, $0x38;
	[tilespmem:$0x1D690] =	vst v63  }
0x17b: {  	_ =	swait.ge [sflag:s21], $0x800  }
0x17c: {  	[sflag:s21] =	ssyncset.done $0x0  }
0x17d: {  	s23 =	simm.s32 $0x7C00;
	s20 =	rddreg [dreg:$0x9];
	[sflag:s21] =	ssyncadd.s32 $0xFFFFF800  }
0x17e: {  	[tilespmem:s23], [sflag:$0x12] =	stream.linear.gather [spmem:s20], $0x800, $0x38;
	[tilespmem:$0x1D690] =	vst v63  }
0x17f: {  	_ =	swait.ge [sflag:s21], $0x800  }
0x180: {  	[sflag:s21] =	ssyncset.done $0x0  }
0x181: {  	s30 =	simm.s32 $0x8400;
	s25 =	rddreg [dreg:$0xa];
	[sflag:s21] =	ssyncadd.s32 $0xFFFFF800  }
0x182: {  	[tilespmem:s30], [sflag:$0x12] =	stream.linear.gather [spmem:s25], $0x800, $0x38;
	[tilespmem:$0x1D690] =	vst v63  }
0x183: {  	_ =	swait.ge [sflag:s21], $0x800  }
0x184: {  	[sflag:s21] =	ssyncset.done $0x0  }
0x185: {  	s4 =	simm.s32 $0x0;
	[sflag:s21] =	ssyncadd.s32 $0xFFFFF800  }
0x186: {  	v2 =	vld [tilespmem:s4+$0x6400]  }
0x187: {  	v3 =	vld [tilespmem:s4+$0x6C00];
	_ =	sdelay $0x1  }
0x188: {  	v6 =	vld [tilespmem:s4+$0x7400]  }
0x189: {  	v7 =	vld [tilespmem:s4+$0x7C00]  }
0x18a: {  	s17 =	simm.s32 $0x10;
	v4 =	vld [tilespmem:s4+$0x8400]  }
0x18b: {  	v5 =	vld [tilespmem:s17+$0x6C00];
	v3 =	vadd.f32 v3, v2  }
0x18c: {  	v2 =	vld [tilespmem:s17+$0x6400]  }
0x18d: {  	v8 =	vadd.f32 v6, v3  }
0x18e: {  	v6 =	vld [tilespmem:s17+$0x7400]  }
0x18f: {  	s6 =	simm.s32 $0x80;
	v3 =	vld [tilespmem:s17+$0x8400];
	v7 =	vadd.f32 v7, v8  }
.LBB2_14:
0x190: {  	s20 =	sshra.s32 s6, $0x2;
	v8 =	vld [tilespmem:s17+$0x7C00];
	p0 =	sne.s32 s6, $0x1FC0  }
.Ltmp6:
0x191: {  	s6 =	sadd.s32 $0x40, s6;
	v9 =	vadd.f32 v5, v2;
	v2 =	vld [tilespmem:s20+$0x6400];
	v10 =	vadd.f32 v4, v7;
	(pc) =	sbr.rel @p0 .LBB2_14-.Ltmp6, $4  }
0x192: {  	v5 =	vld [tilespmem:s20+$0x6C00]  }
0x193: {  	v7 =	vadd.f32 v6, v9;
	[tilespmem:s4+$0x1A400] =	vst v10;
	s4 =	smov.u32 s17;
	s17 =	smov.u32 s20  }
0x194: {  	v6 =	vld [tilespmem:s17+$0x7400];
	v4 =	vmov v3  }
0x195: {  	v3 =	vld [tilespmem:s17+$0x8400];
	v7 =	vadd.f32 v8, v7  }
0x196: {  	v8 =	vld [tilespmem:s17+$0x7C00]  }
0x197: {  	v2 =	vadd.f32 v5, v2;
	_ =	sdelay $0x1  }
0x198: {  	v2 =	vadd.f32 v6, v2;
	_ =	sdelay $0x1  }
0x199: {  	v2 =	vadd.f32 v8, v2  }
0x19a: {  	v4 =	vadd.f32 v4, v7  }
0x19b: {  	v2 =	vadd.f32 v3, v2  }
0x19c: {  	[tilespmem:s4+$0x1A400] =	vst v4  }
0x19d: {  	s0 =	rddreg [dreg:$0xb];
	s20 =	simm.s32 $0x1A400;
	s25 =	simm.s32 $0x0;
	[tilespmem:s17+$0x1A400] =	vst v2  }
0x19e: {  	[hbm4b:s0+s25] =	stream.linear.scatter [tilespmem:s20], [sflag:$0x12], $0x800, $0x38;
	[tilespmem:$0x1D690] =	vst v63  }
0x19f: {  	_ =	swait.ge [sflag:s21], $0x800  }
0x1a0: {  	s23 =	rddreg [dreg:$0xe]  }
0x1a1: {  	s30 =	rddreg [dreg:$0xc];
	s4 =	sadd.s32 $0x1, s23  }
0x1a2: {  	p0 =	sne.s32 s4, s30  }
.Ltmp7:
0x1a3: {  	_ = 	snop;
	(pc) =	sbr.rel @p0 .LBB2_1-.Ltmp7, $3  }
0x1a4: {  	_ =	sdelay $0x1  }
0x1a5: {  	[sflag:s21] =	ssyncset.done $0x0  }
0x1a6: {  	[sflag:s21] =	ssyncadd.s32 $0xFFFFF800  }
0x1a7: {  	_ =	sfence.sel $0x180000  }
0x1a8: {  	[bflag:$0x0] =	sbarrier.arrive $0xFFFF  }
0x1a9: {  	_ =	strace $0x90000047  }
0x1aa: {  	s0 =	stileid.u32;
	[bflag:$0x2] =	sbarrier.arrive $0xFFFF  }
0x1ab: {  	p0 =	sne.s32 s0, $0x0;
	s0 =	rddreg [dreg:$0x4]  }
0x1ac: {  	s0 =	sadd.s32 @!p0 $0x100000, s0  }
0x1ad: {  	[sflag:s0] =	ssyncadd.tile.s32 @!p0 $0x1;
	_ =	shalt  }
.Lfunc_end2:
_tile_overlayer_lowered:
.L_overlay_start_2:
0x1ae: {  	(tag) =	ssettag $0x2  }
0x1af: {  	s0 =	rddreg [dreg:$0x0];
	s2 =	stileid.u32  }
0x1b0: {  	s1 =	rddreg [dreg:$0x1];
	p0 =	sne.s32 s2, $0x0  }
0x1b1: {  	s3 =	rddreg [dreg:$0x2];
	[bflag:$0x3] =	sbarrier.arrive $0xFFFF;
	s2 =	simm.s32 @!p0 $0x1C12  }
0x1b2: {  	[timem:s3], [sflag:s2] =	dma.local @!p0 [hbm:s0], s1  }
0x1b3: {  	s0 =	simm.s32 @!p0 $0x12  }
0x1b4: {  	_ =	swait.ge @!p0 [sflag:s0], s1  }
0x1b5: {  	s1 =	ssub.s32 @!p0 $0x0, s1;
	[sflag:s0] =	ssyncset.done @!p0 $0x0  }
0x1b6: {  	[sflag:s0] =	ssyncadd.s32 @!p0 s1  }
0x1b7: {  	[bflag:$0x3] =	sbarrier.arrive $0xFFFF  }
0x1b8: {  	_ =	shalt  }

</sc_bundles>
